<compile_context>
chip_gen: v7x
topology: tpu7x:2x2x1
jax: 0.10.2.dev20260603
libtpu: 0.0.44.dev20260713+nightly
codegen_flags: <defaults>
</compile_context>

<pallas_src>
import functools

import jax
import jax.numpy as jnp
from jax import lax
from jax.experimental import pallas as pl
from jax.experimental.pallas import tpu as pltpu
from jax.experimental.pallas import tpu_sc as plsc

L = 16
NC = 2
NS = 16
NW = NC * NS

_CP = pltpu.CompilerParams(needs_layout_passes=False)


def _make_fused(N, B, T, C, K):
    mesh = plsc.VectorSubcoreMesh(core_axis_name="c", subcore_axis_name="s")
    V = C // L
    NBUF = 4

    @functools.partial(
        pl.kernel,
        out_type=(
            jax.ShapeDtypeStruct((N,), jnp.float32),
            jax.ShapeDtypeStruct((B,), jnp.float32),
            jax.ShapeDtypeStruct((NC * B,), jnp.float32),
            jax.ShapeDtypeStruct((NC * B,), jnp.float32),
        ),
        mesh=mesh,
        compiler_params=_CP,
        scratch_types=[
            *[pltpu.VMEM((C,), jnp.float32) for _ in range(NBUF)],
            *[pltpu.VMEM((C,), jnp.int32) for _ in range(NBUF)],
            pltpu.VMEM((B,), jnp.float32),
            pltpu.VMEM((B,), jnp.float32),
            pltpu.VMEM((B,), jnp.int32),
            pltpu.VMEM_SHARED((B,), jnp.float32),
            pltpu.VMEM_SHARED((B,), jnp.float32),
            pltpu.VMEM((NC * B,), jnp.float32),
            pltpu.VMEM((NC * B,), jnp.float32),
            pltpu.VMEM((B,), jnp.float32),
            pltpu.VMEM((B,), jnp.float32),
            pltpu.VMEM((B,), jnp.float32),
            *[pltpu.SemaphoreType.DMA for _ in range(NBUF)],
            pltpu.SemaphoreType.DMA,
            pltpu.SemaphoreType.REGULAR,
        ],
    )
    def fused(qa_hbm, seg_hbm, q_hbm, out_hbm, rawq_hbm, psum_hbm, pcnt_hbm,
              *refs):
        qa_bufs = refs[0:NBUF]
        seg_bufs = refs[NBUF:2 * NBUF]
        (acc_s, acc_c, idx, sh_s, sh_c,
         ps, pc, qv, corr, raw) = refs[2 * NBUF:2 * NBUF + 10]
        sems = refs[2 * NBUF + 10:2 * NBUF + 10 + NBUF]
        semp = refs[2 * NBUF + 10 + NBUF]
        xsem = refs[2 * NBUF + 10 + NBUF + 1]

        cid = lax.axis_index("c")
        sid = lax.axis_index("s")
        wid = cid * NS + sid
        base = wid * T

        zz = jnp.zeros((L,), jnp.float32)
        lane = lax.iota(jnp.int32, L)

        @plsc.parallel_loop(0, B // L, unroll=4)
        def _zero(j):
            acc_s[pl.ds(j * L, L)] = zz
            acc_c[pl.ds(j * L, L)] = zz
            idx[pl.ds(j * L, L)] = lane + j * L

        @pl.when(sid == 0)
        def _():
            pltpu.sync_copy(acc_s, sh_s)
            pltpu.sync_copy(acc_c, sh_c)

        def start(k):
            b = k % NBUF
            return (
                pltpu.async_copy(qa_hbm.at[pl.ds(base + k * C, C)],
                                 qa_bufs[b], sems[b]),
                pltpu.async_copy(seg_hbm.at[pl.ds(base + k * C, C)],
                                 seg_bufs[b], sems[b]),
            )

        descs = [None] * K
        for k in range(min(NBUF, K)):
            descs[k] = start(k)
        descs[0][0].wait()
        descs[0][1].wait()

        cur0 = seg_bufs[0][pl.ds(0, L)]
        carry = (jnp.zeros((L,), jnp.float32),
                 jnp.zeros((L,), jnp.float32),
                 cur0)

        for k in range(K):
            b = k % NBUF
            if k > 0:
                descs[k][0].wait()
                descs[k][1].wait()
            qa_r = qa_bufs[b]
            seg_r = seg_bufs[b]

            def step(i, c, qa_r=qa_r, seg_r=seg_r):
                run_s, run_c, cur = c
                sl = pl.ds(i * L, L)
                qa = qa_r[sl]
                seg = seg_r[sl]
                changed = seg != cur
                plsc.addupdate_scatter(acc_s, [cur], run_s, mask=changed)
                plsc.addupdate_scatter(acc_c, [cur], run_c, mask=changed)
                run_s = jnp.where(changed, qa, run_s + qa)
                run_c = jnp.where(changed, jnp.full((L,), 1.0, jnp.float32),
                                  run_c + 1.0)
                return run_s, run_c, seg

            carry = plsc.parallel_loop(0, V, unroll=1, carry=carry)(step)
            if k + NBUF < K:
                descs[k + NBUF] = start(k + NBUF)

        run_s, run_c, cur = carry
        plsc.addupdate_scatter(acc_s, [cur], run_s)
        plsc.addupdate_scatter(acc_c, [cur], run_c)

        def start2(k):
            b = k % 2
            return (
                pltpu.async_copy(qa_hbm.at[pl.ds(base + k * C, C)],
                                 qa_bufs[b], sems[b]),
                pltpu.async_copy(seg_hbm.at[pl.ds(base + k * C, C)],
                                 seg_bufs[b], sems[b]),
            )

        in_descs = [None] * K
        in_descs[0] = start2(0)
        if K > 1:
            in_descs[1] = start2(1)
        d3 = pltpu.async_copy(q_hbm, qv, semp)

        plsc.subcore_barrier()
        pltpu.sync_copy(acc_s, sh_s.at[idx], add=True)
        pltpu.sync_copy(acc_c, sh_c.at[idx], add=True)
        plsc.subcore_barrier()

        @pl.when(sid == 0)
        def _():
            pltpu.sync_copy(sh_s, psum_hbm.at[pl.ds(cid * B, B)])
            pltpu.sync_copy(sh_c, pcnt_hbm.at[pl.ds(cid * B, B)])

        plsc.subcore_barrier()
        pltpu.semaphore_signal(xsem, 1, core_index=1 - cid)
        pl.semaphore_wait(xsem, 1)

        d1 = pltpu.async_copy(psum_hbm, ps, semp)
        d2 = pltpu.async_copy(pcnt_hbm, pc, semp)
        d1.wait()
        d2.wait()
        d3.wait()

        @plsc.parallel_loop(0, B // L, unroll=4)
        def _comb(j):
            s = jnp.zeros((L,), jnp.float32)
            n = jnp.zeros((L,), jnp.float32)
            for t in range(NC):
                s = s + ps[pl.ds(j * L + t * B, L)]
                n = n + pc[pl.ds(j * L + t * B, L)]
            sl = pl.ds(j * L, L)
            corr[sl] = (qv[sl] - s) / n
            raw[sl] = s

        out_bufs = (qa_bufs[2], qa_bufs[3])
        osems = (sems[2], sems[3])
        out_descs = [None] * K
        for k in range(K):
            b = k % 2
            in_descs[k][0].wait()
            in_descs[k][1].wait()
            if k >= 2:
                out_descs[k - 2].wait()
            qa_r = qa_bufs[b]
            seg_r = seg_bufs[b]
            ob = out_bufs[b]

            @plsc.parallel_loop(0, V, unroll=4)
            def _apply(i, qa_r=qa_r, seg_r=seg_r, ob=ob):
                sl = pl.ds(i * L, L)
                seg = seg_r[sl]
                qa = qa_r[sl]
                c = plsc.load_gather(corr, [seg])
                ob[sl] = qa + c

            out_descs[k] = pltpu.async_copy(
                ob, out_hbm.at[pl.ds(base + k * C, C)], osems[b])
            if k + 2 < K:
                in_descs[k + 2] = start2(k + 2)

        if K >= 2:
            out_descs[K - 2].wait()
        out_descs[K - 1].wait()

        @pl.when(wid == 0)
        def _():
            pltpu.sync_copy(raw, rawq_hbm)

    return fused


def kernel(Za, Qa, Q, batch_seg):
    del Za
    N = Qa.shape[0]
    B = Q.shape[0]
    assert N % NW == 0
    T = N // NW

    C = 10000
    assert T % C == 0 and C % L == 0

    qa = Qa.astype(jnp.float32)
    seg = batch_seg.astype(jnp.int32)
    q = Q.astype(jnp.float32)

    out, raw_q, _, _ = _make_fused(N, B, T, C, T // C)(qa, seg, q)
    return (out, raw_q)

# --- scband reference (transcript-rebuilt; emitter-appended) ---
"""Pipeline reference for scband-charge-conservation-layer-59992103190614 (READ-ONLY COPY).

The authoritative reference and input builder live on the scoring server;
editing this copy changes nothing except your own understanding.
"""

import jax, jax.numpy as jnp
import numpy as np

N_ATOMS = 3200000
N_BATCH = 1024


def setup_inputs(seed: int = 0) -> dict:
    key = jax.random.key(seed)
    k1, k2, k3, k4 = jax.random.split(key, 4)
    Za = jax.random.randint(k1, (N_ATOMS,), 0, 100, dtype=jnp.int32)
    Qa = jax.random.normal(k2, (N_ATOMS,), dtype=jnp.float32) * 0.1
    Q = jax.random.normal(k3, (N_BATCH,), dtype=jnp.float32)
    batch_seg = jnp.sort(jax.random.randint(k4, (N_ATOMS,), 0, N_BATCH, dtype=jnp.int32))
    return {"Za": Za, "Qa": Qa, "Q": Q, "batch_seg": batch_seg}


def reference(Za, Qa, Q, batch_seg):
    # q_corrected_i = q_i - 1/N_b * (sum_{j in b} q_j - Q_b)
    B = Q.shape[0]
    ones = jnp.ones_like(batch_seg).astype(Qa.dtype)
    N_per_batch = jax.ops.segment_sum(ones, batch_seg, num_segments=B)
    raw_Q = jax.ops.segment_sum(Qa, batch_seg, num_segments=B)
    correction = (Q - raw_Q) / N_per_batch            # [B]
    Qa_corrected = Qa + jnp.take(correction, batch_seg, axis=0)  # gather back to atoms
    return (Qa_corrected, raw_Q)

if __name__ == "__main__":
    import jax
    _d = setup_inputs()
    print(jax.jit(kernel)(*tuple(_d.values())))

</pallas_src>

<mosaic_0001>
#map = affine_map<(d0, d1) -> (0)>
module attributes {stable_mosaic.version = 14 : i64} {
  func.func @fused(%arg0: i32, %arg1: i32, %arg2: memref<3200000xf32, #tpu.memory_space<hbm>>, %arg3: memref<3200000xi32, #tpu.memory_space<hbm>>, %arg4: memref<1024xf32, #tpu.memory_space<hbm>>, %arg5: memref<3200000xf32, #tpu.memory_space<hbm>>, %arg6: memref<1024xf32, #tpu.memory_space<hbm>>, %arg7: memref<2048xf32, #tpu.memory_space<hbm>>, %arg8: memref<2048xf32, #tpu.memory_space<hbm>>, %arg9: memref<10000xf32, #tpu.memory_space<vmem>>, %arg10: memref<10000xf32, #tpu.memory_space<vmem>>, %arg11: memref<10000xf32, #tpu.memory_space<vmem>>, %arg12: memref<10000xf32, #tpu.memory_space<vmem>>, %arg13: memref<10000xi32, #tpu.memory_space<vmem>>, %arg14: memref<10000xi32, #tpu.memory_space<vmem>>, %arg15: memref<10000xi32, #tpu.memory_space<vmem>>, %arg16: memref<10000xi32, #tpu.memory_space<vmem>>, %arg17: memref<1024xf32, #tpu.memory_space<vmem>>, %arg18: memref<1024xf32, #tpu.memory_space<vmem>>, %arg19: memref<1024xi32, #tpu.memory_space<vmem>>, %arg20: memref<1024xf32, #tpu.memory_space<vmem_shared>>, %arg21: memref<1024xf32, #tpu.memory_space<vmem_shared>>, %arg22: memref<2048xf32, #tpu.memory_space<vmem>>, %arg23: memref<2048xf32, #tpu.memory_space<vmem>>, %arg24: memref<1024xf32, #tpu.memory_space<vmem>>, %arg25: memref<1024xf32, #tpu.memory_space<vmem>>, %arg26: memref<1024xf32, #tpu.memory_space<vmem>>, %arg27: memref<!tpu.dma_semaphore, #tpu.memory_space<semaphore_mem>>, %arg28: memref<!tpu.dma_semaphore, #tpu.memory_space<semaphore_mem>>, %arg29: memref<!tpu.dma_semaphore, #tpu.memory_space<semaphore_mem>>, %arg30: memref<!tpu.dma_semaphore, #tpu.memory_space<semaphore_mem>>, %arg31: memref<!tpu.dma_semaphore, #tpu.memory_space<semaphore_mem>>, %arg32: memref<!tpu.semaphore, #tpu.memory_space<semaphore_mem>>) attributes {dimension_semantics = [#tpu.dimension_semantics<core_parallel>, #tpu.dimension_semantics<subcore_parallel>], iteration_bounds = array<i64: 2, 16>, scalar_prefetch = 0 : i64, scratch_operands = 24 : i64, tpu.core_type = #tpu.core_type<sc_vector_subcore>, window_params = [{transform_indices = #map}, {transform_indices = #map}, {transform_indices = #map}, {transform_indices = #map}, {transform_indices = #map}, {transform_indices = #map}, {transform_indices = #map}]} {
    %mul3A = arith.constant 16 : i32
    %mul3A_0 = arith.muli %arg0, %mul3A : i32
    %add3A = arith.addi %mul3A_0, %arg1 : i32
    %mul3A_1 = arith.constant 100000 : i32
    %mul3A_2 = arith.muli %add3A, %mul3A_1 : i32
    %broadcast_in_dim3A = arith.constant 0.000000e+00 : f32
    %broadcast_in_dim3A_3 = vector.broadcast %broadcast_in_dim3A : f32 to vector<16xf32>
    %iota3A = tpu.iota {dimensions = array<i32: 0>} : vector<16xi32>
    %parallel_loop3A = arith.constant 0 : i32
    %parallel_loop3A_4 = arith.constant 64 : i32
    %parallel_loop3A_5 = arith.constant 1 : i32
    scf.for %parallel_loop3A_398 = %parallel_loop3A to %parallel_loop3A_4 step %parallel_loop3A_5  : i32 {
      %parallel_loop3A_399 = arith.constant 16 : i32
      %parallel_loop3A_400 = arith.muli %parallel_loop3A_398, %parallel_loop3A_399 : i32
      %parallel_loop3A_401 = arith.index_cast %parallel_loop3A_400 : i32 to index
      %parallel_loop3A_402 = tpu.vector_load %arg17[%parallel_loop3A_401] {strides = array<i32>} : memref<1024xf32, #tpu.memory_space<vmem>>, vector<16xf32>,
      tpu.vector_store %arg17[%parallel_loop3A_401], %broadcast_in_dim3A_3 {strides = array<i32>} : memref<1024xf32, #tpu.memory_space<vmem>>, vector<16xf32>,
      %parallel_loop3A_403 = arith.constant 16 : i32
      %parallel_loop3A_404 = arith.muli %parallel_loop3A_398, %parallel_loop3A_403 : i32
      %parallel_loop3A_405 = arith.index_cast %parallel_loop3A_404 : i32 to index
      %parallel_loop3A_406 = tpu.vector_load %arg18[%parallel_loop3A_405] {strides = array<i32>} : memref<1024xf32, #tpu.memory_space<vmem>>, vector<16xf32>,
      tpu.vector_store %arg18[%parallel_loop3A_405], %broadcast_in_dim3A_3 {strides = array<i32>} : memref<1024xf32, #tpu.memory_space<vmem>>, vector<16xf32>,
      %parallel_loop3A_407 = arith.constant 16 : i32
      %parallel_loop3A_408 = arith.muli %parallel_loop3A_398, %parallel_loop3A_407 : i32
      %parallel_loop3A_409 = vector.broadcast %parallel_loop3A_408 : i32 to vector<16xi32>
      %parallel_loop3A_410 = arith.addi %iota3A, %parallel_loop3A_409 : vector<16xi32>
      %parallel_loop3A_411 = arith.constant 16 : i32
      %parallel_loop3A_412 = arith.muli %parallel_loop3A_398, %parallel_loop3A_411 : i32
      %parallel_loop3A_413 = arith.index_cast %parallel_loop3A_412 : i32 to index
      %parallel_loop3A_414 = tpu.vector_load %arg19[%parallel_loop3A_413] {strides = array<i32>} : memref<1024xi32, #tpu.memory_space<vmem>>, vector<16xi32>,
      tpu.vector_store %arg19[%parallel_loop3A_413], %parallel_loop3A_410 {strides = array<i32>} : memref<1024xi32, #tpu.memory_space<vmem>>, vector<16xi32>,
    } {sc.loop_unroll_factor = 4 : i64, sc.parallel_access}
    %eq3A = arith.constant 0 : i32
    %eq3A_6 = arith.cmpi eq, %arg1, %eq3A : i32
    %convert_element_type3A = arith.extui %eq3A_6 : i1 to i32
    %cond3A = arith.constant 0 : i32
    %cond3A_7 = arith.cmpi ne, %convert_element_type3A, %cond3A : i32
    scf.if %cond3A_7 {
      "tpu.region"() ({
        %run_scoped3A = tpu.sem_alloc : memref<!tpu.dma_semaphore, #tpu.memory_space<semaphore_mem>>
        tpu.enqueue_dma source(%arg17 : memref<1024xf32, #tpu.memory_space<vmem>>) target(%arg20 : memref<1024xf32, #tpu.memory_space<vmem_shared>>) target_semaphore(%run_scoped3A : memref<!tpu.dma_semaphore, #tpu.memory_space<semaphore_mem>>)
        tpu.wait_dma2 semaphore(%run_scoped3A : memref<!tpu.dma_semaphore, #tpu.memory_space<semaphore_mem>>) src(%arg17 : memref<1024xf32, #tpu.memory_space<vmem>>) dst(%arg20 : memref<1024xf32, #tpu.memory_space<vmem_shared>>)
        tpu.yield
      }) : () -> ()
      "tpu.region"() ({
        %run_scoped3A = tpu.sem_alloc : memref<!tpu.dma_semaphore, #tpu.memory_space<semaphore_mem>>
        tpu.enqueue_dma source(%arg18 : memref<1024xf32, #tpu.memory_space<vmem>>) target(%arg21 : memref<1024xf32, #tpu.memory_space<vmem_shared>>) target_semaphore(%run_scoped3A : memref<!tpu.dma_semaphore, #tpu.memory_space<semaphore_mem>>)
        tpu.wait_dma2 semaphore(%run_scoped3A : memref<!tpu.dma_semaphore, #tpu.memory_space<semaphore_mem>>) src(%arg18 : memref<1024xf32, #tpu.memory_space<vmem>>) dst(%arg21 : memref<1024xf32, #tpu.memory_space<vmem_shared>>)
        tpu.yield
      }) : () -> ()
    } else {
    }
    %add3A_8 = arith.constant 0 : i32
    %add3A_9 = arith.addi %mul3A_2, %add3A_8 : i32
    %dma_start3A = tpu.memref_slice %arg2[%add3A_9] : memref<3200000xf32, #tpu.memory_space<hbm>> -> memref<10000xf32, #tpu.memory_space<hbm>>
    %dma_start3A_10 = tpu.memref_slice %arg2[%add3A_9] : memref<3200000xf32, #tpu.memory_space<hbm>> -> memref<10000xf32, #tpu.memory_space<hbm>>
    tpu.enqueue_dma source(%dma_start3A_10 : memref<10000xf32, #tpu.memory_space<hbm>>) target(%arg9 : memref<10000xf32, #tpu.memory_space<vmem>>) target_semaphore(%arg27 : memref<!tpu.dma_semaphore, #tpu.memory_space<semaphore_mem>>)
    %add3A_11 = arith.constant 0 : i32
    %add3A_12 = arith.addi %mul3A_2, %add3A_11 : i32
    %dma_start3A_13 = tpu.memref_slice %arg3[%add3A_12] : memref<3200000xi32, #tpu.memory_space<hbm>> -> memref<10000xi32, #tpu.memory_space<hbm>>
    %dma_start3A_14 = tpu.memref_slice %arg3[%add3A_12] : memref<3200000xi32, #tpu.memory_space<hbm>> -> memref<10000xi32, #tpu.memory_space<hbm>>
    tpu.enqueue_dma source(%dma_start3A_14 : memref<10000xi32, #tpu.memory_space<hbm>>) target(%arg13 : memref<10000xi32, #tpu.memory_space<vmem>>) target_semaphore(%arg27 : memref<!tpu.dma_semaphore, #tpu.memory_space<semaphore_mem>>)
    %add3A_15 = arith.constant 10000 : i32
    %add3A_16 = arith.addi %mul3A_2, %add3A_15 : i32
    %dma_start3A_17 = tpu.memref_slice %arg2[%add3A_16] : memref<3200000xf32, #tpu.memory_space<hbm>> -> memref<10000xf32, #tpu.memory_space<hbm>>
    %dma_start3A_18 = tpu.memref_slice %arg2[%add3A_16] : memref<3200000xf32, #tpu.memory_space<hbm>> -> memref<10000xf32, #tpu.memory_space<hbm>>
    tpu.enqueue_dma source(%dma_start3A_18 : memref<10000xf32, #tpu.memory_space<hbm>>) target(%arg10 : memref<10000xf32, #tpu.memory_space<vmem>>) target_semaphore(%arg28 : memref<!tpu.dma_semaphore, #tpu.memory_space<semaphore_mem>>)
    %add3A_19 = arith.constant 10000 : i32
    %add3A_20 = arith.addi %mul3A_2, %add3A_19 : i32
    %dma_start3A_21 = tpu.memref_slice %arg3[%add3A_20] : memref<3200000xi32, #tpu.memory_space<hbm>> -> memref<10000xi32, #tpu.memory_space<hbm>>
    %dma_start3A_22 = tpu.memref_slice %arg3[%add3A_20] : memref<3200000xi32, #tpu.memory_space<hbm>> -> memref<10000xi32, #tpu.memory_space<hbm>>
    tpu.enqueue_dma source(%dma_start3A_22 : memref<10000xi32, #tpu.memory_space<hbm>>) target(%arg14 : memref<10000xi32, #tpu.memory_space<vmem>>) target_semaphore(%arg28 : memref<!tpu.dma_semaphore, #tpu.memory_space<semaphore_mem>>)
    %add3A_23 = arith.constant 20000 : i32
    %add3A_24 = arith.addi %mul3A_2, %add3A_23 : i32
    %dma_start3A_25 = tpu.memref_slice %arg2[%add3A_24] : memref<3200000xf32, #tpu.memory_space<hbm>> -> memref<10000xf32, #tpu.memory_space<hbm>>
    %dma_start3A_26 = tpu.memref_slice %arg2[%add3A_24] : memref<3200000xf32, #tpu.memory_space<hbm>> -> memref<10000xf32, #tpu.memory_space<hbm>>
    tpu.enqueue_dma source(%dma_start3A_26 : memref<10000xf32, #tpu.memory_space<hbm>>) target(%arg11 : memref<10000xf32, #tpu.memory_space<vmem>>) target_semaphore(%arg29 : memref<!tpu.dma_semaphore, #tpu.memory_space<semaphore_mem>>)
    %add3A_27 = arith.constant 20000 : i32
    %add3A_28 = arith.addi %mul3A_2, %add3A_27 : i32
    %dma_start3A_29 = tpu.memref_slice %arg3[%add3A_28] : memref<3200000xi32, #tpu.memory_space<hbm>> -> memref<10000xi32, #tpu.memory_space<hbm>>
    %dma_start3A_30 = tpu.memref_slice %arg3[%add3A_28] : memref<3200000xi32, #tpu.memory_space<hbm>> -> memref<10000xi32, #tpu.memory_space<hbm>>
    tpu.enqueue_dma source(%dma_start3A_30 : memref<10000xi32, #tpu.memory_space<hbm>>) target(%arg15 : memref<10000xi32, #tpu.memory_space<vmem>>) target_semaphore(%arg29 : memref<!tpu.dma_semaphore, #tpu.memory_space<semaphore_mem>>)
    %add3A_31 = arith.constant 30000 : i32
    %add3A_32 = arith.addi %mul3A_2, %add3A_31 : i32
    %dma_start3A_33 = tpu.memref_slice %arg2[%add3A_32] : memref<3200000xf32, #tpu.memory_space<hbm>> -> memref<10000xf32, #tpu.memory_space<hbm>>
    %dma_start3A_34 = tpu.memref_slice %arg2[%add3A_32] : memref<3200000xf32, #tpu.memory_space<hbm>> -> memref<10000xf32, #tpu.memory_space<hbm>>
    tpu.enqueue_dma source(%dma_start3A_34 : memref<10000xf32, #tpu.memory_space<hbm>>) target(%arg12 : memref<10000xf32, #tpu.memory_space<vmem>>) target_semaphore(%arg30 : memref<!tpu.dma_semaphore, #tpu.memory_space<semaphore_mem>>)
    %add3A_35 = arith.constant 30000 : i32
    %add3A_36 = arith.addi %mul3A_2, %add3A_35 : i32
    %dma_start3A_37 = tpu.memref_slice %arg3[%add3A_36] : memref<3200000xi32, #tpu.memory_space<hbm>> -> memref<10000xi32, #tpu.memory_space<hbm>>
    %dma_start3A_38 = tpu.memref_slice %arg3[%add3A_36] : memref<3200000xi32, #tpu.memory_space<hbm>> -> memref<10000xi32, #tpu.memory_space<hbm>>
    tpu.enqueue_dma source(%dma_start3A_38 : memref<10000xi32, #tpu.memory_space<hbm>>) target(%arg16 : memref<10000xi32, #tpu.memory_space<vmem>>) target_semaphore(%arg30 : memref<!tpu.dma_semaphore, #tpu.memory_space<semaphore_mem>>)
    %dma_wait3A = tpu.memref_slice %arg2[%add3A_9] : memref<3200000xf32, #tpu.memory_space<hbm>> -> memref<10000xf32, #tpu.memory_space<hbm>>
    %dma_wait3A_39 = tpu.memref_slice %arg2[%add3A_9] : memref<3200000xf32, #tpu.memory_space<hbm>> -> memref<10000xf32, #tpu.memory_space<hbm>>
    tpu.wait_dma2 semaphore(%arg27 : memref<!tpu.dma_semaphore, #tpu.memory_space<semaphore_mem>>) src(%dma_wait3A_39 : memref<10000xf32, #tpu.memory_space<hbm>>) dst(%arg9 : memref<10000xf32, #tpu.memory_space<vmem>>)
    %dma_wait3A_40 = tpu.memref_slice %arg3[%add3A_12] : memref<3200000xi32, #tpu.memory_space<hbm>> -> memref<10000xi32, #tpu.memory_space<hbm>>
    %dma_wait3A_41 = tpu.memref_slice %arg3[%add3A_12] : memref<3200000xi32, #tpu.memory_space<hbm>> -> memref<10000xi32, #tpu.memory_space<hbm>>
    tpu.wait_dma2 semaphore(%arg27 : memref<!tpu.dma_semaphore, #tpu.memory_space<semaphore_mem>>) src(%dma_wait3A_41 : memref<10000xi32, #tpu.memory_space<hbm>>) dst(%arg13 : memref<10000xi32, #tpu.memory_space<vmem>>)
    %get3A = arith.constant 0 : index
    %get3A_42 = tpu.vector_load %arg13[%get3A] {strides = array<i32>} : memref<10000xi32, #tpu.memory_space<vmem>>, vector<16xi32>,
    %broadcast_in_dim3A_43 = arith.constant 0.000000e+00 : f32
    %broadcast_in_dim3A_44 = vector.broadcast %broadcast_in_dim3A_43 : f32 to vector<16xf32>
    %broadcast_in_dim3A_45 = arith.constant 0.000000e+00 : f32
    %broadcast_in_dim3A_46 = vector.broadcast %broadcast_in_dim3A_45 : f32 to vector<16xf32>
    %parallel_loop3A_47 = arith.constant 0 : i32
    %parallel_loop3A_48 = arith.constant 625 : i32
    %parallel_loop3A_49 = arith.constant 1 : i32
    %parallel_loop3A_50:3 = scf.for %parallel_loop3A_398 = %parallel_loop3A_47 to %parallel_loop3A_48 step %parallel_loop3A_49 iter_args(%parallel_loop3A_399 = %broadcast_in_dim3A_44, %parallel_loop3A_400 = %broadcast_in_dim3A_46, %parallel_loop3A_401 = %get3A_42) -> (vector<16xf32>, vector<16xf32>, vector<16xi32>)  : i32 {
      %parallel_loop3A_402 = arith.constant 16 : i32
      %parallel_loop3A_403 = arith.muli %parallel_loop3A_398, %parallel_loop3A_402 : i32
      %parallel_loop3A_404 = arith.index_cast %parallel_loop3A_403 : i32 to index
      %parallel_loop3A_405 = tpu.vector_load %arg9[%parallel_loop3A_404] {strides = array<i32>} : memref<10000xf32, #tpu.memory_space<vmem>>, vector<16xf32>,
      %parallel_loop3A_406 = arith.index_cast %parallel_loop3A_403 : i32 to index
      %parallel_loop3A_407 = tpu.vector_load %arg13[%parallel_loop3A_406] {strides = array<i32>} : memref<10000xi32, #tpu.memory_space<vmem>>, vector<16xi32>,
      %parallel_loop3A_408 = arith.cmpi ne, %parallel_loop3A_407, %parallel_loop3A_401 : vector<16xi32>
      tpu.vector_store_idx %arg17[%parallel_loop3A_401], %parallel_loop3A_399 masked %parallel_loop3A_408 {add = true} : memref<1024xf32, #tpu.memory_space<vmem>>[vector<16xi32>], vector<16xf32>, vector<16xi1>
      tpu.vector_store_idx %arg18[%parallel_loop3A_401], %parallel_loop3A_400 masked %parallel_loop3A_408 {add = true} : memref<1024xf32, #tpu.memory_space<vmem>>[vector<16xi32>], vector<16xf32>, vector<16xi1>
      %parallel_loop3A_409 = arith.addf %parallel_loop3A_399, %parallel_loop3A_405 : vector<16xf32>
      %parallel_loop3A_410 = arith.select %parallel_loop3A_408, %parallel_loop3A_405, %parallel_loop3A_409 : vector<16xi1>, vector<16xf32>
      %parallel_loop3A_411 = arith.constant 1.000000e+00 : f32
      %parallel_loop3A_412 = vector.broadcast %parallel_loop3A_411 : f32 to vector<16xf32>
      %parallel_loop3A_413 = arith.constant 1.000000e+00 : f32
      %parallel_loop3A_414 = vector.broadcast %parallel_loop3A_413 : f32 to vector<16xf32>
      %parallel_loop3A_415 = arith.addf %parallel_loop3A_400, %parallel_loop3A_414 : vector<16xf32>
      %parallel_loop3A_416 = arith.select %parallel_loop3A_408, %parallel_loop3A_412, %parallel_loop3A_415 : vector<16xi1>, vector<16xf32>
      scf.yield %parallel_loop3A_410, %parallel_loop3A_416, %parallel_loop3A_407 : vector<16xf32>, vector<16xf32>, vector<16xi32>
    } {sc.loop_unroll_factor = 1 : i64, sc.parallel_access}
    %add3A_51 = arith.constant 40000 : i32
    %add3A_52 = arith.addi %mul3A_2, %add3A_51 : i32
    %dma_start3A_53 = tpu.memref_slice %arg2[%add3A_52] : memref<3200000xf32, #tpu.memory_space<hbm>> -> memref<10000xf32, #tpu.memory_space<hbm>>
    %dma_start3A_54 = tpu.memref_slice %arg2[%add3A_52] : memref<3200000xf32, #tpu.memory_space<hbm>> -> memref<10000xf32, #tpu.memory_space<hbm>>
    tpu.enqueue_dma source(%dma_start3A_54 : memref<10000xf32, #tpu.memory_space<hbm>>) target(%arg9 : memref<10000xf32, #tpu.memory_space<vmem>>) target_semaphore(%arg27 : memref<!tpu.dma_semaphore, #tpu.memory_space<semaphore_mem>>)
    %add3A_55 = arith.constant 40000 : i32
    %add3A_56 = arith.addi %mul3A_2, %add3A_55 : i32
    %dma_start3A_57 = tpu.memref_slice %arg3[%add3A_56] : memref<3200000xi32, #tpu.memory_space<hbm>> -> memref<10000xi32, #tpu.memory_space<hbm>>
    %dma_start3A_58 = tpu.memref_slice %arg3[%add3A_56] : memref<3200000xi32, #tpu.memory_space<hbm>> -> memref<10000xi32, #tpu.memory_space<hbm>>
    tpu.enqueue_dma source(%dma_start3A_58 : memref<10000xi32, #tpu.memory_space<hbm>>) target(%arg13 : memref<10000xi32, #tpu.memory_space<vmem>>) target_semaphore(%arg27 : memref<!tpu.dma_semaphore, #tpu.memory_space<semaphore_mem>>)
    %dma_wait3A_59 = tpu.memref_slice %arg2[%add3A_16] : memref<3200000xf32, #tpu.memory_space<hbm>> -> memref<10000xf32, #tpu.memory_space<hbm>>
    %dma_wait3A_60 = tpu.memref_slice %arg2[%add3A_16] : memref<3200000xf32, #tpu.memory_space<hbm>> -> memref<10000xf32, #tpu.memory_space<hbm>>
    tpu.wait_dma2 semaphore(%arg28 : memref<!tpu.dma_semaphore, #tpu.memory_space<semaphore_mem>>) src(%dma_wait3A_60 : memref<10000xf32, #tpu.memory_space<hbm>>) dst(%arg10 : memref<10000xf32, #tpu.memory_space<vmem>>)
    %dma_wait3A_61 = tpu.memref_slice %arg3[%add3A_20] : memref<3200000xi32, #tpu.memory_space<hbm>> -> memref<10000xi32, #tpu.memory_space<hbm>>
    %dma_wait3A_62 = tpu.memref_slice %arg3[%add3A_20] : memref<3200000xi32, #tpu.memory_space<hbm>> -> memref<10000xi32, #tpu.memory_space<hbm>>
    tpu.wait_dma2 semaphore(%arg28 : memref<!tpu.dma_semaphore, #tpu.memory_space<semaphore_mem>>) src(%dma_wait3A_62 : memref<10000xi32, #tpu.memory_space<hbm>>) dst(%arg14 : memref<10000xi32, #tpu.memory_space<vmem>>)
    %parallel_loop3A_63 = arith.constant 0 : i32
    %parallel_loop3A_64 = arith.constant 625 : i32
    %parallel_loop3A_65 = arith.constant 1 : i32
    %parallel_loop3A_66:3 = scf.for %parallel_loop3A_398 = %parallel_loop3A_63 to %parallel_loop3A_64 step %parallel_loop3A_65 iter_args(%parallel_loop3A_399 = %parallel_loop3A_50#0, %parallel_loop3A_400 = %parallel_loop3A_50#1, %parallel_loop3A_401 = %parallel_loop3A_50#2) -> (vector<16xf32>, vector<16xf32>, vector<16xi32>)  : i32 {
      %parallel_loop3A_402 = arith.constant 16 : i32
      %parallel_loop3A_403 = arith.muli %parallel_loop3A_398, %parallel_loop3A_402 : i32
      %parallel_loop3A_404 = arith.index_cast %parallel_loop3A_403 : i32 to index
      %parallel_loop3A_405 = tpu.vector_load %arg10[%parallel_loop3A_404] {strides = array<i32>} : memref<10000xf32, #tpu.memory_space<vmem>>, vector<16xf32>,
      %parallel_loop3A_406 = arith.index_cast %parallel_loop3A_403 : i32 to index
      %parallel_loop3A_407 = tpu.vector_load %arg14[%parallel_loop3A_406] {strides = array<i32>} : memref<10000xi32, #tpu.memory_space<vmem>>, vector<16xi32>,
      %parallel_loop3A_408 = arith.cmpi ne, %parallel_loop3A_407, %parallel_loop3A_401 : vector<16xi32>
      tpu.vector_store_idx %arg17[%parallel_loop3A_401], %parallel_loop3A_399 masked %parallel_loop3A_408 {add = true} : memref<1024xf32, #tpu.memory_space<vmem>>[vector<16xi32>], vector<16xf32>, vector<16xi1>
      tpu.vector_store_idx %arg18[%parallel_loop3A_401], %parallel_loop3A_400 masked %parallel_loop3A_408 {add = true} : memref<1024xf32, #tpu.memory_space<vmem>>[vector<16xi32>], vector<16xf32>, vector<16xi1>
      %parallel_loop3A_409 = arith.addf %parallel_loop3A_399, %parallel_loop3A_405 : vector<16xf32>
      %parallel_loop3A_410 = arith.select %parallel_loop3A_408, %parallel_loop3A_405, %parallel_loop3A_409 : vector<16xi1>, vector<16xf32>
      %parallel_loop3A_411 = arith.constant 1.000000e+00 : f32
      %parallel_loop3A_412 = vector.broadcast %parallel_loop3A_411 : f32 to vector<16xf32>
      %parallel_loop3A_413 = arith.constant 1.000000e+00 : f32
      %parallel_loop3A_414 = vector.broadcast %parallel_loop3A_413 : f32 to vector<16xf32>
      %parallel_loop3A_415 = arith.addf %parallel_loop3A_400, %parallel_loop3A_414 : vector<16xf32>
      %parallel_loop3A_416 = arith.select %parallel_loop3A_408, %parallel_loop3A_412, %parallel_loop3A_415 : vector<16xi1>, vector<16xf32>
      scf.yield %parallel_loop3A_410, %parallel_loop3A_416, %parallel_loop3A_407 : vector<16xf32>, vector<16xf32>, vector<16xi32>
    } {sc.loop_unroll_factor = 1 : i64, sc.parallel_access}
    %add3A_67 = arith.constant 50000 : i32
    %add3A_68 = arith.addi %mul3A_2, %add3A_67 : i32
    %dma_start3A_69 = tpu.memref_slice %arg2[%add3A_68] : memref<3200000xf32, #tpu.memory_space<hbm>> -> memref<10000xf32, #tpu.memory_space<hbm>>
    %dma_start3A_70 = tpu.memref_slice %arg2[%add3A_68] : memref<3200000xf32, #tpu.memory_space<hbm>> -> memref<10000xf32, #tpu.memory_space<hbm>>
    tpu.enqueue_dma source(%dma_start3A_70 : memref<10000xf32, #tpu.memory_space<hbm>>) target(%arg10 : memref<10000xf32, #tpu.memory_space<vmem>>) target_semaphore(%arg28 : memref<!tpu.dma_semaphore, #tpu.memory_space<semaphore_mem>>)
    %add3A_71 = arith.constant 50000 : i32
    %add3A_72 = arith.addi %mul3A_2, %add3A_71 : i32
    %dma_start3A_73 = tpu.memref_slice %arg3[%add3A_72] : memref<3200000xi32, #tpu.memory_space<hbm>> -> memref<10000xi32, #tpu.memory_space<hbm>>
    %dma_start3A_74 = tpu.memref_slice %arg3[%add3A_72] : memref<3200000xi32, #tpu.memory_space<hbm>> -> memref<10000xi32, #tpu.memory_space<hbm>>
    tpu.enqueue_dma source(%dma_start3A_74 : memref<10000xi32, #tpu.memory_space<hbm>>) target(%arg14 : memref<10000xi32, #tpu.memory_space<vmem>>) target_semaphore(%arg28 : memref<!tpu.dma_semaphore, #tpu.memory_space<semaphore_mem>>)
    %dma_wait3A_75 = tpu.memref_slice %arg2[%add3A_24] : memref<3200000xf32, #tpu.memory_space<hbm>> -> memref<10000xf32, #tpu.memory_space<hbm>>
    %dma_wait3A_76 = tpu.memref_slice %arg2[%add3A_24] : memref<3200000xf32, #tpu.memory_space<hbm>> -> memref<10000xf32, #tpu.memory_space<hbm>>
    tpu.wait_dma2 semaphore(%arg29 : memref<!tpu.dma_semaphore, #tpu.memory_space<semaphore_mem>>) src(%dma_wait3A_76 : memref<10000xf32, #tpu.memory_space<hbm>>) dst(%arg11 : memref<10000xf32, #tpu.memory_space<vmem>>)
    %dma_wait3A_77 = tpu.memref_slice %arg3[%add3A_28] : memref<3200000xi32, #tpu.memory_space<hbm>> -> memref<10000xi32, #tpu.memory_space<hbm>>
    %dma_wait3A_78 = tpu.memref_slice %arg3[%add3A_28] : memref<3200000xi32, #tpu.memory_space<hbm>> -> memref<10000xi32, #tpu.memory_space<hbm>>
    tpu.wait_dma2 semaphore(%arg29 : memref<!tpu.dma_semaphore, #tpu.memory_space<semaphore_mem>>) src(%dma_wait3A_78 : memref<10000xi32, #tpu.memory_space<hbm>>) dst(%arg15 : memref<10000xi32, #tpu.memory_space<vmem>>)
    %parallel_loop3A_79 = arith.constant 0 : i32
    %parallel_loop3A_80 = arith.constant 625 : i32
    %parallel_loop3A_81 = arith.constant 1 : i32
    %parallel_loop3A_82:3 = scf.for %parallel_loop3A_398 = %parallel_loop3A_79 to %parallel_loop3A_80 step %parallel_loop3A_81 iter_args(%parallel_loop3A_399 = %parallel_loop3A_66#0, %parallel_loop3A_400 = %parallel_loop3A_66#1, %parallel_loop3A_401 = %parallel_loop3A_66#2) -> (vector<16xf32>, vector<16xf32>, vector<16xi32>)  : i32 {
      %parallel_loop3A_402 = arith.constant 16 : i32
      %parallel_loop3A_403 = arith.muli %parallel_loop3A_398, %parallel_loop3A_402 : i32
      %parallel_loop3A_404 = arith.index_cast %parallel_loop3A_403 : i32 to index
      %parallel_loop3A_405 = tpu.vector_load %arg11[%parallel_loop3A_404] {strides = array<i32>} : memref<10000xf32, #tpu.memory_space<vmem>>, vector<16xf32>,
      %parallel_loop3A_406 = arith.index_cast %parallel_loop3A_403 : i32 to index
      %parallel_loop3A_407 = tpu.vector_load %arg15[%parallel_loop3A_406] {strides = array<i32>} : memref<10000xi32, #tpu.memory_space<vmem>>, vector<16xi32>,
      %parallel_loop3A_408 = arith.cmpi ne, %parallel_loop3A_407, %parallel_loop3A_401 : vector<16xi32>
      tpu.vector_store_idx %arg17[%parallel_loop3A_401], %parallel_loop3A_399 masked %parallel_loop3A_408 {add = true} : memref<1024xf32, #tpu.memory_space<vmem>>[vector<16xi32>], vector<16xf32>, vector<16xi1>
      tpu.vector_store_idx %arg18[%parallel_loop3A_401], %parallel_loop3A_400 masked %parallel_loop3A_408 {add = true} : memref<1024xf32, #tpu.memory_space<vmem>>[vector<16xi32>], vector<16xf32>, vector<16xi1>
      %parallel_loop3A_409 = arith.addf %parallel_loop3A_399, %parallel_loop3A_405 : vector<16xf32>
      %parallel_loop3A_410 = arith.select %parallel_loop3A_408, %parallel_loop3A_405, %parallel_loop3A_409 : vector<16xi1>, vector<16xf32>
      %parallel_loop3A_411 = arith.constant 1.000000e+00 : f32
      %parallel_loop3A_412 = vector.broadcast %parallel_loop3A_411 : f32 to vector<16xf32>
      %parallel_loop3A_413 = arith.constant 1.000000e+00 : f32
      %parallel_loop3A_414 = vector.broadcast %parallel_loop3A_413 : f32 to vector<16xf32>
      %parallel_loop3A_415 = arith.addf %parallel_loop3A_400, %parallel_loop3A_414 : vector<16xf32>
      %parallel_loop3A_416 = arith.select %parallel_loop3A_408, %parallel_loop3A_412, %parallel_loop3A_415 : vector<16xi1>, vector<16xf32>
      scf.yield %parallel_loop3A_410, %parallel_loop3A_416, %parallel_loop3A_407 : vector<16xf32>, vector<16xf32>, vector<16xi32>
    } {sc.loop_unroll_factor = 1 : i64, sc.parallel_access}
    %add3A_83 = arith.constant 60000 : i32
    %add3A_84 = arith.addi %mul3A_2, %add3A_83 : i32
    %dma_start3A_85 = tpu.memref_slice %arg2[%add3A_84] : memref<3200000xf32, #tpu.memory_space<hbm>> -> memref<10000xf32, #tpu.memory_space<hbm>>
    %dma_start3A_86 = tpu.memref_slice %arg2[%add3A_84] : memref<3200000xf32, #tpu.memory_space<hbm>> -> memref<10000xf32, #tpu.memory_space<hbm>>
    tpu.enqueue_dma source(%dma_start3A_86 : memref<10000xf32, #tpu.memory_space<hbm>>) target(%arg11 : memref<10000xf32, #tpu.memory_space<vmem>>) target_semaphore(%arg29 : memref<!tpu.dma_semaphore, #tpu.memory_space<semaphore_mem>>)
    %add3A_87 = arith.constant 60000 : i32
    %add3A_88 = arith.addi %mul3A_2, %add3A_87 : i32
    %dma_start3A_89 = tpu.memref_slice %arg3[%add3A_88] : memref<3200000xi32, #tpu.memory_space<hbm>> -> memref<10000xi32, #tpu.memory_space<hbm>>
    %dma_start3A_90 = tpu.memref_slice %arg3[%add3A_88] : memref<3200000xi32, #tpu.memory_space<hbm>> -> memref<10000xi32, #tpu.memory_space<hbm>>
    tpu.enqueue_dma source(%dma_start3A_90 : memref<10000xi32, #tpu.memory_space<hbm>>) target(%arg15 : memref<10000xi32, #tpu.memory_space<vmem>>) target_semaphore(%arg29 : memref<!tpu.dma_semaphore, #tpu.memory_space<semaphore_mem>>)
    %dma_wait3A_91 = tpu.memref_slice %arg2[%add3A_32] : memref<3200000xf32, #tpu.memory_space<hbm>> -> memref<10000xf32, #tpu.memory_space<hbm>>
    %dma_wait3A_92 = tpu.memref_slice %arg2[%add3A_32] : memref<3200000xf32, #tpu.memory_space<hbm>> -> memref<10000xf32, #tpu.memory_space<hbm>>
    tpu.wait_dma2 semaphore(%arg30 : memref<!tpu.dma_semaphore, #tpu.memory_space<semaphore_mem>>) src(%dma_wait3A_92 : memref<10000xf32, #tpu.memory_space<hbm>>) dst(%arg12 : memref<10000xf32, #tpu.memory_space<vmem>>)
    %dma_wait3A_93 = tpu.memref_slice %arg3[%add3A_36] : memref<3200000xi32, #tpu.memory_space<hbm>> -> memref<10000xi32, #tpu.memory_space<hbm>>
    %dma_wait3A_94 = tpu.memref_slice %arg3[%add3A_36] : memref<3200000xi32, #tpu.memory_space<hbm>> -> memref<10000xi32, #tpu.memory_space<hbm>>
    tpu.wait_dma2 semaphore(%arg30 : memref<!tpu.dma_semaphore, #tpu.memory_space<semaphore_mem>>) src(%dma_wait3A_94 : memref<10000xi32, #tpu.memory_space<hbm>>) dst(%arg16 : memref<10000xi32, #tpu.memory_space<vmem>>)
    %parallel_loop3A_95 = arith.constant 0 : i32
    %parallel_loop3A_96 = arith.constant 625 : i32
    %parallel_loop3A_97 = arith.constant 1 : i32
    %parallel_loop3A_98:3 = scf.for %parallel_loop3A_398 = %parallel_loop3A_95 to %parallel_loop3A_96 step %parallel_loop3A_97 iter_args(%parallel_loop3A_399 = %parallel_loop3A_82#0, %parallel_loop3A_400 = %parallel_loop3A_82#1, %parallel_loop3A_401 = %parallel_loop3A_82#2) -> (vector<16xf32>, vector<16xf32>, vector<16xi32>)  : i32 {
      %parallel_loop3A_402 = arith.constant 16 : i32
      %parallel_loop3A_403 = arith.muli %parallel_loop3A_398, %parallel_loop3A_402 : i32
      %parallel_loop3A_404 = arith.index_cast %parallel_loop3A_403 : i32 to index
      %parallel_loop3A_405 = tpu.vector_load %arg12[%parallel_loop3A_404] {strides = array<i32>} : memref<10000xf32, #tpu.memory_space<vmem>>, vector<16xf32>,
      %parallel_loop3A_406 = arith.index_cast %parallel_loop3A_403 : i32 to index
      %parallel_loop3A_407 = tpu.vector_load %arg16[%parallel_loop3A_406] {strides = array<i32>} : memref<10000xi32, #tpu.memory_space<vmem>>, vector<16xi32>,
      %parallel_loop3A_408 = arith.cmpi ne, %parallel_loop3A_407, %parallel_loop3A_401 : vector<16xi32>
      tpu.vector_store_idx %arg17[%parallel_loop3A_401], %parallel_loop3A_399 masked %parallel_loop3A_408 {add = true} : memref<1024xf32, #tpu.memory_space<vmem>>[vector<16xi32>], vector<16xf32>, vector<16xi1>
      tpu.vector_store_idx %arg18[%parallel_loop3A_401], %parallel_loop3A_400 masked %parallel_loop3A_408 {add = true} : memref<1024xf32, #tpu.memory_space<vmem>>[vector<16xi32>], vector<16xf32>, vector<16xi1>
      %parallel_loop3A_409 = arith.addf %parallel_loop3A_399, %parallel_loop3A_405 : vector<16xf32>
      %parallel_loop3A_410 = arith.select %parallel_loop3A_408, %parallel_loop3A_405, %parallel_loop3A_409 : vector<16xi1>, vector<16xf32>
      %parallel_loop3A_411 = arith.constant 1.000000e+00 : f32
      %parallel_loop3A_412 = vector.broadcast %parallel_loop3A_411 : f32 to vector<16xf32>
      %parallel_loop3A_413 = arith.constant 1.000000e+00 : f32
      %parallel_loop3A_414 = vector.broadcast %parallel_loop3A_413 : f32 to vector<16xf32>
      %parallel_loop3A_415 = arith.addf %parallel_loop3A_400, %parallel_loop3A_414 : vector<16xf32>
      %parallel_loop3A_416 = arith.select %parallel_loop3A_408, %parallel_loop3A_412, %parallel_loop3A_415 : vector<16xi1>, vector<16xf32>
      scf.yield %parallel_loop3A_410, %parallel_loop3A_416, %parallel_loop3A_407 : vector<16xf32>, vector<16xf32>, vector<16xi32>
    } {sc.loop_unroll_factor = 1 : i64, sc.parallel_access}
    %add3A_99 = arith.constant 70000 : i32
    %add3A_100 = arith.addi %mul3A_2, %add3A_99 : i32
    %dma_start3A_101 = tpu.memref_slice %arg2[%add3A_100] : memref<3200000xf32, #tpu.memory_space<hbm>> -> memref<10000xf32, #tpu.memory_space<hbm>>
    %dma_start3A_102 = tpu.memref_slice %arg2[%add3A_100] : memref<3200000xf32, #tpu.memory_space<hbm>> -> memref<10000xf32, #tpu.memory_space<hbm>>
    tpu.enqueue_dma source(%dma_start3A_102 : memref<10000xf32, #tpu.memory_space<hbm>>) target(%arg12 : memref<10000xf32, #tpu.memory_space<vmem>>) target_semaphore(%arg30 : memref<!tpu.dma_semaphore, #tpu.memory_space<semaphore_mem>>)
    %add3A_103 = arith.constant 70000 : i32
    %add3A_104 = arith.addi %mul3A_2, %add3A_103 : i32
    %dma_start3A_105 = tpu.memref_slice %arg3[%add3A_104] : memref<3200000xi32, #tpu.memory_space<hbm>> -> memref<10000xi32, #tpu.memory_space<hbm>>
    %dma_start3A_106 = tpu.memref_slice %arg3[%add3A_104] : memref<3200000xi32, #tpu.memory_space<hbm>> -> memref<10000xi32, #tpu.memory_space<hbm>>
    tpu.enqueue_dma source(%dma_start3A_106 : memref<10000xi32, #tpu.memory_space<hbm>>) target(%arg16 : memref<10000xi32, #tpu.memory_space<vmem>>) target_semaphore(%arg30 : memref<!tpu.dma_semaphore, #tpu.memory_space<semaphore_mem>>)
    %dma_wait3A_107 = tpu.memref_slice %arg2[%add3A_52] : memref<3200000xf32, #tpu.memory_space<hbm>> -> memref<10000xf32, #tpu.memory_space<hbm>>
    %dma_wait3A_108 = tpu.memref_slice %arg2[%add3A_52] : memref<3200000xf32, #tpu.memory_space<hbm>> -> memref<10000xf32, #tpu.memory_space<hbm>>
    tpu.wait_dma2 semaphore(%arg27 : memref<!tpu.dma_semaphore, #tpu.memory_space<semaphore_mem>>) src(%dma_wait3A_108 : memref<10000xf32, #tpu.memory_space<hbm>>) dst(%arg9 : memref<10000xf32, #tpu.memory_space<vmem>>)
    %dma_wait3A_109 = tpu.memref_slice %arg3[%add3A_56] : memref<3200000xi32, #tpu.memory_space<hbm>> -> memref<10000xi32, #tpu.memory_space<hbm>>
    %dma_wait3A_110 = tpu.memref_slice %arg3[%add3A_56] : memref<3200000xi32, #tpu.memory_space<hbm>> -> memref<10000xi32, #tpu.memory_space<hbm>>
    tpu.wait_dma2 semaphore(%arg27 : memref<!tpu.dma_semaphore, #tpu.memory_space<semaphore_mem>>) src(%dma_wait3A_110 : memref<10000xi32, #tpu.memory_space<hbm>>) dst(%arg13 : memref<10000xi32, #tpu.memory_space<vmem>>)
    %parallel_loop3A_111 = arith.constant 0 : i32
    %parallel_loop3A_112 = arith.constant 625 : i32
    %parallel_loop3A_113 = arith.constant 1 : i32
    %parallel_loop3A_114:3 = scf.for %parallel_loop3A_398 = %parallel_loop3A_111 to %parallel_loop3A_112 step %parallel_loop3A_113 iter_args(%parallel_loop3A_399 = %parallel_loop3A_98#0, %parallel_loop3A_400 = %parallel_loop3A_98#1, %parallel_loop3A_401 = %parallel_loop3A_98#2) -> (vector<16xf32>, vector<16xf32>, vector<16xi32>)  : i32 {
      %parallel_loop3A_402 = arith.constant 16 : i32
      %parallel_loop3A_403 = arith.muli %parallel_loop3A_398, %parallel_loop3A_402 : i32
      %parallel_loop3A_404 = arith.index_cast %parallel_loop3A_403 : i32 to index
      %parallel_loop3A_405 = tpu.vector_load %arg9[%parallel_loop3A_404] {strides = array<i32>} : memref<10000xf32, #tpu.memory_space<vmem>>, vector<16xf32>,
      %parallel_loop3A_406 = arith.index_cast %parallel_loop3A_403 : i32 to index
      %parallel_loop3A_407 = tpu.vector_load %arg13[%parallel_loop3A_406] {strides = array<i32>} : memref<10000xi32, #tpu.memory_space<vmem>>, vector<16xi32>,
      %parallel_loop3A_408 = arith.cmpi ne, %parallel_loop3A_407, %parallel_loop3A_401 : vector<16xi32>
      tpu.vector_store_idx %arg17[%parallel_loop3A_401], %parallel_loop3A_399 masked %parallel_loop3A_408 {add = true} : memref<1024xf32, #tpu.memory_space<vmem>>[vector<16xi32>], vector<16xf32>, vector<16xi1>
      tpu.vector_store_idx %arg18[%parallel_loop3A_401], %parallel_loop3A_400 masked %parallel_loop3A_408 {add = true} : memref<1024xf32, #tpu.memory_space<vmem>>[vector<16xi32>], vector<16xf32>, vector<16xi1>
      %parallel_loop3A_409 = arith.addf %parallel_loop3A_399, %parallel_loop3A_405 : vector<16xf32>
      %parallel_loop3A_410 = arith.select %parallel_loop3A_408, %parallel_loop3A_405, %parallel_loop3A_409 : vector<16xi1>, vector<16xf32>
      %parallel_loop3A_411 = arith.constant 1.000000e+00 : f32
      %parallel_loop3A_412 = vector.broadcast %parallel_loop3A_411 : f32 to vector<16xf32>
      %parallel_loop3A_413 = arith.constant 1.000000e+00 : f32
      %parallel_loop3A_414 = vector.broadcast %parallel_loop3A_413 : f32 to vector<16xf32>
      %parallel_loop3A_415 = arith.addf %parallel_loop3A_400, %parallel_loop3A_414 : vector<16xf32>
      %parallel_loop3A_416 = arith.select %parallel_loop3A_408, %parallel_loop3A_412, %parallel_loop3A_415 : vector<16xi1>, vector<16xf32>
      scf.yield %parallel_loop3A_410, %parallel_loop3A_416, %parallel_loop3A_407 : vector<16xf32>, vector<16xf32>, vector<16xi32>
    } {sc.loop_unroll_factor = 1 : i64, sc.parallel_access}
    %add3A_115 = arith.constant 80000 : i32
    %add3A_116 = arith.addi %mul3A_2, %add3A_115 : i32
    %dma_start3A_117 = tpu.memref_slice %arg2[%add3A_116] : memref<3200000xf32, #tpu.memory_space<hbm>> -> memref<10000xf32, #tpu.memory_space<hbm>>
    %dma_start3A_118 = tpu.memref_slice %arg2[%add3A_116] : memref<3200000xf32, #tpu.memory_space<hbm>> -> memref<10000xf32, #tpu.memory_space<hbm>>
    tpu.enqueue_dma source(%dma_start3A_118 : memref<10000xf32, #tpu.memory_space<hbm>>) target(%arg9 : memref<10000xf32, #tpu.memory_space<vmem>>) target_semaphore(%arg27 : memref<!tpu.dma_semaphore, #tpu.memory_space<semaphore_mem>>)
    %add3A_119 = arith.constant 80000 : i32
    %add3A_120 = arith.addi %mul3A_2, %add3A_119 : i32
    %dma_start3A_121 = tpu.memref_slice %arg3[%add3A_120] : memref<3200000xi32, #tpu.memory_space<hbm>> -> memref<10000xi32, #tpu.memory_space<hbm>>
    %dma_start3A_122 = tpu.memref_slice %arg3[%add3A_120] : memref<3200000xi32, #tpu.memory_space<hbm>> -> memref<10000xi32, #tpu.memory_space<hbm>>
    tpu.enqueue_dma source(%dma_start3A_122 : memref<10000xi32, #tpu.memory_space<hbm>>) target(%arg13 : memref<10000xi32, #tpu.memory_space<vmem>>) target_semaphore(%arg27 : memref<!tpu.dma_semaphore, #tpu.memory_space<semaphore_mem>>)
    %dma_wait3A_123 = tpu.memref_slice %arg2[%add3A_68] : memref<3200000xf32, #tpu.memory_space<hbm>> -> memref<10000xf32, #tpu.memory_space<hbm>>
    %dma_wait3A_124 = tpu.memref_slice %arg2[%add3A_68] : memref<3200000xf32, #tpu.memory_space<hbm>> -> memref<10000xf32, #tpu.memory_space<hbm>>
    tpu.wait_dma2 semaphore(%arg28 : memref<!tpu.dma_semaphore, #tpu.memory_space<semaphore_mem>>) src(%dma_wait3A_124 : memref<10000xf32, #tpu.memory_space<hbm>>) dst(%arg10 : memref<10000xf32, #tpu.memory_space<vmem>>)
    %dma_wait3A_125 = tpu.memref_slice %arg3[%add3A_72] : memref<3200000xi32, #tpu.memory_space<hbm>> -> memref<10000xi32, #tpu.memory_space<hbm>>
    %dma_wait3A_126 = tpu.memref_slice %arg3[%add3A_72] : memref<3200000xi32, #tpu.memory_space<hbm>> -> memref<10000xi32, #tpu.memory_space<hbm>>
    tpu.wait_dma2 semaphore(%arg28 : memref<!tpu.dma_semaphore, #tpu.memory_space<semaphore_mem>>) src(%dma_wait3A_126 : memref<10000xi32, #tpu.memory_space<hbm>>) dst(%arg14 : memref<10000xi32, #tpu.memory_space<vmem>>)
    %parallel_loop3A_127 = arith.constant 0 : i32
    %parallel_loop3A_128 = arith.constant 625 : i32
    %parallel_loop3A_129 = arith.constant 1 : i32
    %parallel_loop3A_130:3 = scf.for %parallel_loop3A_398 = %parallel_loop3A_127 to %parallel_loop3A_128 step %parallel_loop3A_129 iter_args(%parallel_loop3A_399 = %parallel_loop3A_114#0, %parallel_loop3A_400 = %parallel_loop3A_114#1, %parallel_loop3A_401 = %parallel_loop3A_114#2) -> (vector<16xf32>, vector<16xf32>, vector<16xi32>)  : i32 {
      %parallel_loop3A_402 = arith.constant 16 : i32
      %parallel_loop3A_403 = arith.muli %parallel_loop3A_398, %parallel_loop3A_402 : i32
      %parallel_loop3A_404 = arith.index_cast %parallel_loop3A_403 : i32 to index
      %parallel_loop3A_405 = tpu.vector_load %arg10[%parallel_loop3A_404] {strides = array<i32>} : memref<10000xf32, #tpu.memory_space<vmem>>, vector<16xf32>,
      %parallel_loop3A_406 = arith.index_cast %parallel_loop3A_403 : i32 to index
      %parallel_loop3A_407 = tpu.vector_load %arg14[%parallel_loop3A_406] {strides = array<i32>} : memref<10000xi32, #tpu.memory_space<vmem>>, vector<16xi32>,
      %parallel_loop3A_408 = arith.cmpi ne, %parallel_loop3A_407, %parallel_loop3A_401 : vector<16xi32>
      tpu.vector_store_idx %arg17[%parallel_loop3A_401], %parallel_loop3A_399 masked %parallel_loop3A_408 {add = true} : memref<1024xf32, #tpu.memory_space<vmem>>[vector<16xi32>], vector<16xf32>, vector<16xi1>
      tpu.vector_store_idx %arg18[%parallel_loop3A_401], %parallel_loop3A_400 masked %parallel_loop3A_408 {add = true} : memref<1024xf32, #tpu.memory_space<vmem>>[vector<16xi32>], vector<16xf32>, vector<16xi1>
      %parallel_loop3A_409 = arith.addf %parallel_loop3A_399, %parallel_loop3A_405 : vector<16xf32>
      %parallel_loop3A_410 = arith.select %parallel_loop3A_408, %parallel_loop3A_405, %parallel_loop3A_409 : vector<16xi1>, vector<16xf32>
      %parallel_loop3A_411 = arith.constant 1.000000e+00 : f32
      %parallel_loop3A_412 = vector.broadcast %parallel_loop3A_411 : f32 to vector<16xf32>
      %parallel_loop3A_413 = arith.constant 1.000000e+00 : f32
      %parallel_loop3A_414 = vector.broadcast %parallel_loop3A_413 : f32 to vector<16xf32>
      %parallel_loop3A_415 = arith.addf %parallel_loop3A_400, %parallel_loop3A_414 : vector<16xf32>
      %parallel_loop3A_416 = arith.select %parallel_loop3A_408, %parallel_loop3A_412, %parallel_loop3A_415 : vector<16xi1>, vector<16xf32>
      scf.yield %parallel_loop3A_410, %parallel_loop3A_416, %parallel_loop3A_407 : vector<16xf32>, vector<16xf32>, vector<16xi32>
    } {sc.loop_unroll_factor = 1 : i64, sc.parallel_access}
    %add3A_131 = arith.constant 90000 : i32
    %add3A_132 = arith.addi %mul3A_2, %add3A_131 : i32
    %dma_start3A_133 = tpu.memref_slice %arg2[%add3A_132] : memref<3200000xf32, #tpu.memory_space<hbm>> -> memref<10000xf32, #tpu.memory_space<hbm>>
    %dma_start3A_134 = tpu.memref_slice %arg2[%add3A_132] : memref<3200000xf32, #tpu.memory_space<hbm>> -> memref<10000xf32, #tpu.memory_space<hbm>>
    tpu.enqueue_dma source(%dma_start3A_134 : memref<10000xf32, #tpu.memory_space<hbm>>) target(%arg10 : memref<10000xf32, #tpu.memory_space<vmem>>) target_semaphore(%arg28 : memref<!tpu.dma_semaphore, #tpu.memory_space<semaphore_mem>>)
    %add3A_135 = arith.constant 90000 : i32
    %add3A_136 = arith.addi %mul3A_2, %add3A_135 : i32
    %dma_start3A_137 = tpu.memref_slice %arg3[%add3A_136] : memref<3200000xi32, #tpu.memory_space<hbm>> -> memref<10000xi32, #tpu.memory_space<hbm>>
    %dma_start3A_138 = tpu.memref_slice %arg3[%add3A_136] : memref<3200000xi32, #tpu.memory_space<hbm>> -> memref<10000xi32, #tpu.memory_space<hbm>>
    tpu.enqueue_dma source(%dma_start3A_138 : memref<10000xi32, #tpu.memory_space<hbm>>) target(%arg14 : memref<10000xi32, #tpu.memory_space<vmem>>) target_semaphore(%arg28 : memref<!tpu.dma_semaphore, #tpu.memory_space<semaphore_mem>>)
    %dma_wait3A_139 = tpu.memref_slice %arg2[%add3A_84] : memref<3200000xf32, #tpu.memory_space<hbm>> -> memref<10000xf32, #tpu.memory_space<hbm>>
    %dma_wait3A_140 = tpu.memref_slice %arg2[%add3A_84] : memref<3200000xf32, #tpu.memory_space<hbm>> -> memref<10000xf32, #tpu.memory_space<hbm>>
    tpu.wait_dma2 semaphore(%arg29 : memref<!tpu.dma_semaphore, #tpu.memory_space<semaphore_mem>>) src(%dma_wait3A_140 : memref<10000xf32, #tpu.memory_space<hbm>>) dst(%arg11 : memref<10000xf32, #tpu.memory_space<vmem>>)
    %dma_wait3A_141 = tpu.memref_slice %arg3[%add3A_88] : memref<3200000xi32, #tpu.memory_space<hbm>> -> memref<10000xi32, #tpu.memory_space<hbm>>
    %dma_wait3A_142 = tpu.memref_slice %arg3[%add3A_88] : memref<3200000xi32, #tpu.memory_space<hbm>> -> memref<10000xi32, #tpu.memory_space<hbm>>
    tpu.wait_dma2 semaphore(%arg29 : memref<!tpu.dma_semaphore, #tpu.memory_space<semaphore_mem>>) src(%dma_wait3A_142 : memref<10000xi32, #tpu.memory_space<hbm>>) dst(%arg15 : memref<10000xi32, #tpu.memory_space<vmem>>)
    %parallel_loop3A_143 = arith.constant 0 : i32
    %parallel_loop3A_144 = arith.constant 625 : i32
    %parallel_loop3A_145 = arith.constant 1 : i32
    %parallel_loop3A_146:3 = scf.for %parallel_loop3A_398 = %parallel_loop3A_143 to %parallel_loop3A_144 step %parallel_loop3A_145 iter_args(%parallel_loop3A_399 = %parallel_loop3A_130#0, %parallel_loop3A_400 = %parallel_loop3A_130#1, %parallel_loop3A_401 = %parallel_loop3A_130#2) -> (vector<16xf32>, vector<16xf32>, vector<16xi32>)  : i32 {
      %parallel_loop3A_402 = arith.constant 16 : i32
      %parallel_loop3A_403 = arith.muli %parallel_loop3A_398, %parallel_loop3A_402 : i32
      %parallel_loop3A_404 = arith.index_cast %parallel_loop3A_403 : i32 to index
      %parallel_loop3A_405 = tpu.vector_load %arg11[%parallel_loop3A_404] {strides = array<i32>} : memref<10000xf32, #tpu.memory_space<vmem>>, vector<16xf32>,
      %parallel_loop3A_406 = arith.index_cast %parallel_loop3A_403 : i32 to index
      %parallel_loop3A_407 = tpu.vector_load %arg15[%parallel_loop3A_406] {strides = array<i32>} : memref<10000xi32, #tpu.memory_space<vmem>>, vector<16xi32>,
      %parallel_loop3A_408 = arith.cmpi ne, %parallel_loop3A_407, %parallel_loop3A_401 : vector<16xi32>
      tpu.vector_store_idx %arg17[%parallel_loop3A_401], %parallel_loop3A_399 masked %parallel_loop3A_408 {add = true} : memref<1024xf32, #tpu.memory_space<vmem>>[vector<16xi32>], vector<16xf32>, vector<16xi1>
      tpu.vector_store_idx %arg18[%parallel_loop3A_401], %parallel_loop3A_400 masked %parallel_loop3A_408 {add = true} : memref<1024xf32, #tpu.memory_space<vmem>>[vector<16xi32>], vector<16xf32>, vector<16xi1>
      %parallel_loop3A_409 = arith.addf %parallel_loop3A_399, %parallel_loop3A_405 : vector<16xf32>
      %parallel_loop3A_410 = arith.select %parallel_loop3A_408, %parallel_loop3A_405, %parallel_loop3A_409 : vector<16xi1>, vector<16xf32>
      %parallel_loop3A_411 = arith.constant 1.000000e+00 : f32
      %parallel_loop3A_412 = vector.broadcast %parallel_loop3A_411 : f32 to vector<16xf32>
      %parallel_loop3A_413 = arith.constant 1.000000e+00 : f32
      %parallel_loop3A_414 = vector.broadcast %parallel_loop3A_413 : f32 to vector<16xf32>
      %parallel_loop3A_415 = arith.addf %parallel_loop3A_400, %parallel_loop3A_414 : vector<16xf32>
      %parallel_loop3A_416 = arith.select %parallel_loop3A_408, %parallel_loop3A_412, %parallel_loop3A_415 : vector<16xi1>, vector<16xf32>
      scf.yield %parallel_loop3A_410, %parallel_loop3A_416, %parallel_loop3A_407 : vector<16xf32>, vector<16xf32>, vector<16xi32>
    } {sc.loop_unroll_factor = 1 : i64, sc.parallel_access}
    %dma_wait3A_147 = tpu.memref_slice %arg2[%add3A_100] : memref<3200000xf32, #tpu.memory_space<hbm>> -> memref<10000xf32, #tpu.memory_space<hbm>>
    %dma_wait3A_148 = tpu.memref_slice %arg2[%add3A_100] : memref<3200000xf32, #tpu.memory_space<hbm>> -> memref<10000xf32, #tpu.memory_space<hbm>>
    tpu.wait_dma2 semaphore(%arg30 : memref<!tpu.dma_semaphore, #tpu.memory_space<semaphore_mem>>) src(%dma_wait3A_148 : memref<10000xf32, #tpu.memory_space<hbm>>) dst(%arg12 : memref<10000xf32, #tpu.memory_space<vmem>>)
    %dma_wait3A_149 = tpu.memref_slice %arg3[%add3A_104] : memref<3200000xi32, #tpu.memory_space<hbm>> -> memref<10000xi32, #tpu.memory_space<hbm>>
    %dma_wait3A_150 = tpu.memref_slice %arg3[%add3A_104] : memref<3200000xi32, #tpu.memory_space<hbm>> -> memref<10000xi32, #tpu.memory_space<hbm>>
    tpu.wait_dma2 semaphore(%arg30 : memref<!tpu.dma_semaphore, #tpu.memory_space<semaphore_mem>>) src(%dma_wait3A_150 : memref<10000xi32, #tpu.memory_space<hbm>>) dst(%arg16 : memref<10000xi32, #tpu.memory_space<vmem>>)
    %parallel_loop3A_151 = arith.constant 0 : i32
    %parallel_loop3A_152 = arith.constant 625 : i32
    %parallel_loop3A_153 = arith.constant 1 : i32
    %parallel_loop3A_154:3 = scf.for %parallel_loop3A_398 = %parallel_loop3A_151 to %parallel_loop3A_152 step %parallel_loop3A_153 iter_args(%parallel_loop3A_399 = %parallel_loop3A_146#0, %parallel_loop3A_400 = %parallel_loop3A_146#1, %parallel_loop3A_401 = %parallel_loop3A_146#2) -> (vector<16xf32>, vector<16xf32>, vector<16xi32>)  : i32 {
      %parallel_loop3A_402 = arith.constant 16 : i32
      %parallel_loop3A_403 = arith.muli %parallel_loop3A_398, %parallel_loop3A_402 : i32
      %parallel_loop3A_404 = arith.index_cast %parallel_loop3A_403 : i32 to index
      %parallel_loop3A_405 = tpu.vector_load %arg12[%parallel_loop3A_404] {strides = array<i32>} : memref<10000xf32, #tpu.memory_space<vmem>>, vector<16xf32>,
      %parallel_loop3A_406 = arith.index_cast %parallel_loop3A_403 : i32 to index
      %parallel_loop3A_407 = tpu.vector_load %arg16[%parallel_loop3A_406] {strides = array<i32>} : memref<10000xi32, #tpu.memory_space<vmem>>, vector<16xi32>,
      %parallel_loop3A_408 = arith.cmpi ne, %parallel_loop3A_407, %parallel_loop3A_401 : vector<16xi32>
      tpu.vector_store_idx %arg17[%parallel_loop3A_401], %parallel_loop3A_399 masked %parallel_loop3A_408 {add = true} : memref<1024xf32, #tpu.memory_space<vmem>>[vector<16xi32>], vector<16xf32>, vector<16xi1>
      tpu.vector_store_idx %arg18[%parallel_loop3A_401], %parallel_loop3A_400 masked %parallel_loop3A_408 {add = true} : memref<1024xf32, #tpu.memory_space<vmem>>[vector<16xi32>], vector<16xf32>, vector<16xi1>
      %parallel_loop3A_409 = arith.addf %parallel_loop3A_399, %parallel_loop3A_405 : vector<16xf32>
      %parallel_loop3A_410 = arith.select %parallel_loop3A_408, %parallel_loop3A_405, %parallel_loop3A_409 : vector<16xi1>, vector<16xf32>
      %parallel_loop3A_411 = arith.constant 1.000000e+00 : f32
      %parallel_loop3A_412 = vector.broadcast %parallel_loop3A_411 : f32 to vector<16xf32>
      %parallel_loop3A_413 = arith.constant 1.000000e+00 : f32
      %parallel_loop3A_414 = vector.broadcast %parallel_loop3A_413 : f32 to vector<16xf32>
      %parallel_loop3A_415 = arith.addf %parallel_loop3A_400, %parallel_loop3A_414 : vector<16xf32>
      %parallel_loop3A_416 = arith.select %parallel_loop3A_408, %parallel_loop3A_412, %parallel_loop3A_415 : vector<16xi1>, vector<16xf32>
      scf.yield %parallel_loop3A_410, %parallel_loop3A_416, %parallel_loop3A_407 : vector<16xf32>, vector<16xf32>, vector<16xi32>
    } {sc.loop_unroll_factor = 1 : i64, sc.parallel_access}
    %dma_wait3A_155 = tpu.memref_slice %arg2[%add3A_116] : memref<3200000xf32, #tpu.memory_space<hbm>> -> memref<10000xf32, #tpu.memory_space<hbm>>
    %dma_wait3A_156 = tpu.memref_slice %arg2[%add3A_116] : memref<3200000xf32, #tpu.memory_space<hbm>> -> memref<10000xf32, #tpu.memory_space<hbm>>
    tpu.wait_dma2 semaphore(%arg27 : memref<!tpu.dma_semaphore, #tpu.memory_space<semaphore_mem>>) src(%dma_wait3A_156 : memref<10000xf32, #tpu.memory_space<hbm>>) dst(%arg9 : memref<10000xf32, #tpu.memory_space<vmem>>)
    %dma_wait3A_157 = tpu.memref_slice %arg3[%add3A_120] : memref<3200000xi32, #tpu.memory_space<hbm>> -> memref<10000xi32, #tpu.memory_space<hbm>>
    %dma_wait3A_158 = tpu.memref_slice %arg3[%add3A_120] : memref<3200000xi32, #tpu.memory_space<hbm>> -> memref<10000xi32, #tpu.memory_space<hbm>>
    tpu.wait_dma2 semaphore(%arg27 : memref<!tpu.dma_semaphore, #tpu.memory_space<semaphore_mem>>) src(%dma_wait3A_158 : memref<10000xi32, #tpu.memory_space<hbm>>) dst(%arg13 : memref<10000xi32, #tpu.memory_space<vmem>>)
    %parallel_loop3A_159 = arith.constant 0 : i32
    %parallel_loop3A_160 = arith.constant 625 : i32
    %parallel_loop3A_161 = arith.constant 1 : i32
    %parallel_loop3A_162:3 = scf.for %parallel_loop3A_398 = %parallel_loop3A_159 to %parallel_loop3A_160 step %parallel_loop3A_161 iter_args(%parallel_loop3A_399 = %parallel_loop3A_154#0, %parallel_loop3A_400 = %parallel_loop3A_154#1, %parallel_loop3A_401 = %parallel_loop3A_154#2) -> (vector<16xf32>, vector<16xf32>, vector<16xi32>)  : i32 {
      %parallel_loop3A_402 = arith.constant 16 : i32
      %parallel_loop3A_403 = arith.muli %parallel_loop3A_398, %parallel_loop3A_402 : i32
      %parallel_loop3A_404 = arith.index_cast %parallel_loop3A_403 : i32 to index
      %parallel_loop3A_405 = tpu.vector_load %arg9[%parallel_loop3A_404] {strides = array<i32>} : memref<10000xf32, #tpu.memory_space<vmem>>, vector<16xf32>,
      %parallel_loop3A_406 = arith.index_cast %parallel_loop3A_403 : i32 to index
      %parallel_loop3A_407 = tpu.vector_load %arg13[%parallel_loop3A_406] {strides = array<i32>} : memref<10000xi32, #tpu.memory_space<vmem>>, vector<16xi32>,
      %parallel_loop3A_408 = arith.cmpi ne, %parallel_loop3A_407, %parallel_loop3A_401 : vector<16xi32>
      tpu.vector_store_idx %arg17[%parallel_loop3A_401], %parallel_loop3A_399 masked %parallel_loop3A_408 {add = true} : memref<1024xf32, #tpu.memory_space<vmem>>[vector<16xi32>], vector<16xf32>, vector<16xi1>
      tpu.vector_store_idx %arg18[%parallel_loop3A_401], %parallel_loop3A_400 masked %parallel_loop3A_408 {add = true} : memref<1024xf32, #tpu.memory_space<vmem>>[vector<16xi32>], vector<16xf32>, vector<16xi1>
      %parallel_loop3A_409 = arith.addf %parallel_loop3A_399, %parallel_loop3A_405 : vector<16xf32>
      %parallel_loop3A_410 = arith.select %parallel_loop3A_408, %parallel_loop3A_405, %parallel_loop3A_409 : vector<16xi1>, vector<16xf32>
      %parallel_loop3A_411 = arith.constant 1.000000e+00 : f32
      %parallel_loop3A_412 = vector.broadcast %parallel_loop3A_411 : f32 to vector<16xf32>
      %parallel_loop3A_413 = arith.constant 1.000000e+00 : f32
      %parallel_loop3A_414 = vector.broadcast %parallel_loop3A_413 : f32 to vector<16xf32>
      %parallel_loop3A_415 = arith.addf %parallel_loop3A_400, %parallel_loop3A_414 : vector<16xf32>
      %parallel_loop3A_416 = arith.select %parallel_loop3A_408, %parallel_loop3A_412, %parallel_loop3A_415 : vector<16xi1>, vector<16xf32>
      scf.yield %parallel_loop3A_410, %parallel_loop3A_416, %parallel_loop3A_407 : vector<16xf32>, vector<16xf32>, vector<16xi32>
    } {sc.loop_unroll_factor = 1 : i64, sc.parallel_access}
    %dma_wait3A_163 = tpu.memref_slice %arg2[%add3A_132] : memref<3200000xf32, #tpu.memory_space<hbm>> -> memref<10000xf32, #tpu.memory_space<hbm>>
    %dma_wait3A_164 = tpu.memref_slice %arg2[%add3A_132] : memref<3200000xf32, #tpu.memory_space<hbm>> -> memref<10000xf32, #tpu.memory_space<hbm>>
    tpu.wait_dma2 semaphore(%arg28 : memref<!tpu.dma_semaphore, #tpu.memory_space<semaphore_mem>>) src(%dma_wait3A_164 : memref<10000xf32, #tpu.memory_space<hbm>>) dst(%arg10 : memref<10000xf32, #tpu.memory_space<vmem>>)
    %dma_wait3A_165 = tpu.memref_slice %arg3[%add3A_136] : memref<3200000xi32, #tpu.memory_space<hbm>> -> memref<10000xi32, #tpu.memory_space<hbm>>
    %dma_wait3A_166 = tpu.memref_slice %arg3[%add3A_136] : memref<3200000xi32, #tpu.memory_space<hbm>> -> memref<10000xi32, #tpu.memory_space<hbm>>
    tpu.wait_dma2 semaphore(%arg28 : memref<!tpu.dma_semaphore, #tpu.memory_space<semaphore_mem>>) src(%dma_wait3A_166 : memref<10000xi32, #tpu.memory_space<hbm>>) dst(%arg14 : memref<10000xi32, #tpu.memory_space<vmem>>)
    %parallel_loop3A_167 = arith.constant 0 : i32
    %parallel_loop3A_168 = arith.constant 625 : i32
    %parallel_loop3A_169 = arith.constant 1 : i32
    %parallel_loop3A_170:3 = scf.for %parallel_loop3A_398 = %parallel_loop3A_167 to %parallel_loop3A_168 step %parallel_loop3A_169 iter_args(%parallel_loop3A_399 = %parallel_loop3A_162#0, %parallel_loop3A_400 = %parallel_loop3A_162#1, %parallel_loop3A_401 = %parallel_loop3A_162#2) -> (vector<16xf32>, vector<16xf32>, vector<16xi32>)  : i32 {
      %parallel_loop3A_402 = arith.constant 16 : i32
      %parallel_loop3A_403 = arith.muli %parallel_loop3A_398, %parallel_loop3A_402 : i32
      %parallel_loop3A_404 = arith.index_cast %parallel_loop3A_403 : i32 to index
      %parallel_loop3A_405 = tpu.vector_load %arg10[%parallel_loop3A_404] {strides = array<i32>} : memref<10000xf32, #tpu.memory_space<vmem>>, vector<16xf32>,
      %parallel_loop3A_406 = arith.index_cast %parallel_loop3A_403 : i32 to index
      %parallel_loop3A_407 = tpu.vector_load %arg14[%parallel_loop3A_406] {strides = array<i32>} : memref<10000xi32, #tpu.memory_space<vmem>>, vector<16xi32>,
      %parallel_loop3A_408 = arith.cmpi ne, %parallel_loop3A_407, %parallel_loop3A_401 : vector<16xi32>
      tpu.vector_store_idx %arg17[%parallel_loop3A_401], %parallel_loop3A_399 masked %parallel_loop3A_408 {add = true} : memref<1024xf32, #tpu.memory_space<vmem>>[vector<16xi32>], vector<16xf32>, vector<16xi1>
      tpu.vector_store_idx %arg18[%parallel_loop3A_401], %parallel_loop3A_400 masked %parallel_loop3A_408 {add = true} : memref<1024xf32, #tpu.memory_space<vmem>>[vector<16xi32>], vector<16xf32>, vector<16xi1>
      %parallel_loop3A_409 = arith.addf %parallel_loop3A_399, %parallel_loop3A_405 : vector<16xf32>
      %parallel_loop3A_410 = arith.select %parallel_loop3A_408, %parallel_loop3A_405, %parallel_loop3A_409 : vector<16xi1>, vector<16xf32>
      %parallel_loop3A_411 = arith.constant 1.000000e+00 : f32
      %parallel_loop3A_412 = vector.broadcast %parallel_loop3A_411 : f32 to vector<16xf32>
      %parallel_loop3A_413 = arith.constant 1.000000e+00 : f32
      %parallel_loop3A_414 = vector.broadcast %parallel_loop3A_413 : f32 to vector<16xf32>
      %parallel_loop3A_415 = arith.addf %parallel_loop3A_400, %parallel_loop3A_414 : vector<16xf32>
      %parallel_loop3A_416 = arith.select %parallel_loop3A_408, %parallel_loop3A_412, %parallel_loop3A_415 : vector<16xi1>, vector<16xf32>
      scf.yield %parallel_loop3A_410, %parallel_loop3A_416, %parallel_loop3A_407 : vector<16xf32>, vector<16xf32>, vector<16xi32>
    } {sc.loop_unroll_factor = 1 : i64, sc.parallel_access}
    tpu.vector_store_idx %arg17[%parallel_loop3A_170#2], %parallel_loop3A_170#0 {add = true} : memref<1024xf32, #tpu.memory_space<vmem>>[vector<16xi32>], vector<16xf32>,
    tpu.vector_store_idx %arg18[%parallel_loop3A_170#2], %parallel_loop3A_170#1 {add = true} : memref<1024xf32, #tpu.memory_space<vmem>>[vector<16xi32>], vector<16xf32>,
    %add3A_171 = arith.constant 0 : i32
    %add3A_172 = arith.addi %mul3A_2, %add3A_171 : i32
    %dma_start3A_173 = tpu.memref_slice %arg2[%add3A_172] : memref<3200000xf32, #tpu.memory_space<hbm>> -> memref<10000xf32, #tpu.memory_space<hbm>>
    %dma_start3A_174 = tpu.memref_slice %arg2[%add3A_172] : memref<3200000xf32, #tpu.memory_space<hbm>> -> memref<10000xf32, #tpu.memory_space<hbm>>
    tpu.enqueue_dma source(%dma_start3A_174 : memref<10000xf32, #tpu.memory_space<hbm>>) target(%arg9 : memref<10000xf32, #tpu.memory_space<vmem>>) target_semaphore(%arg27 : memref<!tpu.dma_semaphore, #tpu.memory_space<semaphore_mem>>)
    %add3A_175 = arith.constant 0 : i32
    %add3A_176 = arith.addi %mul3A_2, %add3A_175 : i32
    %dma_start3A_177 = tpu.memref_slice %arg3[%add3A_176] : memref<3200000xi32, #tpu.memory_space<hbm>> -> memref<10000xi32, #tpu.memory_space<hbm>>
    %dma_start3A_178 = tpu.memref_slice %arg3[%add3A_176] : memref<3200000xi32, #tpu.memory_space<hbm>> -> memref<10000xi32, #tpu.memory_space<hbm>>
    tpu.enqueue_dma source(%dma_start3A_178 : memref<10000xi32, #tpu.memory_space<hbm>>) target(%arg13 : memref<10000xi32, #tpu.memory_space<vmem>>) target_semaphore(%arg27 : memref<!tpu.dma_semaphore, #tpu.memory_space<semaphore_mem>>)
    %add3A_179 = arith.constant 10000 : i32
    %add3A_180 = arith.addi %mul3A_2, %add3A_179 : i32
    %dma_start3A_181 = tpu.memref_slice %arg2[%add3A_180] : memref<3200000xf32, #tpu.memory_space<hbm>> -> memref<10000xf32, #tpu.memory_space<hbm>>
    %dma_start3A_182 = tpu.memref_slice %arg2[%add3A_180] : memref<3200000xf32, #tpu.memory_space<hbm>> -> memref<10000xf32, #tpu.memory_space<hbm>>
    tpu.enqueue_dma source(%dma_start3A_182 : memref<10000xf32, #tpu.memory_space<hbm>>) target(%arg10 : memref<10000xf32, #tpu.memory_space<vmem>>) target_semaphore(%arg28 : memref<!tpu.dma_semaphore, #tpu.memory_space<semaphore_mem>>)
    %add3A_183 = arith.constant 10000 : i32
    %add3A_184 = arith.addi %mul3A_2, %add3A_183 : i32
    %dma_start3A_185 = tpu.memref_slice %arg3[%add3A_184] : memref<3200000xi32, #tpu.memory_space<hbm>> -> memref<10000xi32, #tpu.memory_space<hbm>>
    %dma_start3A_186 = tpu.memref_slice %arg3[%add3A_184] : memref<3200000xi32, #tpu.memory_space<hbm>> -> memref<10000xi32, #tpu.memory_space<hbm>>
    tpu.enqueue_dma source(%dma_start3A_186 : memref<10000xi32, #tpu.memory_space<hbm>>) target(%arg14 : memref<10000xi32, #tpu.memory_space<vmem>>) target_semaphore(%arg28 : memref<!tpu.dma_semaphore, #tpu.memory_space<semaphore_mem>>)
    tpu.enqueue_dma source(%arg4 : memref<1024xf32, #tpu.memory_space<hbm>>) target(%arg24 : memref<1024xf32, #tpu.memory_space<vmem>>) target_semaphore(%arg31 : memref<!tpu.dma_semaphore, #tpu.memory_space<semaphore_mem>>)
    %barrier3A = arith.constant 0 : index
    tpu.barrier barrier_id(%barrier3A)
    "tpu.region"() ({
      %run_scoped3A = tpu.sem_alloc : memref<!tpu.dma_semaphore, #tpu.memory_space<semaphore_mem>>
      %dma_start3A_398 = arith.constant 0 : i32
      %dma_start3A_399 = tpu.memref_slice %arg20[%dma_start3A_398] : memref<1024xf32, #tpu.memory_space<vmem_shared>> -> memref<1024xf32, #tpu.memory_space<vmem_shared>>
      tpu.enqueue_indirect_dma source(%arg17 : memref<1024xf32, #tpu.memory_space<vmem>>) target(%dma_start3A_399 : memref<1024xf32, #tpu.memory_space<vmem_shared>>) offsets(%arg19 : memref<1024xi32, #tpu.memory_space<vmem>>) semaphore(%run_scoped3A : memref<!tpu.dma_semaphore, #tpu.memory_space<semaphore_mem>>) {add = true}
      %dma_wait3A_400 = arith.constant 0 : i32
      %dma_wait3A_401 = tpu.memref_slice %arg20[%dma_wait3A_400] : memref<1024xf32, #tpu.memory_space<vmem_shared>> -> memref<1024xf32, #tpu.memory_space<vmem_shared>>
      tpu.wait_indirect_dma semaphore(%run_scoped3A : memref<!tpu.dma_semaphore, #tpu.memory_space<semaphore_mem>>) src(%arg17 : memref<1024xf32, #tpu.memory_space<vmem>>) dst(%dma_wait3A_401 : memref<1024xf32, #tpu.memory_space<vmem_shared>>)
      tpu.yield
    }) : () -> ()
    "tpu.region"() ({
      %run_scoped3A = tpu.sem_alloc : memref<!tpu.dma_semaphore, #tpu.memory_space<semaphore_mem>>
      %dma_start3A_398 = arith.constant 0 : i32
      %dma_start3A_399 = tpu.memref_slice %arg21[%dma_start3A_398] : memref<1024xf32, #tpu.memory_space<vmem_shared>> -> memref<1024xf32, #tpu.memory_space<vmem_shared>>
      tpu.enqueue_indirect_dma source(%arg18 : memref<1024xf32, #tpu.memory_space<vmem>>) target(%dma_start3A_399 : memref<1024xf32, #tpu.memory_space<vmem_shared>>) offsets(%arg19 : memref<1024xi32, #tpu.memory_space<vmem>>) semaphore(%run_scoped3A : memref<!tpu.dma_semaphore, #tpu.memory_space<semaphore_mem>>) {add = true}
      %dma_wait3A_400 = arith.constant 0 : i32
      %dma_wait3A_401 = tpu.memref_slice %arg21[%dma_wait3A_400] : memref<1024xf32, #tpu.memory_space<vmem_shared>> -> memref<1024xf32, #tpu.memory_space<vmem_shared>>
      tpu.wait_indirect_dma semaphore(%run_scoped3A : memref<!tpu.dma_semaphore, #tpu.memory_space<semaphore_mem>>) src(%arg18 : memref<1024xf32, #tpu.memory_space<vmem>>) dst(%dma_wait3A_401 : memref<1024xf32, #tpu.memory_space<vmem_shared>>)
      tpu.yield
    }) : () -> ()
    %barrier3A_187 = arith.constant 0 : index
    tpu.barrier barrier_id(%barrier3A_187)
    %eq3A_188 = arith.constant 0 : i32
    %eq3A_189 = arith.cmpi eq, %arg1, %eq3A_188 : i32
    %convert_element_type3A_190 = arith.extui %eq3A_189 : i1 to i32
    %cond3A_191 = arith.constant 0 : i32
    %cond3A_192 = arith.cmpi ne, %convert_element_type3A_190, %cond3A_191 : i32
    scf.if %cond3A_192 {
      %mul3A_398 = arith.constant 1024 : i32
      %mul3A_399 = arith.muli %arg0, %mul3A_398 : i32
      "tpu.region"() ({
        %run_scoped3A = tpu.sem_alloc : memref<!tpu.dma_semaphore, #tpu.memory_space<semaphore_mem>>
        %dma_start3A_402 = tpu.memref_slice %arg7[%mul3A_399] : memref<2048xf32, #tpu.memory_space<hbm>> -> memref<1024xf32, #tpu.memory_space<hbm>>
        tpu.enqueue_dma source(%arg20 : memref<1024xf32, #tpu.memory_space<vmem_shared>>) target(%dma_start3A_402 : memref<1024xf32, #tpu.memory_space<hbm>>) target_semaphore(%run_scoped3A : memref<!tpu.dma_semaphore, #tpu.memory_space<semaphore_mem>>)
        %dma_wait3A_403 = tpu.memref_slice %arg7[%mul3A_399] : memref<2048xf32, #tpu.memory_space<hbm>> -> memref<1024xf32, #tpu.memory_space<hbm>>
        tpu.wait_dma2 semaphore(%run_scoped3A : memref<!tpu.dma_semaphore, #tpu.memory_space<semaphore_mem>>) src(%arg20 : memref<1024xf32, #tpu.memory_space<vmem_shared>>) dst(%dma_wait3A_403 : memref<1024xf32, #tpu.memory_space<hbm>>)
        tpu.yield
      }) : () -> ()
      %mul3A_400 = arith.constant 1024 : i32
      %mul3A_401 = arith.muli %arg0, %mul3A_400 : i32
      "tpu.region"() ({
        %run_scoped3A = tpu.sem_alloc : memref<!tpu.dma_semaphore, #tpu.memory_space<semaphore_mem>>
        %dma_start3A_402 = tpu.memref_slice %arg8[%mul3A_401] : memref<2048xf32, #tpu.memory_space<hbm>> -> memref<1024xf32, #tpu.memory_space<hbm>>
        tpu.enqueue_dma source(%arg21 : memref<1024xf32, #tpu.memory_space<vmem_shared>>) target(%dma_start3A_402 : memref<1024xf32, #tpu.memory_space<hbm>>) target_semaphore(%run_scoped3A : memref<!tpu.dma_semaphore, #tpu.memory_space<semaphore_mem>>)
        %dma_wait3A_403 = tpu.memref_slice %arg8[%mul3A_401] : memref<2048xf32, #tpu.memory_space<hbm>> -> memref<1024xf32, #tpu.memory_space<hbm>>
        tpu.wait_dma2 semaphore(%run_scoped3A : memref<!tpu.dma_semaphore, #tpu.memory_space<semaphore_mem>>) src(%arg21 : memref<1024xf32, #tpu.memory_space<vmem_shared>>) dst(%dma_wait3A_403 : memref<1024xf32, #tpu.memory_space<hbm>>)
        tpu.yield
      }) : () -> ()
    } else {
    }
    %barrier3A_193 = arith.constant 0 : index
    tpu.barrier barrier_id(%barrier3A_193)
    %sub3A = arith.constant 1 : i32
    %sub3A_194 = arith.subi %sub3A, %arg0 : i32
    %semaphore_signal3A = arith.constant 1 : i32
    tpu.sem_signal %arg32, %semaphore_signal3A core_id %sub3A_194 : memref<!tpu.semaphore, #tpu.memory_space<semaphore_mem>>
    %semaphore_wait3A = arith.constant 1 : i32
    %semaphore_wait3A_195 = arith.constant true
    tpu.sem_wait %arg32, %semaphore_wait3A : memref<!tpu.semaphore, #tpu.memory_space<semaphore_mem>>
    tpu.enqueue_dma source(%arg7 : memref<2048xf32, #tpu.memory_space<hbm>>) target(%arg22 : memref<2048xf32, #tpu.memory_space<vmem>>) target_semaphore(%arg31 : memref<!tpu.dma_semaphore, #tpu.memory_space<semaphore_mem>>)
    tpu.enqueue_dma source(%arg8 : memref<2048xf32, #tpu.memory_space<hbm>>) target(%arg23 : memref<2048xf32, #tpu.memory_space<vmem>>) target_semaphore(%arg31 : memref<!tpu.dma_semaphore, #tpu.memory_space<semaphore_mem>>)
    tpu.wait_dma2 semaphore(%arg31 : memref<!tpu.dma_semaphore, #tpu.memory_space<semaphore_mem>>) src(%arg7 : memref<2048xf32, #tpu.memory_space<hbm>>) dst(%arg22 : memref<2048xf32, #tpu.memory_space<vmem>>)
    tpu.wait_dma2 semaphore(%arg31 : memref<!tpu.dma_semaphore, #tpu.memory_space<semaphore_mem>>) src(%arg8 : memref<2048xf32, #tpu.memory_space<hbm>>) dst(%arg23 : memref<2048xf32, #tpu.memory_space<vmem>>)
    tpu.wait_dma2 semaphore(%arg31 : memref<!tpu.dma_semaphore, #tpu.memory_space<semaphore_mem>>) src(%arg4 : memref<1024xf32, #tpu.memory_space<hbm>>) dst(%arg24 : memref<1024xf32, #tpu.memory_space<vmem>>)
    %parallel_loop3A_196 = arith.constant 0 : i32
    %parallel_loop3A_197 = arith.constant 64 : i32
    %parallel_loop3A_198 = arith.constant 1 : i32
    scf.for %parallel_loop3A_398 = %parallel_loop3A_196 to %parallel_loop3A_197 step %parallel_loop3A_198  : i32 {
      %parallel_loop3A_399 = arith.constant 0.000000e+00 : f32
      %parallel_loop3A_400 = vector.broadcast %parallel_loop3A_399 : f32 to vector<16xf32>
      %parallel_loop3A_401 = arith.constant 0.000000e+00 : f32
      %parallel_loop3A_402 = vector.broadcast %parallel_loop3A_401 : f32 to vector<16xf32>
      %parallel_loop3A_403 = arith.constant 16 : i32
      %parallel_loop3A_404 = arith.muli %parallel_loop3A_398, %parallel_loop3A_403 : i32
      %parallel_loop3A_405 = arith.constant 0 : i32
      %parallel_loop3A_406 = arith.addi %parallel_loop3A_404, %parallel_loop3A_405 : i32
      %parallel_loop3A_407 = arith.index_cast %parallel_loop3A_406 : i32 to index
      %parallel_loop3A_408 = tpu.vector_load %arg22[%parallel_loop3A_407] {strides = array<i32>} : memref<2048xf32, #tpu.memory_space<vmem>>, vector<16xf32>,
      %parallel_loop3A_409 = arith.addf %parallel_loop3A_400, %parallel_loop3A_408 : vector<16xf32>
      %parallel_loop3A_410 = arith.constant 16 : i32
      %parallel_loop3A_411 = arith.muli %parallel_loop3A_398, %parallel_loop3A_410 : i32
      %parallel_loop3A_412 = arith.constant 0 : i32
      %parallel_loop3A_413 = arith.addi %parallel_loop3A_411, %parallel_loop3A_412 : i32
      %parallel_loop3A_414 = arith.index_cast %parallel_loop3A_413 : i32 to index
      %parallel_loop3A_415 = tpu.vector_load %arg23[%parallel_loop3A_414] {strides = array<i32>} : memref<2048xf32, #tpu.memory_space<vmem>>, vector<16xf32>,
      %parallel_loop3A_416 = arith.addf %parallel_loop3A_402, %parallel_loop3A_415 : vector<16xf32>
      %parallel_loop3A_417 = arith.constant 16 : i32
      %parallel_loop3A_418 = arith.muli %parallel_loop3A_398, %parallel_loop3A_417 : i32
      %parallel_loop3A_419 = arith.constant 1024 : i32
      %parallel_loop3A_420 = arith.addi %parallel_loop3A_418, %parallel_loop3A_419 : i32
      %parallel_loop3A_421 = arith.index_cast %parallel_loop3A_420 : i32 to index
      %parallel_loop3A_422 = tpu.vector_load %arg22[%parallel_loop3A_421] {strides = array<i32>} : memref<2048xf32, #tpu.memory_space<vmem>>, vector<16xf32>,
      %parallel_loop3A_423 = arith.addf %parallel_loop3A_409, %parallel_loop3A_422 : vector<16xf32>
      %parallel_loop3A_424 = arith.constant 16 : i32
      %parallel_loop3A_425 = arith.muli %parallel_loop3A_398, %parallel_loop3A_424 : i32
      %parallel_loop3A_426 = arith.constant 1024 : i32
      %parallel_loop3A_427 = arith.addi %parallel_loop3A_425, %parallel_loop3A_426 : i32
      %parallel_loop3A_428 = arith.index_cast %parallel_loop3A_427 : i32 to index
      %parallel_loop3A_429 = tpu.vector_load %arg23[%parallel_loop3A_428] {strides = array<i32>} : memref<2048xf32, #tpu.memory_space<vmem>>, vector<16xf32>,
      %parallel_loop3A_430 = arith.addf %parallel_loop3A_416, %parallel_loop3A_429 : vector<16xf32>
      %parallel_loop3A_431 = arith.constant 16 : i32
      %parallel_loop3A_432 = arith.muli %parallel_loop3A_398, %parallel_loop3A_431 : i32
      %parallel_loop3A_433 = arith.index_cast %parallel_loop3A_432 : i32 to index
      %parallel_loop3A_434 = tpu.vector_load %arg24[%parallel_loop3A_433] {strides = array<i32>} : memref<1024xf32, #tpu.memory_space<vmem>>, vector<16xf32>,
      %parallel_loop3A_435 = arith.subf %parallel_loop3A_434, %parallel_loop3A_423 : vector<16xf32>
      %parallel_loop3A_436 = arith.divf %parallel_loop3A_435, %parallel_loop3A_430 : vector<16xf32>
      %parallel_loop3A_437 = arith.index_cast %parallel_loop3A_432 : i32 to index
      %parallel_loop3A_438 = tpu.vector_load %arg25[%parallel_loop3A_437] {strides = array<i32>} : memref<1024xf32, #tpu.memory_space<vmem>>, vector<16xf32>,
      tpu.vector_store %arg25[%parallel_loop3A_437], %parallel_loop3A_436 {strides = array<i32>} : memref<1024xf32, #tpu.memory_space<vmem>>, vector<16xf32>,
      %parallel_loop3A_439 = arith.index_cast %parallel_loop3A_432 : i32 to index
      %parallel_loop3A_440 = tpu.vector_load %arg26[%parallel_loop3A_439] {strides = array<i32>} : memref<1024xf32, #tpu.memory_space<vmem>>, vector<16xf32>,
      tpu.vector_store %arg26[%parallel_loop3A_439], %parallel_loop3A_423 {strides = array<i32>} : memref<1024xf32, #tpu.memory_space<vmem>>, vector<16xf32>,
    } {sc.loop_unroll_factor = 4 : i64, sc.parallel_access}
    %dma_wait3A_199 = tpu.memref_slice %arg2[%add3A_172] : memref<3200000xf32, #tpu.memory_space<hbm>> -> memref<10000xf32, #tpu.memory_space<hbm>>
    %dma_wait3A_200 = tpu.memref_slice %arg2[%add3A_172] : memref<3200000xf32, #tpu.memory_space<hbm>> -> memref<10000xf32, #tpu.memory_space<hbm>>
    tpu.wait_dma2 semaphore(%arg27 : memref<!tpu.dma_semaphore, #tpu.memory_space<semaphore_mem>>) src(%dma_wait3A_200 : memref<10000xf32, #tpu.memory_space<hbm>>) dst(%arg9 : memref<10000xf32, #tpu.memory_space<vmem>>)
    %dma_wait3A_201 = tpu.memref_slice %arg3[%add3A_176] : memref<3200000xi32, #tpu.memory_space<hbm>> -> memref<10000xi32, #tpu.memory_space<hbm>>
    %dma_wait3A_202 = tpu.memref_slice %arg3[%add3A_176] : memref<3200000xi32, #tpu.memory_space<hbm>> -> memref<10000xi32, #tpu.memory_space<hbm>>
    tpu.wait_dma2 semaphore(%arg27 : memref<!tpu.dma_semaphore, #tpu.memory_space<semaphore_mem>>) src(%dma_wait3A_202 : memref<10000xi32, #tpu.memory_space<hbm>>) dst(%arg13 : memref<10000xi32, #tpu.memory_space<vmem>>)
    %parallel_loop3A_203 = arith.constant 0 : i32
    %parallel_loop3A_204 = arith.constant 625 : i32
    %parallel_loop3A_205 = arith.constant 1 : i32
    scf.for %parallel_loop3A_398 = %parallel_loop3A_203 to %parallel_loop3A_204 step %parallel_loop3A_205  : i32 {
      %parallel_loop3A_399 = arith.constant 16 : i32
      %parallel_loop3A_400 = arith.muli %parallel_loop3A_398, %parallel_loop3A_399 : i32
      %parallel_loop3A_401 = arith.index_cast %parallel_loop3A_400 : i32 to index
      %parallel_loop3A_402 = tpu.vector_load %arg13[%parallel_loop3A_401] {strides = array<i32>} : memref<10000xi32, #tpu.memory_space<vmem>>, vector<16xi32>,
      %parallel_loop3A_403 = arith.index_cast %parallel_loop3A_400 : i32 to index
      %parallel_loop3A_404 = tpu.vector_load %arg9[%parallel_loop3A_403] {strides = array<i32>} : memref<10000xf32, #tpu.memory_space<vmem>>, vector<16xf32>,
      %parallel_loop3A_405 = tpu.vector_load_idx %arg25[%parallel_loop3A_402] : memref<1024xf32, #tpu.memory_space<vmem>>[vector<16xi32>], vector<16xf32>,
      %parallel_loop3A_406 = arith.addf %parallel_loop3A_404, %parallel_loop3A_405 : vector<16xf32>
      %parallel_loop3A_407 = arith.index_cast %parallel_loop3A_400 : i32 to index
      %parallel_loop3A_408 = tpu.vector_load %arg11[%parallel_loop3A_407] {strides = array<i32>} : memref<10000xf32, #tpu.memory_space<vmem>>, vector<16xf32>,
      tpu.vector_store %arg11[%parallel_loop3A_407], %parallel_loop3A_406 {strides = array<i32>} : memref<10000xf32, #tpu.memory_space<vmem>>, vector<16xf32>,
    } {sc.loop_unroll_factor = 4 : i64, sc.parallel_access}
    %add3A_206 = arith.constant 0 : i32
    %add3A_207 = arith.addi %mul3A_2, %add3A_206 : i32
    %dma_start3A_208 = tpu.memref_slice %arg5[%add3A_207] : memref<3200000xf32, #tpu.memory_space<hbm>> -> memref<10000xf32, #tpu.memory_space<hbm>>
    %dma_start3A_209 = tpu.memref_slice %arg5[%add3A_207] : memref<3200000xf32, #tpu.memory_space<hbm>> -> memref<10000xf32, #tpu.memory_space<hbm>>
    tpu.enqueue_dma source(%arg11 : memref<10000xf32, #tpu.memory_space<vmem>>) target(%dma_start3A_209 : memref<10000xf32, #tpu.memory_space<hbm>>) target_semaphore(%arg29 : memref<!tpu.dma_semaphore, #tpu.memory_space<semaphore_mem>>)
    %add3A_210 = arith.constant 20000 : i32
    %add3A_211 = arith.addi %mul3A_2, %add3A_210 : i32
    %dma_start3A_212 = tpu.memref_slice %arg2[%add3A_211] : memref<3200000xf32, #tpu.memory_space<hbm>> -> memref<10000xf32, #tpu.memory_space<hbm>>
    %dma_start3A_213 = tpu.memref_slice %arg2[%add3A_211] : memref<3200000xf32, #tpu.memory_space<hbm>> -> memref<10000xf32, #tpu.memory_space<hbm>>
    tpu.enqueue_dma source(%dma_start3A_213 : memref<10000xf32, #tpu.memory_space<hbm>>) target(%arg9 : memref<10000xf32, #tpu.memory_space<vmem>>) target_semaphore(%arg27 : memref<!tpu.dma_semaphore, #tpu.memory_space<semaphore_mem>>)
    %add3A_214 = arith.constant 20000 : i32
    %add3A_215 = arith.addi %mul3A_2, %add3A_214 : i32
    %dma_start3A_216 = tpu.memref_slice %arg3[%add3A_215] : memref<3200000xi32, #tpu.memory_space<hbm>> -> memref<10000xi32, #tpu.memory_space<hbm>>
    %dma_start3A_217 = tpu.memref_slice %arg3[%add3A_215] : memref<3200000xi32, #tpu.memory_space<hbm>> -> memref<10000xi32, #tpu.memory_space<hbm>>
    tpu.enqueue_dma source(%dma_start3A_217 : memref<10000xi32, #tpu.memory_space<hbm>>) target(%arg13 : memref<10000xi32, #tpu.memory_space<vmem>>) target_semaphore(%arg27 : memref<!tpu.dma_semaphore, #tpu.memory_space<semaphore_mem>>)
    %dma_wait3A_218 = tpu.memref_slice %arg2[%add3A_180] : memref<3200000xf32, #tpu.memory_space<hbm>> -> memref<10000xf32, #tpu.memory_space<hbm>>
    %dma_wait3A_219 = tpu.memref_slice %arg2[%add3A_180] : memref<3200000xf32, #tpu.memory_space<hbm>> -> memref<10000xf32, #tpu.memory_space<hbm>>
    tpu.wait_dma2 semaphore(%arg28 : memref<!tpu.dma_semaphore, #tpu.memory_space<semaphore_mem>>) src(%dma_wait3A_219 : memref<10000xf32, #tpu.memory_space<hbm>>) dst(%arg10 : memref<10000xf32, #tpu.memory_space<vmem>>)
    %dma_wait3A_220 = tpu.memref_slice %arg3[%add3A_184] : memref<3200000xi32, #tpu.memory_space<hbm>> -> memref<10000xi32, #tpu.memory_space<hbm>>
    %dma_wait3A_221 = tpu.memref_slice %arg3[%add3A_184] : memref<3200000xi32, #tpu.memory_space<hbm>> -> memref<10000xi32, #tpu.memory_space<hbm>>
    tpu.wait_dma2 semaphore(%arg28 : memref<!tpu.dma_semaphore, #tpu.memory_space<semaphore_mem>>) src(%dma_wait3A_221 : memref<10000xi32, #tpu.memory_space<hbm>>) dst(%arg14 : memref<10000xi32, #tpu.memory_space<vmem>>)
    %parallel_loop3A_222 = arith.constant 0 : i32
    %parallel_loop3A_223 = arith.constant 625 : i32
    %parallel_loop3A_224 = arith.constant 1 : i32
    scf.for %parallel_loop3A_398 = %parallel_loop3A_222 to %parallel_loop3A_223 step %parallel_loop3A_224  : i32 {
      %parallel_loop3A_399 = arith.constant 16 : i32
      %parallel_loop3A_400 = arith.muli %parallel_loop3A_398, %parallel_loop3A_399 : i32
      %parallel_loop3A_401 = arith.index_cast %parallel_loop3A_400 : i32 to index
      %parallel_loop3A_402 = tpu.vector_load %arg14[%parallel_loop3A_401] {strides = array<i32>} : memref<10000xi32, #tpu.memory_space<vmem>>, vector<16xi32>,
      %parallel_loop3A_403 = arith.index_cast %parallel_loop3A_400 : i32 to index
      %parallel_loop3A_404 = tpu.vector_load %arg10[%parallel_loop3A_403] {strides = array<i32>} : memref<10000xf32, #tpu.memory_space<vmem>>, vector<16xf32>,
      %parallel_loop3A_405 = tpu.vector_load_idx %arg25[%parallel_loop3A_402] : memref<1024xf32, #tpu.memory_space<vmem>>[vector<16xi32>], vector<16xf32>,
      %parallel_loop3A_406 = arith.addf %parallel_loop3A_404, %parallel_loop3A_405 : vector<16xf32>
      %parallel_loop3A_407 = arith.index_cast %parallel_loop3A_400 : i32 to index
      %parallel_loop3A_408 = tpu.vector_load %arg12[%parallel_loop3A_407] {strides = array<i32>} : memref<10000xf32, #tpu.memory_space<vmem>>, vector<16xf32>,
      tpu.vector_store %arg12[%parallel_loop3A_407], %parallel_loop3A_406 {strides = array<i32>} : memref<10000xf32, #tpu.memory_space<vmem>>, vector<16xf32>,
    } {sc.loop_unroll_factor = 4 : i64, sc.parallel_access}
    %add3A_225 = arith.constant 10000 : i32
    %add3A_226 = arith.addi %mul3A_2, %add3A_225 : i32
    %dma_start3A_227 = tpu.memref_slice %arg5[%add3A_226] : memref<3200000xf32, #tpu.memory_space<hbm>> -> memref<10000xf32, #tpu.memory_space<hbm>>
    %dma_start3A_228 = tpu.memref_slice %arg5[%add3A_226] : memref<3200000xf32, #tpu.memory_space<hbm>> -> memref<10000xf32, #tpu.memory_space<hbm>>
    tpu.enqueue_dma source(%arg12 : memref<10000xf32, #tpu.memory_space<vmem>>) target(%dma_start3A_228 : memref<10000xf32, #tpu.memory_space<hbm>>) target_semaphore(%arg30 : memref<!tpu.dma_semaphore, #tpu.memory_space<semaphore_mem>>)
    %add3A_229 = arith.constant 30000 : i32
    %add3A_230 = arith.addi %mul3A_2, %add3A_229 : i32
    %dma_start3A_231 = tpu.memref_slice %arg2[%add3A_230] : memref<3200000xf32, #tpu.memory_space<hbm>> -> memref<10000xf32, #tpu.memory_space<hbm>>
    %dma_start3A_232 = tpu.memref_slice %arg2[%add3A_230] : memref<3200000xf32, #tpu.memory_space<hbm>> -> memref<10000xf32, #tpu.memory_space<hbm>>
    tpu.enqueue_dma source(%dma_start3A_232 : memref<10000xf32, #tpu.memory_space<hbm>>) target(%arg10 : memref<10000xf32, #tpu.memory_space<vmem>>) target_semaphore(%arg28 : memref<!tpu.dma_semaphore, #tpu.memory_space<semaphore_mem>>)
    %add3A_233 = arith.constant 30000 : i32
    %add3A_234 = arith.addi %mul3A_2, %add3A_233 : i32
    %dma_start3A_235 = tpu.memref_slice %arg3[%add3A_234] : memref<3200000xi32, #tpu.memory_space<hbm>> -> memref<10000xi32, #tpu.memory_space<hbm>>
    %dma_start3A_236 = tpu.memref_slice %arg3[%add3A_234] : memref<3200000xi32, #tpu.memory_space<hbm>> -> memref<10000xi32, #tpu.memory_space<hbm>>
    tpu.enqueue_dma source(%dma_start3A_236 : memref<10000xi32, #tpu.memory_space<hbm>>) target(%arg14 : memref<10000xi32, #tpu.memory_space<vmem>>) target_semaphore(%arg28 : memref<!tpu.dma_semaphore, #tpu.memory_space<semaphore_mem>>)
    %dma_wait3A_237 = tpu.memref_slice %arg2[%add3A_211] : memref<3200000xf32, #tpu.memory_space<hbm>> -> memref<10000xf32, #tpu.memory_space<hbm>>
    %dma_wait3A_238 = tpu.memref_slice %arg2[%add3A_211] : memref<3200000xf32, #tpu.memory_space<hbm>> -> memref<10000xf32, #tpu.memory_space<hbm>>
    tpu.wait_dma2 semaphore(%arg27 : memref<!tpu.dma_semaphore, #tpu.memory_space<semaphore_mem>>) src(%dma_wait3A_238 : memref<10000xf32, #tpu.memory_space<hbm>>) dst(%arg9 : memref<10000xf32, #tpu.memory_space<vmem>>)
    %dma_wait3A_239 = tpu.memref_slice %arg3[%add3A_215] : memref<3200000xi32, #tpu.memory_space<hbm>> -> memref<10000xi32, #tpu.memory_space<hbm>>
    %dma_wait3A_240 = tpu.memref_slice %arg3[%add3A_215] : memref<3200000xi32, #tpu.memory_space<hbm>> -> memref<10000xi32, #tpu.memory_space<hbm>>
    tpu.wait_dma2 semaphore(%arg27 : memref<!tpu.dma_semaphore, #tpu.memory_space<semaphore_mem>>) src(%dma_wait3A_240 : memref<10000xi32, #tpu.memory_space<hbm>>) dst(%arg13 : memref<10000xi32, #tpu.memory_space<vmem>>)
    %dma_wait3A_241 = tpu.memref_slice %arg5[%add3A_207] : memref<3200000xf32, #tpu.memory_space<hbm>> -> memref<10000xf32, #tpu.memory_space<hbm>>
    %dma_wait3A_242 = tpu.memref_slice %arg5[%add3A_207] : memref<3200000xf32, #tpu.memory_space<hbm>> -> memref<10000xf32, #tpu.memory_space<hbm>>
    tpu.wait_dma2 semaphore(%arg29 : memref<!tpu.dma_semaphore, #tpu.memory_space<semaphore_mem>>) src(%arg11 : memref<10000xf32, #tpu.memory_space<vmem>>) dst(%dma_wait3A_242 : memref<10000xf32, #tpu.memory_space<hbm>>)
    %parallel_loop3A_243 = arith.constant 0 : i32
    %parallel_loop3A_244 = arith.constant 625 : i32
    %parallel_loop3A_245 = arith.constant 1 : i32
    scf.for %parallel_loop3A_398 = %parallel_loop3A_243 to %parallel_loop3A_244 step %parallel_loop3A_245  : i32 {
      %parallel_loop3A_399 = arith.constant 16 : i32
      %parallel_loop3A_400 = arith.muli %parallel_loop3A_398, %parallel_loop3A_399 : i32
      %parallel_loop3A_401 = arith.index_cast %parallel_loop3A_400 : i32 to index
      %parallel_loop3A_402 = tpu.vector_load %arg13[%parallel_loop3A_401] {strides = array<i32>} : memref<10000xi32, #tpu.memory_space<vmem>>, vector<16xi32>,
      %parallel_loop3A_403 = arith.index_cast %parallel_loop3A_400 : i32 to index
      %parallel_loop3A_404 = tpu.vector_load %arg9[%parallel_loop3A_403] {strides = array<i32>} : memref<10000xf32, #tpu.memory_space<vmem>>, vector<16xf32>,
      %parallel_loop3A_405 = tpu.vector_load_idx %arg25[%parallel_loop3A_402] : memref<1024xf32, #tpu.memory_space<vmem>>[vector<16xi32>], vector<16xf32>,
      %parallel_loop3A_406 = arith.addf %parallel_loop3A_404, %parallel_loop3A_405 : vector<16xf32>
      %parallel_loop3A_407 = arith.index_cast %parallel_loop3A_400 : i32 to index
      %parallel_loop3A_408 = tpu.vector_load %arg11[%parallel_loop3A_407] {strides = array<i32>} : memref<10000xf32, #tpu.memory_space<vmem>>, vector<16xf32>,
      tpu.vector_store %arg11[%parallel_loop3A_407], %parallel_loop3A_406 {strides = array<i32>} : memref<10000xf32, #tpu.memory_space<vmem>>, vector<16xf32>,
    } {sc.loop_unroll_factor = 4 : i64, sc.parallel_access}
    %add3A_246 = arith.constant 20000 : i32
    %add3A_247 = arith.addi %mul3A_2, %add3A_246 : i32
    %dma_start3A_248 = tpu.memref_slice %arg5[%add3A_247] : memref<3200000xf32, #tpu.memory_space<hbm>> -> memref<10000xf32, #tpu.memory_space<hbm>>
    %dma_start3A_249 = tpu.memref_slice %arg5[%add3A_247] : memref<3200000xf32, #tpu.memory_space<hbm>> -> memref<10000xf32, #tpu.memory_space<hbm>>
    tpu.enqueue_dma source(%arg11 : memref<10000xf32, #tpu.memory_space<vmem>>) target(%dma_start3A_249 : memref<10000xf32, #tpu.memory_space<hbm>>) target_semaphore(%arg29 : memref<!tpu.dma_semaphore, #tpu.memory_space<semaphore_mem>>)
    %add3A_250 = arith.constant 40000 : i32
    %add3A_251 = arith.addi %mul3A_2, %add3A_250 : i32
    %dma_start3A_252 = tpu.memref_slice %arg2[%add3A_251] : memref<3200000xf32, #tpu.memory_space<hbm>> -> memref<10000xf32, #tpu.memory_space<hbm>>
    %dma_start3A_253 = tpu.memref_slice %arg2[%add3A_251] : memref<3200000xf32, #tpu.memory_space<hbm>> -> memref<10000xf32, #tpu.memory_space<hbm>>
    tpu.enqueue_dma source(%dma_start3A_253 : memref<10000xf32, #tpu.memory_space<hbm>>) target(%arg9 : memref<10000xf32, #tpu.memory_space<vmem>>) target_semaphore(%arg27 : memref<!tpu.dma_semaphore, #tpu.memory_space<semaphore_mem>>)
    %add3A_254 = arith.constant 40000 : i32
    %add3A_255 = arith.addi %mul3A_2, %add3A_254 : i32
    %dma_start3A_256 = tpu.memref_slice %arg3[%add3A_255] : memref<3200000xi32, #tpu.memory_space<hbm>> -> memref<10000xi32, #tpu.memory_space<hbm>>
    %dma_start3A_257 = tpu.memref_slice %arg3[%add3A_255] : memref<3200000xi32, #tpu.memory_space<hbm>> -> memref<10000xi32, #tpu.memory_space<hbm>>
    tpu.enqueue_dma source(%dma_start3A_257 : memref<10000xi32, #tpu.memory_space<hbm>>) target(%arg13 : memref<10000xi32, #tpu.memory_space<vmem>>) target_semaphore(%arg27 : memref<!tpu.dma_semaphore, #tpu.memory_space<semaphore_mem>>)
    %dma_wait3A_258 = tpu.memref_slice %arg2[%add3A_230] : memref<3200000xf32, #tpu.memory_space<hbm>> -> memref<10000xf32, #tpu.memory_space<hbm>>
    %dma_wait3A_259 = tpu.memref_slice %arg2[%add3A_230] : memref<3200000xf32, #tpu.memory_space<hbm>> -> memref<10000xf32, #tpu.memory_space<hbm>>
    tpu.wait_dma2 semaphore(%arg28 : memref<!tpu.dma_semaphore, #tpu.memory_space<semaphore_mem>>) src(%dma_wait3A_259 : memref<10000xf32, #tpu.memory_space<hbm>>) dst(%arg10 : memref<10000xf32, #tpu.memory_space<vmem>>)
    %dma_wait3A_260 = tpu.memref_slice %arg3[%add3A_234] : memref<3200000xi32, #tpu.memory_space<hbm>> -> memref<10000xi32, #tpu.memory_space<hbm>>
    %dma_wait3A_261 = tpu.memref_slice %arg3[%add3A_234] : memref<3200000xi32, #tpu.memory_space<hbm>> -> memref<10000xi32, #tpu.memory_space<hbm>>
    tpu.wait_dma2 semaphore(%arg28 : memref<!tpu.dma_semaphore, #tpu.memory_space<semaphore_mem>>) src(%dma_wait3A_261 : memref<10000xi32, #tpu.memory_space<hbm>>) dst(%arg14 : memref<10000xi32, #tpu.memory_space<vmem>>)
    %dma_wait3A_262 = tpu.memref_slice %arg5[%add3A_226] : memref<3200000xf32, #tpu.memory_space<hbm>> -> memref<10000xf32, #tpu.memory_space<hbm>>
    %dma_wait3A_263 = tpu.memref_slice %arg5[%add3A_226] : memref<3200000xf32, #tpu.memory_space<hbm>> -> memref<10000xf32, #tpu.memory_space<hbm>>
    tpu.wait_dma2 semaphore(%arg30 : memref<!tpu.dma_semaphore, #tpu.memory_space<semaphore_mem>>) src(%arg12 : memref<10000xf32, #tpu.memory_space<vmem>>) dst(%dma_wait3A_263 : memref<10000xf32, #tpu.memory_space<hbm>>)
    %parallel_loop3A_264 = arith.constant 0 : i32
    %parallel_loop3A_265 = arith.constant 625 : i32
    %parallel_loop3A_266 = arith.constant 1 : i32
    scf.for %parallel_loop3A_398 = %parallel_loop3A_264 to %parallel_loop3A_265 step %parallel_loop3A_266  : i32 {
      %parallel_loop3A_399 = arith.constant 16 : i32
      %parallel_loop3A_400 = arith.muli %parallel_loop3A_398, %parallel_loop3A_399 : i32
      %parallel_loop3A_401 = arith.index_cast %parallel_loop3A_400 : i32 to index
      %parallel_loop3A_402 = tpu.vector_load %arg14[%parallel_loop3A_401] {strides = array<i32>} : memref<10000xi32, #tpu.memory_space<vmem>>, vector<16xi32>,
      %parallel_loop3A_403 = arith.index_cast %parallel_loop3A_400 : i32 to index
      %parallel_loop3A_404 = tpu.vector_load %arg10[%parallel_loop3A_403] {strides = array<i32>} : memref<10000xf32, #tpu.memory_space<vmem>>, vector<16xf32>,
      %parallel_loop3A_405 = tpu.vector_load_idx %arg25[%parallel_loop3A_402] : memref<1024xf32, #tpu.memory_space<vmem>>[vector<16xi32>], vector<16xf32>,
      %parallel_loop3A_406 = arith.addf %parallel_loop3A_404, %parallel_loop3A_405 : vector<16xf32>
      %parallel_loop3A_407 = arith.index_cast %parallel_loop3A_400 : i32 to index
      %parallel_loop3A_408 = tpu.vector_load %arg12[%parallel_loop3A_407] {strides = array<i32>} : memref<10000xf32, #tpu.memory_space<vmem>>, vector<16xf32>,
      tpu.vector_store %arg12[%parallel_loop3A_407], %parallel_loop3A_406 {strides = array<i32>} : memref<10000xf32, #tpu.memory_space<vmem>>, vector<16xf32>,
    } {sc.loop_unroll_factor = 4 : i64, sc.parallel_access}
    %add3A_267 = arith.constant 30000 : i32
    %add3A_268 = arith.addi %mul3A_2, %add3A_267 : i32
    %dma_start3A_269 = tpu.memref_slice %arg5[%add3A_268] : memref<3200000xf32, #tpu.memory_space<hbm>> -> memref<10000xf32, #tpu.memory_space<hbm>>
    %dma_start3A_270 = tpu.memref_slice %arg5[%add3A_268] : memref<3200000xf32, #tpu.memory_space<hbm>> -> memref<10000xf32, #tpu.memory_space<hbm>>
    tpu.enqueue_dma source(%arg12 : memref<10000xf32, #tpu.memory_space<vmem>>) target(%dma_start3A_270 : memref<10000xf32, #tpu.memory_space<hbm>>) target_semaphore(%arg30 : memref<!tpu.dma_semaphore, #tpu.memory_space<semaphore_mem>>)
    %add3A_271 = arith.constant 50000 : i32
    %add3A_272 = arith.addi %mul3A_2, %add3A_271 : i32
    %dma_start3A_273 = tpu.memref_slice %arg2[%add3A_272] : memref<3200000xf32, #tpu.memory_space<hbm>> -> memref<10000xf32, #tpu.memory_space<hbm>>
    %dma_start3A_274 = tpu.memref_slice %arg2[%add3A_272] : memref<3200000xf32, #tpu.memory_space<hbm>> -> memref<10000xf32, #tpu.memory_space<hbm>>
    tpu.enqueue_dma source(%dma_start3A_274 : memref<10000xf32, #tpu.memory_space<hbm>>) target(%arg10 : memref<10000xf32, #tpu.memory_space<vmem>>) target_semaphore(%arg28 : memref<!tpu.dma_semaphore, #tpu.memory_space<semaphore_mem>>)
    %add3A_275 = arith.constant 50000 : i32
    %add3A_276 = arith.addi %mul3A_2, %add3A_275 : i32
    %dma_start3A_277 = tpu.memref_slice %arg3[%add3A_276] : memref<3200000xi32, #tpu.memory_space<hbm>> -> memref<10000xi32, #tpu.memory_space<hbm>>
    %dma_start3A_278 = tpu.memref_slice %arg3[%add3A_276] : memref<3200000xi32, #tpu.memory_space<hbm>> -> memref<10000xi32, #tpu.memory_space<hbm>>
    tpu.enqueue_dma source(%dma_start3A_278 : memref<10000xi32, #tpu.memory_space<hbm>>) target(%arg14 : memref<10000xi32, #tpu.memory_space<vmem>>) target_semaphore(%arg28 : memref<!tpu.dma_semaphore, #tpu.memory_space<semaphore_mem>>)
    %dma_wait3A_279 = tpu.memref_slice %arg2[%add3A_251] : memref<3200000xf32, #tpu.memory_space<hbm>> -> memref<10000xf32, #tpu.memory_space<hbm>>
    %dma_wait3A_280 = tpu.memref_slice %arg2[%add3A_251] : memref<3200000xf32, #tpu.memory_space<hbm>> -> memref<10000xf32, #tpu.memory_space<hbm>>
    tpu.wait_dma2 semaphore(%arg27 : memref<!tpu.dma_semaphore, #tpu.memory_space<semaphore_mem>>) src(%dma_wait3A_280 : memref<10000xf32, #tpu.memory_space<hbm>>) dst(%arg9 : memref<10000xf32, #tpu.memory_space<vmem>>)
    %dma_wait3A_281 = tpu.memref_slice %arg3[%add3A_255] : memref<3200000xi32, #tpu.memory_space<hbm>> -> memref<10000xi32, #tpu.memory_space<hbm>>
    %dma_wait3A_282 = tpu.memref_slice %arg3[%add3A_255] : memref<3200000xi32, #tpu.memory_space<hbm>> -> memref<10000xi32, #tpu.memory_space<hbm>>
    tpu.wait_dma2 semaphore(%arg27 : memref<!tpu.dma_semaphore, #tpu.memory_space<semaphore_mem>>) src(%dma_wait3A_282 : memref<10000xi32, #tpu.memory_space<hbm>>) dst(%arg13 : memref<10000xi32, #tpu.memory_space<vmem>>)
    %dma_wait3A_283 = tpu.memref_slice %arg5[%add3A_247] : memref<3200000xf32, #tpu.memory_space<hbm>> -> memref<10000xf32, #tpu.memory_space<hbm>>
    %dma_wait3A_284 = tpu.memref_slice %arg5[%add3A_247] : memref<3200000xf32, #tpu.memory_space<hbm>> -> memref<10000xf32, #tpu.memory_space<hbm>>
    tpu.wait_dma2 semaphore(%arg29 : memref<!tpu.dma_semaphore, #tpu.memory_space<semaphore_mem>>) src(%arg11 : memref<10000xf32, #tpu.memory_space<vmem>>) dst(%dma_wait3A_284 : memref<10000xf32, #tpu.memory_space<hbm>>)
    %parallel_loop3A_285 = arith.constant 0 : i32
    %parallel_loop3A_286 = arith.constant 625 : i32
    %parallel_loop3A_287 = arith.constant 1 : i32
    scf.for %parallel_loop3A_398 = %parallel_loop3A_285 to %parallel_loop3A_286 step %parallel_loop3A_287  : i32 {
      %parallel_loop3A_399 = arith.constant 16 : i32
      %parallel_loop3A_400 = arith.muli %parallel_loop3A_398, %parallel_loop3A_399 : i32
      %parallel_loop3A_401 = arith.index_cast %parallel_loop3A_400 : i32 to index
      %parallel_loop3A_402 = tpu.vector_load %arg13[%parallel_loop3A_401] {strides = array<i32>} : memref<10000xi32, #tpu.memory_space<vmem>>, vector<16xi32>,
      %parallel_loop3A_403 = arith.index_cast %parallel_loop3A_400 : i32 to index
      %parallel_loop3A_404 = tpu.vector_load %arg9[%parallel_loop3A_403] {strides = array<i32>} : memref<10000xf32, #tpu.memory_space<vmem>>, vector<16xf32>,
      %parallel_loop3A_405 = tpu.vector_load_idx %arg25[%parallel_loop3A_402] : memref<1024xf32, #tpu.memory_space<vmem>>[vector<16xi32>], vector<16xf32>,
      %parallel_loop3A_406 = arith.addf %parallel_loop3A_404, %parallel_loop3A_405 : vector<16xf32>
      %parallel_loop3A_407 = arith.index_cast %parallel_loop3A_400 : i32 to index
      %parallel_loop3A_408 = tpu.vector_load %arg11[%parallel_loop3A_407] {strides = array<i32>} : memref<10000xf32, #tpu.memory_space<vmem>>, vector<16xf32>,
      tpu.vector_store %arg11[%parallel_loop3A_407], %parallel_loop3A_406 {strides = array<i32>} : memref<10000xf32, #tpu.memory_space<vmem>>, vector<16xf32>,
    } {sc.loop_unroll_factor = 4 : i64, sc.parallel_access}
    %add3A_288 = arith.constant 40000 : i32
    %add3A_289 = arith.addi %mul3A_2, %add3A_288 : i32
    %dma_start3A_290 = tpu.memref_slice %arg5[%add3A_289] : memref<3200000xf32, #tpu.memory_space<hbm>> -> memref<10000xf32, #tpu.memory_space<hbm>>
    %dma_start3A_291 = tpu.memref_slice %arg5[%add3A_289] : memref<3200000xf32, #tpu.memory_space<hbm>> -> memref<10000xf32, #tpu.memory_space<hbm>>
    tpu.enqueue_dma source(%arg11 : memref<10000xf32, #tpu.memory_space<vmem>>) target(%dma_start3A_291 : memref<10000xf32, #tpu.memory_space<hbm>>) target_semaphore(%arg29 : memref<!tpu.dma_semaphore, #tpu.memory_space<semaphore_mem>>)
    %add3A_292 = arith.constant 60000 : i32
    %add3A_293 = arith.addi %mul3A_2, %add3A_292 : i32
    %dma_start3A_294 = tpu.memref_slice %arg2[%add3A_293] : memref<3200000xf32, #tpu.memory_space<hbm>> -> memref<10000xf32, #tpu.memory_space<hbm>>
    %dma_start3A_295 = tpu.memref_slice %arg2[%add3A_293] : memref<3200000xf32, #tpu.memory_space<hbm>> -> memref<10000xf32, #tpu.memory_space<hbm>>
    tpu.enqueue_dma source(%dma_start3A_295 : memref<10000xf32, #tpu.memory_space<hbm>>) target(%arg9 : memref<10000xf32, #tpu.memory_space<vmem>>) target_semaphore(%arg27 : memref<!tpu.dma_semaphore, #tpu.memory_space<semaphore_mem>>)
    %add3A_296 = arith.constant 60000 : i32
    %add3A_297 = arith.addi %mul3A_2, %add3A_296 : i32
    %dma_start3A_298 = tpu.memref_slice %arg3[%add3A_297] : memref<3200000xi32, #tpu.memory_space<hbm>> -> memref<10000xi32, #tpu.memory_space<hbm>>
    %dma_start3A_299 = tpu.memref_slice %arg3[%add3A_297] : memref<3200000xi32, #tpu.memory_space<hbm>> -> memref<10000xi32, #tpu.memory_space<hbm>>
    tpu.enqueue_dma source(%dma_start3A_299 : memref<10000xi32, #tpu.memory_space<hbm>>) target(%arg13 : memref<10000xi32, #tpu.memory_space<vmem>>) target_semaphore(%arg27 : memref<!tpu.dma_semaphore, #tpu.memory_space<semaphore_mem>>)
    %dma_wait3A_300 = tpu.memref_slice %arg2[%add3A_272] : memref<3200000xf32, #tpu.memory_space<hbm>> -> memref<10000xf32, #tpu.memory_space<hbm>>
    %dma_wait3A_301 = tpu.memref_slice %arg2[%add3A_272] : memref<3200000xf32, #tpu.memory_space<hbm>> -> memref<10000xf32, #tpu.memory_space<hbm>>
    tpu.wait_dma2 semaphore(%arg28 : memref<!tpu.dma_semaphore, #tpu.memory_space<semaphore_mem>>) src(%dma_wait3A_301 : memref<10000xf32, #tpu.memory_space<hbm>>) dst(%arg10 : memref<10000xf32, #tpu.memory_space<vmem>>)
    %dma_wait3A_302 = tpu.memref_slice %arg3[%add3A_276] : memref<3200000xi32, #tpu.memory_space<hbm>> -> memref<10000xi32, #tpu.memory_space<hbm>>
    %dma_wait3A_303 = tpu.memref_slice %arg3[%add3A_276] : memref<3200000xi32, #tpu.memory_space<hbm>> -> memref<10000xi32, #tpu.memory_space<hbm>>
    tpu.wait_dma2 semaphore(%arg28 : memref<!tpu.dma_semaphore, #tpu.memory_space<semaphore_mem>>) src(%dma_wait3A_303 : memref<10000xi32, #tpu.memory_space<hbm>>) dst(%arg14 : memref<10000xi32, #tpu.memory_space<vmem>>)
    %dma_wait3A_304 = tpu.memref_slice %arg5[%add3A_268] : memref<3200000xf32, #tpu.memory_space<hbm>> -> memref<10000xf32, #tpu.memory_space<hbm>>
    %dma_wait3A_305 = tpu.memref_slice %arg5[%add3A_268] : memref<3200000xf32, #tpu.memory_space<hbm>> -> memref<10000xf32, #tpu.memory_space<hbm>>
    tpu.wait_dma2 semaphore(%arg30 : memref<!tpu.dma_semaphore, #tpu.memory_space<semaphore_mem>>) src(%arg12 : memref<10000xf32, #tpu.memory_space<vmem>>) dst(%dma_wait3A_305 : memref<10000xf32, #tpu.memory_space<hbm>>)
    %parallel_loop3A_306 = arith.constant 0 : i32
    %parallel_loop3A_307 = arith.constant 625 : i32
    %parallel_loop3A_308 = arith.constant 1 : i32
    scf.for %parallel_loop3A_398 = %parallel_loop3A_306 to %parallel_loop3A_307 step %parallel_loop3A_308  : i32 {
      %parallel_loop3A_399 = arith.constant 16 : i32
      %parallel_loop3A_400 = arith.muli %parallel_loop3A_398, %parallel_loop3A_399 : i32
      %parallel_loop3A_401 = arith.index_cast %parallel_loop3A_400 : i32 to index
      %parallel_loop3A_402 = tpu.vector_load %arg14[%parallel_loop3A_401] {strides = array<i32>} : memref<10000xi32, #tpu.memory_space<vmem>>, vector<16xi32>,
      %parallel_loop3A_403 = arith.index_cast %parallel_loop3A_400 : i32 to index
      %parallel_loop3A_404 = tpu.vector_load %arg10[%parallel_loop3A_403] {strides = array<i32>} : memref<10000xf32, #tpu.memory_space<vmem>>, vector<16xf32>,
      %parallel_loop3A_405 = tpu.vector_load_idx %arg25[%parallel_loop3A_402] : memref<1024xf32, #tpu.memory_space<vmem>>[vector<16xi32>], vector<16xf32>,
      %parallel_loop3A_406 = arith.addf %parallel_loop3A_404, %parallel_loop3A_405 : vector<16xf32>
      %parallel_loop3A_407 = arith.index_cast %parallel_loop3A_400 : i32 to index
      %parallel_loop3A_408 = tpu.vector_load %arg12[%parallel_loop3A_407] {strides = array<i32>} : memref<10000xf32, #tpu.memory_space<vmem>>, vector<16xf32>,
      tpu.vector_store %arg12[%parallel_loop3A_407], %parallel_loop3A_406 {strides = array<i32>} : memref<10000xf32, #tpu.memory_space<vmem>>, vector<16xf32>,
    } {sc.loop_unroll_factor = 4 : i64, sc.parallel_access}
    %add3A_309 = arith.constant 50000 : i32
    %add3A_310 = arith.addi %mul3A_2, %add3A_309 : i32
    %dma_start3A_311 = tpu.memref_slice %arg5[%add3A_310] : memref<3200000xf32, #tpu.memory_space<hbm>> -> memref<10000xf32, #tpu.memory_space<hbm>>
    %dma_start3A_312 = tpu.memref_slice %arg5[%add3A_310] : memref<3200000xf32, #tpu.memory_space<hbm>> -> memref<10000xf32, #tpu.memory_space<hbm>>
    tpu.enqueue_dma source(%arg12 : memref<10000xf32, #tpu.memory_space<vmem>>) target(%dma_start3A_312 : memref<10000xf32, #tpu.memory_space<hbm>>) target_semaphore(%arg30 : memref<!tpu.dma_semaphore, #tpu.memory_space<semaphore_mem>>)
    %add3A_313 = arith.constant 70000 : i32
    %add3A_314 = arith.addi %mul3A_2, %add3A_313 : i32
    %dma_start3A_315 = tpu.memref_slice %arg2[%add3A_314] : memref<3200000xf32, #tpu.memory_space<hbm>> -> memref<10000xf32, #tpu.memory_space<hbm>>
    %dma_start3A_316 = tpu.memref_slice %arg2[%add3A_314] : memref<3200000xf32, #tpu.memory_space<hbm>> -> memref<10000xf32, #tpu.memory_space<hbm>>
    tpu.enqueue_dma source(%dma_start3A_316 : memref<10000xf32, #tpu.memory_space<hbm>>) target(%arg10 : memref<10000xf32, #tpu.memory_space<vmem>>) target_semaphore(%arg28 : memref<!tpu.dma_semaphore, #tpu.memory_space<semaphore_mem>>)
    %add3A_317 = arith.constant 70000 : i32
    %add3A_318 = arith.addi %mul3A_2, %add3A_317 : i32
    %dma_start3A_319 = tpu.memref_slice %arg3[%add3A_318] : memref<3200000xi32, #tpu.memory_space<hbm>> -> memref<10000xi32, #tpu.memory_space<hbm>>
    %dma_start3A_320 = tpu.memref_slice %arg3[%add3A_318] : memref<3200000xi32, #tpu.memory_space<hbm>> -> memref<10000xi32, #tpu.memory_space<hbm>>
    tpu.enqueue_dma source(%dma_start3A_320 : memref<10000xi32, #tpu.memory_space<hbm>>) target(%arg14 : memref<10000xi32, #tpu.memory_space<vmem>>) target_semaphore(%arg28 : memref<!tpu.dma_semaphore, #tpu.memory_space<semaphore_mem>>)
    %dma_wait3A_321 = tpu.memref_slice %arg2[%add3A_293] : memref<3200000xf32, #tpu.memory_space<hbm>> -> memref<10000xf32, #tpu.memory_space<hbm>>
    %dma_wait3A_322 = tpu.memref_slice %arg2[%add3A_293] : memref<3200000xf32, #tpu.memory_space<hbm>> -> memref<10000xf32, #tpu.memory_space<hbm>>
    tpu.wait_dma2 semaphore(%arg27 : memref<!tpu.dma_semaphore, #tpu.memory_space<semaphore_mem>>) src(%dma_wait3A_322 : memref<10000xf32, #tpu.memory_space<hbm>>) dst(%arg9 : memref<10000xf32, #tpu.memory_space<vmem>>)
    %dma_wait3A_323 = tpu.memref_slice %arg3[%add3A_297] : memref<3200000xi32, #tpu.memory_space<hbm>> -> memref<10000xi32, #tpu.memory_space<hbm>>
    %dma_wait3A_324 = tpu.memref_slice %arg3[%add3A_297] : memref<3200000xi32, #tpu.memory_space<hbm>> -> memref<10000xi32, #tpu.memory_space<hbm>>
    tpu.wait_dma2 semaphore(%arg27 : memref<!tpu.dma_semaphore, #tpu.memory_space<semaphore_mem>>) src(%dma_wait3A_324 : memref<10000xi32, #tpu.memory_space<hbm>>) dst(%arg13 : memref<10000xi32, #tpu.memory_space<vmem>>)
    %dma_wait3A_325 = tpu.memref_slice %arg5[%add3A_289] : memref<3200000xf32, #tpu.memory_space<hbm>> -> memref<10000xf32, #tpu.memory_space<hbm>>
    %dma_wait3A_326 = tpu.memref_slice %arg5[%add3A_289] : memref<3200000xf32, #tpu.memory_space<hbm>> -> memref<10000xf32, #tpu.memory_space<hbm>>
    tpu.wait_dma2 semaphore(%arg29 : memref<!tpu.dma_semaphore, #tpu.memory_space<semaphore_mem>>) src(%arg11 : memref<10000xf32, #tpu.memory_space<vmem>>) dst(%dma_wait3A_326 : memref<10000xf32, #tpu.memory_space<hbm>>)
    %parallel_loop3A_327 = arith.constant 0 : i32
    %parallel_loop3A_328 = arith.constant 625 : i32
    %parallel_loop3A_329 = arith.constant 1 : i32
    scf.for %parallel_loop3A_398 = %parallel_loop3A_327 to %parallel_loop3A_328 step %parallel_loop3A_329  : i32 {
      %parallel_loop3A_399 = arith.constant 16 : i32
      %parallel_loop3A_400 = arith.muli %parallel_loop3A_398, %parallel_loop3A_399 : i32
      %parallel_loop3A_401 = arith.index_cast %parallel_loop3A_400 : i32 to index
      %parallel_loop3A_402 = tpu.vector_load %arg13[%parallel_loop3A_401] {strides = array<i32>} : memref<10000xi32, #tpu.memory_space<vmem>>, vector<16xi32>,
      %parallel_loop3A_403 = arith.index_cast %parallel_loop3A_400 : i32 to index
      %parallel_loop3A_404 = tpu.vector_load %arg9[%parallel_loop3A_403] {strides = array<i32>} : memref<10000xf32, #tpu.memory_space<vmem>>, vector<16xf32>,
      %parallel_loop3A_405 = tpu.vector_load_idx %arg25[%parallel_loop3A_402] : memref<1024xf32, #tpu.memory_space<vmem>>[vector<16xi32>], vector<16xf32>,
      %parallel_loop3A_406 = arith.addf %parallel_loop3A_404, %parallel_loop3A_405 : vector<16xf32>
      %parallel_loop3A_407 = arith.index_cast %parallel_loop3A_400 : i32 to index
      %parallel_loop3A_408 = tpu.vector_load %arg11[%parallel_loop3A_407] {strides = array<i32>} : memref<10000xf32, #tpu.memory_space<vmem>>, vector<16xf32>,
      tpu.vector_store %arg11[%parallel_loop3A_407], %parallel_loop3A_406 {strides = array<i32>} : memref<10000xf32, #tpu.memory_space<vmem>>, vector<16xf32>,
    } {sc.loop_unroll_factor = 4 : i64, sc.parallel_access}
    %add3A_330 = arith.constant 60000 : i32
    %add3A_331 = arith.addi %mul3A_2, %add3A_330 : i32
    %dma_start3A_332 = tpu.memref_slice %arg5[%add3A_331] : memref<3200000xf32, #tpu.memory_space<hbm>> -> memref<10000xf32, #tpu.memory_space<hbm>>
    %dma_start3A_333 = tpu.memref_slice %arg5[%add3A_331] : memref<3200000xf32, #tpu.memory_space<hbm>> -> memref<10000xf32, #tpu.memory_space<hbm>>
    tpu.enqueue_dma source(%arg11 : memref<10000xf32, #tpu.memory_space<vmem>>) target(%dma_start3A_333 : memref<10000xf32, #tpu.memory_space<hbm>>) target_semaphore(%arg29 : memref<!tpu.dma_semaphore, #tpu.memory_space<semaphore_mem>>)
    %add3A_334 = arith.constant 80000 : i32
    %add3A_335 = arith.addi %mul3A_2, %add3A_334 : i32
    %dma_start3A_336 = tpu.memref_slice %arg2[%add3A_335] : memref<3200000xf32, #tpu.memory_space<hbm>> -> memref<10000xf32, #tpu.memory_space<hbm>>
    %dma_start3A_337 = tpu.memref_slice %arg2[%add3A_335] : memref<3200000xf32, #tpu.memory_space<hbm>> -> memref<10000xf32, #tpu.memory_space<hbm>>
    tpu.enqueue_dma source(%dma_start3A_337 : memref<10000xf32, #tpu.memory_space<hbm>>) target(%arg9 : memref<10000xf32, #tpu.memory_space<vmem>>) target_semaphore(%arg27 : memref<!tpu.dma_semaphore, #tpu.memory_space<semaphore_mem>>)
    %add3A_338 = arith.constant 80000 : i32
    %add3A_339 = arith.addi %mul3A_2, %add3A_338 : i32
    %dma_start3A_340 = tpu.memref_slice %arg3[%add3A_339] : memref<3200000xi32, #tpu.memory_space<hbm>> -> memref<10000xi32, #tpu.memory_space<hbm>>
    %dma_start3A_341 = tpu.memref_slice %arg3[%add3A_339] : memref<3200000xi32, #tpu.memory_space<hbm>> -> memref<10000xi32, #tpu.memory_space<hbm>>
    tpu.enqueue_dma source(%dma_start3A_341 : memref<10000xi32, #tpu.memory_space<hbm>>) target(%arg13 : memref<10000xi32, #tpu.memory_space<vmem>>) target_semaphore(%arg27 : memref<!tpu.dma_semaphore, #tpu.memory_space<semaphore_mem>>)
    %dma_wait3A_342 = tpu.memref_slice %arg2[%add3A_314] : memref<3200000xf32, #tpu.memory_space<hbm>> -> memref<10000xf32, #tpu.memory_space<hbm>>
    %dma_wait3A_343 = tpu.memref_slice %arg2[%add3A_314] : memref<3200000xf32, #tpu.memory_space<hbm>> -> memref<10000xf32, #tpu.memory_space<hbm>>
    tpu.wait_dma2 semaphore(%arg28 : memref<!tpu.dma_semaphore, #tpu.memory_space<semaphore_mem>>) src(%dma_wait3A_343 : memref<10000xf32, #tpu.memory_space<hbm>>) dst(%arg10 : memref<10000xf32, #tpu.memory_space<vmem>>)
    %dma_wait3A_344 = tpu.memref_slice %arg3[%add3A_318] : memref<3200000xi32, #tpu.memory_space<hbm>> -> memref<10000xi32, #tpu.memory_space<hbm>>
    %dma_wait3A_345 = tpu.memref_slice %arg3[%add3A_318] : memref<3200000xi32, #tpu.memory_space<hbm>> -> memref<10000xi32, #tpu.memory_space<hbm>>
    tpu.wait_dma2 semaphore(%arg28 : memref<!tpu.dma_semaphore, #tpu.memory_space<semaphore_mem>>) src(%dma_wait3A_345 : memref<10000xi32, #tpu.memory_space<hbm>>) dst(%arg14 : memref<10000xi32, #tpu.memory_space<vmem>>)
    %dma_wait3A_346 = tpu.memref_slice %arg5[%add3A_310] : memref<3200000xf32, #tpu.memory_space<hbm>> -> memref<10000xf32, #tpu.memory_space<hbm>>
    %dma_wait3A_347 = tpu.memref_slice %arg5[%add3A_310] : memref<3200000xf32, #tpu.memory_space<hbm>> -> memref<10000xf32, #tpu.memory_space<hbm>>
    tpu.wait_dma2 semaphore(%arg30 : memref<!tpu.dma_semaphore, #tpu.memory_space<semaphore_mem>>) src(%arg12 : memref<10000xf32, #tpu.memory_space<vmem>>) dst(%dma_wait3A_347 : memref<10000xf32, #tpu.memory_space<hbm>>)
    %parallel_loop3A_348 = arith.constant 0 : i32
    %parallel_loop3A_349 = arith.constant 625 : i32
    %parallel_loop3A_350 = arith.constant 1 : i32
    scf.for %parallel_loop3A_398 = %parallel_loop3A_348 to %parallel_loop3A_349 step %parallel_loop3A_350  : i32 {
      %parallel_loop3A_399 = arith.constant 16 : i32
      %parallel_loop3A_400 = arith.muli %parallel_loop3A_398, %parallel_loop3A_399 : i32
      %parallel_loop3A_401 = arith.index_cast %parallel_loop3A_400 : i32 to index
      %parallel_loop3A_402 = tpu.vector_load %arg14[%parallel_loop3A_401] {strides = array<i32>} : memref<10000xi32, #tpu.memory_space<vmem>>, vector<16xi32>,
      %parallel_loop3A_403 = arith.index_cast %parallel_loop3A_400 : i32 to index
      %parallel_loop3A_404 = tpu.vector_load %arg10[%parallel_loop3A_403] {strides = array<i32>} : memref<10000xf32, #tpu.memory_space<vmem>>, vector<16xf32>,
      %parallel_loop3A_405 = tpu.vector_load_idx %arg25[%parallel_loop3A_402] : memref<1024xf32, #tpu.memory_space<vmem>>[vector<16xi32>], vector<16xf32>,
      %parallel_loop3A_406 = arith.addf %parallel_loop3A_404, %parallel_loop3A_405 : vector<16xf32>
      %parallel_loop3A_407 = arith.index_cast %parallel_loop3A_400 : i32 to index
      %parallel_loop3A_408 = tpu.vector_load %arg12[%parallel_loop3A_407] {strides = array<i32>} : memref<10000xf32, #tpu.memory_space<vmem>>, vector<16xf32>,
      tpu.vector_store %arg12[%parallel_loop3A_407], %parallel_loop3A_406 {strides = array<i32>} : memref<10000xf32, #tpu.memory_space<vmem>>, vector<16xf32>,
    } {sc.loop_unroll_factor = 4 : i64, sc.parallel_access}
    %add3A_351 = arith.constant 70000 : i32
    %add3A_352 = arith.addi %mul3A_2, %add3A_351 : i32
    %dma_start3A_353 = tpu.memref_slice %arg5[%add3A_352] : memref<3200000xf32, #tpu.memory_space<hbm>> -> memref<10000xf32, #tpu.memory_space<hbm>>
    %dma_start3A_354 = tpu.memref_slice %arg5[%add3A_352] : memref<3200000xf32, #tpu.memory_space<hbm>> -> memref<10000xf32, #tpu.memory_space<hbm>>
    tpu.enqueue_dma source(%arg12 : memref<10000xf32, #tpu.memory_space<vmem>>) target(%dma_start3A_354 : memref<10000xf32, #tpu.memory_space<hbm>>) target_semaphore(%arg30 : memref<!tpu.dma_semaphore, #tpu.memory_space<semaphore_mem>>)
    %add3A_355 = arith.constant 90000 : i32
    %add3A_356 = arith.addi %mul3A_2, %add3A_355 : i32
    %dma_start3A_357 = tpu.memref_slice %arg2[%add3A_356] : memref<3200000xf32, #tpu.memory_space<hbm>> -> memref<10000xf32, #tpu.memory_space<hbm>>
    %dma_start3A_358 = tpu.memref_slice %arg2[%add3A_356] : memref<3200000xf32, #tpu.memory_space<hbm>> -> memref<10000xf32, #tpu.memory_space<hbm>>
    tpu.enqueue_dma source(%dma_start3A_358 : memref<10000xf32, #tpu.memory_space<hbm>>) target(%arg10 : memref<10000xf32, #tpu.memory_space<vmem>>) target_semaphore(%arg28 : memref<!tpu.dma_semaphore, #tpu.memory_space<semaphore_mem>>)
    %add3A_359 = arith.constant 90000 : i32
    %add3A_360 = arith.addi %mul3A_2, %add3A_359 : i32
    %dma_start3A_361 = tpu.memref_slice %arg3[%add3A_360] : memref<3200000xi32, #tpu.memory_space<hbm>> -> memref<10000xi32, #tpu.memory_space<hbm>>
    %dma_start3A_362 = tpu.memref_slice %arg3[%add3A_360] : memref<3200000xi32, #tpu.memory_space<hbm>> -> memref<10000xi32, #tpu.memory_space<hbm>>
    tpu.enqueue_dma source(%dma_start3A_362 : memref<10000xi32, #tpu.memory_space<hbm>>) target(%arg14 : memref<10000xi32, #tpu.memory_space<vmem>>) target_semaphore(%arg28 : memref<!tpu.dma_semaphore, #tpu.memory_space<semaphore_mem>>)
    %dma_wait3A_363 = tpu.memref_slice %arg2[%add3A_335] : memref<3200000xf32, #tpu.memory_space<hbm>> -> memref<10000xf32, #tpu.memory_space<hbm>>
    %dma_wait3A_364 = tpu.memref_slice %arg2[%add3A_335] : memref<3200000xf32, #tpu.memory_space<hbm>> -> memref<10000xf32, #tpu.memory_space<hbm>>
    tpu.wait_dma2 semaphore(%arg27 : memref<!tpu.dma_semaphore, #tpu.memory_space<semaphore_mem>>) src(%dma_wait3A_364 : memref<10000xf32, #tpu.memory_space<hbm>>) dst(%arg9 : memref<10000xf32, #tpu.memory_space<vmem>>)
    %dma_wait3A_365 = tpu.memref_slice %arg3[%add3A_339] : memref<3200000xi32, #tpu.memory_space<hbm>> -> memref<10000xi32, #tpu.memory_space<hbm>>
    %dma_wait3A_366 = tpu.memref_slice %arg3[%add3A_339] : memref<3200000xi32, #tpu.memory_space<hbm>> -> memref<10000xi32, #tpu.memory_space<hbm>>
    tpu.wait_dma2 semaphore(%arg27 : memref<!tpu.dma_semaphore, #tpu.memory_space<semaphore_mem>>) src(%dma_wait3A_366 : memref<10000xi32, #tpu.memory_space<hbm>>) dst(%arg13 : memref<10000xi32, #tpu.memory_space<vmem>>)
    %dma_wait3A_367 = tpu.memref_slice %arg5[%add3A_331] : memref<3200000xf32, #tpu.memory_space<hbm>> -> memref<10000xf32, #tpu.memory_space<hbm>>
    %dma_wait3A_368 = tpu.memref_slice %arg5[%add3A_331] : memref<3200000xf32, #tpu.memory_space<hbm>> -> memref<10000xf32, #tpu.memory_space<hbm>>
    tpu.wait_dma2 semaphore(%arg29 : memref<!tpu.dma_semaphore, #tpu.memory_space<semaphore_mem>>) src(%arg11 : memref<10000xf32, #tpu.memory_space<vmem>>) dst(%dma_wait3A_368 : memref<10000xf32, #tpu.memory_space<hbm>>)
    %parallel_loop3A_369 = arith.constant 0 : i32
    %parallel_loop3A_370 = arith.constant 625 : i32
    %parallel_loop3A_371 = arith.constant 1 : i32
    scf.for %parallel_loop3A_398 = %parallel_loop3A_369 to %parallel_loop3A_370 step %parallel_loop3A_371  : i32 {
      %parallel_loop3A_399 = arith.constant 16 : i32
      %parallel_loop3A_400 = arith.muli %parallel_loop3A_398, %parallel_loop3A_399 : i32
      %parallel_loop3A_401 = arith.index_cast %parallel_loop3A_400 : i32 to index
      %parallel_loop3A_402 = tpu.vector_load %arg13[%parallel_loop3A_401] {strides = array<i32>} : memref<10000xi32, #tpu.memory_space<vmem>>, vector<16xi32>,
      %parallel_loop3A_403 = arith.index_cast %parallel_loop3A_400 : i32 to index
      %parallel_loop3A_404 = tpu.vector_load %arg9[%parallel_loop3A_403] {strides = array<i32>} : memref<10000xf32, #tpu.memory_space<vmem>>, vector<16xf32>,
      %parallel_loop3A_405 = tpu.vector_load_idx %arg25[%parallel_loop3A_402] : memref<1024xf32, #tpu.memory_space<vmem>>[vector<16xi32>], vector<16xf32>,
      %parallel_loop3A_406 = arith.addf %parallel_loop3A_404, %parallel_loop3A_405 : vector<16xf32>
      %parallel_loop3A_407 = arith.index_cast %parallel_loop3A_400 : i32 to index
      %parallel_loop3A_408 = tpu.vector_load %arg11[%parallel_loop3A_407] {strides = array<i32>} : memref<10000xf32, #tpu.memory_space<vmem>>, vector<16xf32>,
      tpu.vector_store %arg11[%parallel_loop3A_407], %parallel_loop3A_406 {strides = array<i32>} : memref<10000xf32, #tpu.memory_space<vmem>>, vector<16xf32>,
    } {sc.loop_unroll_factor = 4 : i64, sc.parallel_access}
    %add3A_372 = arith.constant 80000 : i32
    %add3A_373 = arith.addi %mul3A_2, %add3A_372 : i32
    %dma_start3A_374 = tpu.memref_slice %arg5[%add3A_373] : memref<3200000xf32, #tpu.memory_space<hbm>> -> memref<10000xf32, #tpu.memory_space<hbm>>
    %dma_start3A_375 = tpu.memref_slice %arg5[%add3A_373] : memref<3200000xf32, #tpu.memory_space<hbm>> -> memref<10000xf32, #tpu.memory_space<hbm>>
    tpu.enqueue_dma source(%arg11 : memref<10000xf32, #tpu.memory_space<vmem>>) target(%dma_start3A_375 : memref<10000xf32, #tpu.memory_space<hbm>>) target_semaphore(%arg29 : memref<!tpu.dma_semaphore, #tpu.memory_space<semaphore_mem>>)
    %dma_wait3A_376 = tpu.memref_slice %arg2[%add3A_356] : memref<3200000xf32, #tpu.memory_space<hbm>> -> memref<10000xf32, #tpu.memory_space<hbm>>
    %dma_wait3A_377 = tpu.memref_slice %arg2[%add3A_356] : memref<3200000xf32, #tpu.memory_space<hbm>> -> memref<10000xf32, #tpu.memory_space<hbm>>
    tpu.wait_dma2 semaphore(%arg28 : memref<!tpu.dma_semaphore, #tpu.memory_space<semaphore_mem>>) src(%dma_wait3A_377 : memref<10000xf32, #tpu.memory_space<hbm>>) dst(%arg10 : memref<10000xf32, #tpu.memory_space<vmem>>)
    %dma_wait3A_378 = tpu.memref_slice %arg3[%add3A_360] : memref<3200000xi32, #tpu.memory_space<hbm>> -> memref<10000xi32, #tpu.memory_space<hbm>>
    %dma_wait3A_379 = tpu.memref_slice %arg3[%add3A_360] : memref<3200000xi32, #tpu.memory_space<hbm>> -> memref<10000xi32, #tpu.memory_space<hbm>>
    tpu.wait_dma2 semaphore(%arg28 : memref<!tpu.dma_semaphore, #tpu.memory_space<semaphore_mem>>) src(%dma_wait3A_379 : memref<10000xi32, #tpu.memory_space<hbm>>) dst(%arg14 : memref<10000xi32, #tpu.memory_space<vmem>>)
    %dma_wait3A_380 = tpu.memref_slice %arg5[%add3A_352] : memref<3200000xf32, #tpu.memory_space<hbm>> -> memref<10000xf32, #tpu.memory_space<hbm>>
    %dma_wait3A_381 = tpu.memref_slice %arg5[%add3A_352] : memref<3200000xf32, #tpu.memory_space<hbm>> -> memref<10000xf32, #tpu.memory_space<hbm>>
    tpu.wait_dma2 semaphore(%arg30 : memref<!tpu.dma_semaphore, #tpu.memory_space<semaphore_mem>>) src(%arg12 : memref<10000xf32, #tpu.memory_space<vmem>>) dst(%dma_wait3A_381 : memref<10000xf32, #tpu.memory_space<hbm>>)
    %parallel_loop3A_382 = arith.constant 0 : i32
    %parallel_loop3A_383 = arith.constant 625 : i32
    %parallel_loop3A_384 = arith.constant 1 : i32
    scf.for %parallel_loop3A_398 = %parallel_loop3A_382 to %parallel_loop3A_383 step %parallel_loop3A_384  : i32 {
      %parallel_loop3A_399 = arith.constant 16 : i32
      %parallel_loop3A_400 = arith.muli %parallel_loop3A_398, %parallel_loop3A_399 : i32
      %parallel_loop3A_401 = arith.index_cast %parallel_loop3A_400 : i32 to index
      %parallel_loop3A_402 = tpu.vector_load %arg14[%parallel_loop3A_401] {strides = array<i32>} : memref<10000xi32, #tpu.memory_space<vmem>>, vector<16xi32>,
      %parallel_loop3A_403 = arith.index_cast %parallel_loop3A_400 : i32 to index
      %parallel_loop3A_404 = tpu.vector_load %arg10[%parallel_loop3A_403] {strides = array<i32>} : memref<10000xf32, #tpu.memory_space<vmem>>, vector<16xf32>,
      %parallel_loop3A_405 = tpu.vector_load_idx %arg25[%parallel_loop3A_402] : memref<1024xf32, #tpu.memory_space<vmem>>[vector<16xi32>], vector<16xf32>,
      %parallel_loop3A_406 = arith.addf %parallel_loop3A_404, %parallel_loop3A_405 : vector<16xf32>
      %parallel_loop3A_407 = arith.index_cast %parallel_loop3A_400 : i32 to index
      %parallel_loop3A_408 = tpu.vector_load %arg12[%parallel_loop3A_407] {strides = array<i32>} : memref<10000xf32, #tpu.memory_space<vmem>>, vector<16xf32>,
      tpu.vector_store %arg12[%parallel_loop3A_407], %parallel_loop3A_406 {strides = array<i32>} : memref<10000xf32, #tpu.memory_space<vmem>>, vector<16xf32>,
    } {sc.loop_unroll_factor = 4 : i64, sc.parallel_access}
    %add3A_385 = arith.constant 90000 : i32
    %add3A_386 = arith.addi %mul3A_2, %add3A_385 : i32
    %dma_start3A_387 = tpu.memref_slice %arg5[%add3A_386] : memref<3200000xf32, #tpu.memory_space<hbm>> -> memref<10000xf32, #tpu.memory_space<hbm>>
    %dma_start3A_388 = tpu.memref_slice %arg5[%add3A_386] : memref<3200000xf32, #tpu.memory_space<hbm>> -> memref<10000xf32, #tpu.memory_space<hbm>>
    tpu.enqueue_dma source(%arg12 : memref<10000xf32, #tpu.memory_space<vmem>>) target(%dma_start3A_388 : memref<10000xf32, #tpu.memory_space<hbm>>) target_semaphore(%arg30 : memref<!tpu.dma_semaphore, #tpu.memory_space<semaphore_mem>>)
    %dma_wait3A_389 = tpu.memref_slice %arg5[%add3A_373] : memref<3200000xf32, #tpu.memory_space<hbm>> -> memref<10000xf32, #tpu.memory_space<hbm>>
    %dma_wait3A_390 = tpu.memref_slice %arg5[%add3A_373] : memref<3200000xf32, #tpu.memory_space<hbm>> -> memref<10000xf32, #tpu.memory_space<hbm>>
    tpu.wait_dma2 semaphore(%arg29 : memref<!tpu.dma_semaphore, #tpu.memory_space<semaphore_mem>>) src(%arg11 : memref<10000xf32, #tpu.memory_space<vmem>>) dst(%dma_wait3A_390 : memref<10000xf32, #tpu.memory_space<hbm>>)
    %dma_wait3A_391 = tpu.memref_slice %arg5[%add3A_386] : memref<3200000xf32, #tpu.memory_space<hbm>> -> memref<10000xf32, #tpu.memory_space<hbm>>
    %dma_wait3A_392 = tpu.memref_slice %arg5[%add3A_386] : memref<3200000xf32, #tpu.memory_space<hbm>> -> memref<10000xf32, #tpu.memory_space<hbm>>
    tpu.wait_dma2 semaphore(%arg30 : memref<!tpu.dma_semaphore, #tpu.memory_space<semaphore_mem>>) src(%arg12 : memref<10000xf32, #tpu.memory_space<vmem>>) dst(%dma_wait3A_392 : memref<10000xf32, #tpu.memory_space<hbm>>)
    %eq3A_393 = arith.constant 0 : i32
    %eq3A_394 = arith.cmpi eq, %add3A, %eq3A_393 : i32
    %convert_element_type3A_395 = arith.extui %eq3A_394 : i1 to i32
    %cond3A_396 = arith.constant 0 : i32
    %cond3A_397 = arith.cmpi ne, %convert_element_type3A_395, %cond3A_396 : i32
    scf.if %cond3A_397 {
      "tpu.region"() ({
        %run_scoped3A = tpu.sem_alloc : memref<!tpu.dma_semaphore, #tpu.memory_space<semaphore_mem>>
        tpu.enqueue_dma source(%arg26 : memref<1024xf32, #tpu.memory_space<vmem>>) target(%arg6 : memref<1024xf32, #tpu.memory_space<hbm>>) target_semaphore(%run_scoped3A : memref<!tpu.dma_semaphore, #tpu.memory_space<semaphore_mem>>)
        tpu.wait_dma2 semaphore(%run_scoped3A : memref<!tpu.dma_semaphore, #tpu.memory_space<semaphore_mem>>) src(%arg26 : memref<1024xf32, #tpu.memory_space<vmem>>) dst(%arg6 : memref<1024xf32, #tpu.memory_space<hbm>>)
        tpu.yield
      }) : () -> ()
    } else {
    }
    return
  }
}

</mosaic_0001>

<sc_bundles>
// kernel: kernel.3.cloned.1.call-start
scs
__scs_entry_jumppad:
0x0: {  	(pc) =	sbr.rel $0x88, $3  }
0x1: {  	(tag) =	ssettag $0x0;
	lr =	simm.s32 $0x1  }
0x2: {  	[smem:$0x3F9E] =	sst lr;
	_ =	strace $0xD0000000  }
0x3: {  	_ = 	snop  }
0x4: {  	_ = 	snop  }
0x5: {  	_ = 	snop  }
0x6: {  	_ = 	snop  }
0x7: {  	_ = 	snop  }
__scs_overlays_trampoline_lowered:
0x8: {  	[smem:$0x3FAD] =	sst s0  }
0x9: {  	[smem:$0x3FAE] =	sst s1  }
0xa: {  	[smem:$0x3FAF] =	sst s2  }
0xb: {  	[smem:$0x3FB0] =	sst s3  }
0xc: {  	[smem:$0x3FB1] =	sst s4  }
0xd: {  	[smem:$0x3FB2] =	sst s5  }
0xe: {  	[smem:$0x3FB3] =	sst s6  }
0xf: {  	[smem:$0x3FB4] =	sst s7  }
0x10: {  	[smem:$0x3FB5] =	sst s8  }
0x11: {  	[smem:$0x3FB6] =	sst s9;
	s0 =	simm.s32 @!p0 $0x0  }
0x12: {  	s1 =	sld [smem:$0x3F9C];
	s0 =	simm.s32 @p0 $0x1  }
0x13: {  	[smem:$0x3FB7] =	sst s0;
	s0 =	simm.s32 @!p1 $0x0  }
0x14: {  	s2 =	sld [smem:$0x3F9B];
	s0 =	simm.s32 @p1 $0x1  }
0x15: {  	[smem:$0x3FB8] =	sst s0;
	s0 =	simm.s32 @!p2 $0x0  }
0x16: {  	s3 =	sld [smem:$0x3FDB];
	s0 =	simm.s32 @p2 $0x1  }
0x17: {  	s4 =	simm.s32 $0x1BF5;
	[smem:$0x3FBA] =	sst s0  }
0x18: {  	s0 =	sld [smem:$0x3F9D];
	_ =	swait.ge [sflag:s4], $0x0  }
0x19: {  	s7 =	sld [smem:$0x3F9E]  }
0x1a: {  	s8 =	sadd.s32 $0xFFFFE003, lr  }
0x1b: {  	s9 =	sadd.s32 $0xFFFFFEF7, lr;
	s5 =	simm.s32 $0xFFFFFFFF;
	p2 =	slt.u32 s8, $0xFFFFF086  }
0x1c: {  	p1 =	slt.u32 s9, $0xF7A;
	s5 =	simm.s32 @!p2 $0x0  }
0x1d: {  	s5 =	simm.s32 @p1 $0x1;
	p0 =	seq.s32 s7, s2  }
0x1e: {  	s7 =	smul.u32 @!p0 $0xF7A, s2;
	p2 =	seq.s32 @!p0 s5, $0x0  }
0x1f: {  	s9 =	smul.u32 $0xF7A, s1;
	s8 =	simm.s32 @!p0 $0x1BF5;
	p2 =	por !p2, p0  }
0x20: {  	[sflag:s8] =	ssyncset.s32 @!p0 $0xFFFFF086;
	s6 =	sadd.s32 @!p0 s3, s7;
	s7 =	simm.s32 @!p0 $0x108  }
0x21: {  	s3 =	sadd.s32 s3, s9;
	s6 =	sadd.s32 @!p0 $0x88, s6;
	s7 =	simm.s32 @p2 $0x1082  }
0x22: {  	[simem:s7], [sflag:s8] =	dma.local @!p0 [hbm:s6], $0xF7A  }
0x23: {  	s9 =	sor.u32 $0xD0000000, s2;
	s6 =	simm.s32 $0x108;
	_ =	swait.ge @!p0 [sflag:s8], $0x0  }
0x24: {  	s3 =	sadd.s32 $0x88, s3;
	s6 =	simm.s32 @!p1 $0x1082;
	[sflag:s4] =	ssyncset.s32 $0xFFFFF086  }
0x25: {  	[simem:s6], [sflag:s4] =	dma.local [hbm:s3], $0xF7A  }
0x26: {  	[smem:$0x3F9E] =	sst s1;
	(tag) =	ssettag s2;
	_ =	strace s9  }
0x27: {  	s1 =	sld [smem:$0x3FAE]  }
0x28: {  	s2 =	sld [smem:$0x3FAF]  }
0x29: {  	s4 =	sld [smem:$0x3FB1]  }
0x2a: {  	p0 =	seq.s32 s5, $0x0;
	s5 =	sld [smem:$0x3FB2]  }
0x2b: {  	s6 =	sld [smem:$0x3FB3]  }
0x2c: {  	s7 =	sld [smem:$0x3FB4]  }
0x2d: {  	s3 =	simm.s32 $0x108;
	s8 =	sld [smem:$0x3FB5]  }
0x2e: {  	s3 =	simm.s32 @!p0 $0x1082;
	s9 =	sld [smem:$0x3FB6]  }
0x2f: {  	lr =	sadd.s32 s0, s3;
	s0 =	sld [smem:$0x3FAD]  }
0x30: {  	s3 =	sld [smem:$0x3FB0]  }
0x31: {  	[smem:$0x3FB9] =	sst s10  }
0x32: {  	s10 =	sld [smem:$0x3FB7];
	_ =	sdelay $0x3  }
0x33: {  	p0 =	seq.s32 s10, $0x1;
	s10 =	sld [smem:$0x3FB9];
	_ =	sdelay $0x3  }
0x34: {  	[smem:$0x3FB9] =	sst s10  }
0x35: {  	s10 =	sld [smem:$0x3FB8];
	_ =	sdelay $0x3  }
0x36: {  	p1 =	seq.s32 s10, $0x1;
	s10 =	sld [smem:$0x3FB9];
	_ =	sdelay $0x3  }
0x37: {  	[smem:$0x3FB9] =	sst s10  }
0x38: {  	s10 =	sld [smem:$0x3FBA]  }
0x39: {  	_ = 	snop;
	(pc) =	sbr.ind lr, $3  }
0x3a: {  	_ = 	snop  }
0x3b: {  	_ = 	snop  }
0x3c: {  	p2 =	seq.s32 s10, $0x1;
	s10 =	sld [smem:$0x3FB9]  }
0x3d: {  	_ =	shalt  }
0x3e: {  	_ =	shalt  }
0x3f: {  	_ =	shalt  }
0x40: {  	_ =	shalt  }
0x41: {  	_ =	shalt  }
0x42: {  	_ =	shalt  }
0x43: {  	_ =	shalt  }
0x44: {  	_ =	shalt  }
0x45: {  	_ =	shalt  }
0x46: {  	_ =	shalt  }
0x47: {  	_ =	shalt  }
0x48: {  	_ =	shalt  }
0x49: {  	_ =	shalt  }
0x4a: {  	_ =	shalt  }
0x4b: {  	_ =	shalt  }
0x4c: {  	_ =	shalt  }
0x4d: {  	_ =	shalt  }
0x4e: {  	_ =	shalt  }
0x4f: {  	_ =	shalt  }
0x50: {  	_ =	shalt  }
0x51: {  	_ =	shalt  }
0x52: {  	_ =	shalt  }
0x53: {  	_ =	shalt  }
0x54: {  	_ =	shalt  }
0x55: {  	_ =	shalt  }
0x56: {  	_ =	shalt  }
0x57: {  	_ =	shalt  }
0x58: {  	_ =	shalt  }
0x59: {  	_ =	shalt  }
0x5a: {  	_ =	shalt  }
0x5b: {  	_ =	shalt  }
0x5c: {  	_ =	shalt  }
0x5d: {  	_ =	shalt  }
0x5e: {  	_ =	shalt  }
0x5f: {  	_ =	shalt  }
0x60: {  	_ =	shalt  }
0x61: {  	_ =	shalt  }
0x62: {  	_ =	shalt  }
0x63: {  	_ =	shalt  }
0x64: {  	_ =	shalt  }
0x65: {  	_ =	shalt  }
0x66: {  	_ =	shalt  }
0x67: {  	_ =	shalt  }
0x68: {  	_ =	shalt  }
0x69: {  	_ =	shalt  }
0x6a: {  	_ =	shalt  }
0x6b: {  	_ =	shalt  }
0x6c: {  	_ =	shalt  }
0x6d: {  	_ =	shalt  }
0x6e: {  	_ =	shalt  }
0x6f: {  	_ =	shalt  }
0x70: {  	_ =	shalt  }
0x71: {  	_ =	shalt  }
0x72: {  	_ =	shalt  }
0x73: {  	_ =	shalt  }
0x74: {  	_ =	shalt  }
0x75: {  	_ =	shalt  }
0x76: {  	_ =	shalt  }
0x77: {  	_ =	shalt  }
0x78: {  	_ =	shalt  }
0x79: {  	_ =	shalt  }
0x7a: {  	_ =	shalt  }
0x7b: {  	_ =	shalt  }
0x7c: {  	_ =	shalt  }
0x7d: {  	_ =	shalt  }
0x7e: {  	_ =	shalt  }
0x7f: {  	_ =	shalt  }
0x80: {  	_ =	shalt  }
0x81: {  	_ =	shalt  }
0x82: {  	_ =	shalt  }
0x83: {  	_ =	shalt  }
0x84: {  	_ =	shalt  }
0x85: {  	_ =	shalt  }
0x86: {  	_ =	shalt  }
0x87: {  	_ =	shalt  }
.Lfunc_end0:
.L_simem_size_0:
called_computation_lowered:
.L_overlay_start_0:
0x88: {  	s2 =	sld [smem:$0x3FD9]  }
0x89: {  	s3 =	sld [smem:$0x3FFE];
	_ =	sdelay $0x1  }
0x8a: {  	s1 =	srdreg.scid  }
0x8b: {  	s0 =	sand.u32 $0x1, s1  }
0x8c: {  	s14 =	sshll.u32 s0, $0xA;
	s2 =	sadd.s32 s3, s2  }
0x8d: {  	s2 =	sadd.s32 s2, s14  }
0x8e: {  	[smem:$0x3FC5] =	sst s2  }
0x8f: {  	_ = 	snop  }
0x90: {  	s2 =	sld [smem:$0x3FD0]  }
0x91: {  	s15 =	sld [smem:$0x3FC9]  }
0x92: {  	s4 =	sld [smem:$0x3FC8]  }
0x93: {  	s6 =	simm.s32 $0xA;
	s7 =	simm.s32 $0x10;
	s5 =	sld [smem:$0x3FC7]  }
0x94: {  	[smem:s7], [sflag:s6] =	dma.local [hbm:s2], $0x1  }
0x95: {  	_ =	swait.eq [sflag:s6], $0x1  }
0x96: {  	[sflag:s6] =	ssyncset.done $0x0  }
0x97: {  	s16 =	sld [smem:$0x10];
	[sflag:s6] =	ssyncadd.s32 $0xFFFFFFFF  }
0x98: {  	s17 =	sld [smem:$0x11];
	(tm) =	ssettm $0x1  }
0x99: {  	s18 =	sld [smem:$0x3FFB];
	_ =	sdelay $0x3  }
0x9a: {  	_ =	strace s18  }
0x9b: {  	s7 =	sld [smem:$0x3FFC];
	_ =	sdelay $0x3  }
0x9c: {  	_ =	strace s7  }
0x9d: {  	s7 =	sld [smem:$0x3FFD];
	_ =	sdelay $0x3  }
0x9e: {  	_ =	strace s7  }
0x9f: {  	_ =	strace $0x8FFFFFFF  }
0xa0: {  	s19 =	sld [smem:$0x3FDB];
	_ =	sdelay $0x1  }
0xa1: {  	s8 =	simm.s32 $_scs_section_size  }
0xa2: {  	s9 =	simm.s32 $_size__tile_overlayer_lowered;
	s10 =	simm.s32 $_tile_overlayer_lowered  }
0xa3: {  	s22 =	simm.s32 $0x1BFF;
	s21 =	sshll.u32 s10, $0x1;
	s7 =	sadd.s32 s8, s19  }
0xa4: {  	s11 =	simm.s32 $0x0;
	s20 =	sshll.u32 s9, $0x1;
	s9 =	sadd.s32 s21, s7  }
0xa5: {  	[timem:s11], [sflag:s22] =	dma.local [hbm:s9], s20  }
0xa6: {  	_ =	swait.ge [sflag:s22], s20  }
0xa7: {  	s8 =	ssub.s32 $0x0, s20;
	[sflag:s22] =	ssyncset.done $0x0  }
0xa8: {  	[sflag:s22] =	ssyncadd.s32 s8;
	_ =	sdelay $0x1  }
0xa9: {  	s23 =	simm.s32 $0x1B8B  }
0xaa: {  	_ =	swait.ge [sflag:s23], $0x1  }
0xab: {  	[sflag:s23] =	ssyncset.done $0x0  }
0xac: {  	s25 =	simm.s32 $0x1B8E;
	s24 =	sld [smem:$0x3FFE];
	[sflag:s23] =	ssyncadd.s32 $0xFFFFFFFF  }
0xad: {  	s26 =	simm.s32 $execute0_lowered;
	[smem:$0x3FD2] =	sst s25  }
0xae: {  	s9 =	sshll.u32 s26, $0x1;
	_ =	strace $0x80000046;
	[dreg:$0x1] =	wrdreg $0xFFFFFFFF  }
0xaf: {  	s28 =	simm.s32 $_size_execute0_lowered;
	s7 =	sadd.s32 s7, s9;
	[dreg:$0x0] =	wrdreg $0x0  }
0xb0: {  	s9 =	sshll.u32 s28, $0x1;
	[dreg:$0x2] =	wrdreg s7  }
0xb1: {  	[dreg:$0x3] =	wrdreg s9  }
0xb2: {  	[dreg:$0x4] =	wrdreg $0xC0  }
0xb3: {  	_ =	task [dreg:s11], $0x5FFFF  }
0xb4: {  	[dreg:$0x1] =	wrdreg $0xFFFFFFFF  }
0xb5: {  	[dreg:$0x0] =	wrdreg $0x60  }
0xb6: {  	[dreg:$0x2] =	wrdreg s15  }
0xb7: {  	[dreg:$0x3] =	wrdreg s5  }
0xb8: {  	[dreg:$0x4] =	wrdreg s4  }
0xb9: {  	[dreg:$0x5] =	wrdreg s16  }
0xba: {  	[dreg:$0x6] =	wrdreg s17  }
0xbb: {  	[dreg:$0x7] =	wrdreg s24  }
0xbc: {  	[dreg:$0x8] =	wrdreg $0x148000  }
0xbd: {  	[dreg:$0x9] =	wrdreg $0x148400  }
0xbe: {  	[dreg:$0xa] =	wrdreg $0x9  }
0xbf: {  	_ =	task.clear_ibuf [dreg:s11], $0xBFFFF;
	_ =	strace $0x90000046  }
0xc0: {  	s29 =	simm.s32 $0x9;
	_ =	strace $0x80000048  }
0xc1: {  	_ =	swait.ge [sflag:s29], $0x1  }
0xc2: {  	[sflag:s29] =	ssyncadd.s32 $0xFFFFFFFF  }
0xc3: {  	_ =	strace $0x90000048  }
0xc4: {  	_ =	sfence  }
0xc5: {  	s30 =	sld [smem:$0x0];
	_ =	sdelay $0x2  }
0xc6: {  	s31 =	sshll.u32 s1, $0xD;
	s1 =	sshrl.u32 s1, $0x2  }
0xc7: {  	s3 =	sand.u32 $0x4000, s31;
	s1 =	sadd.s32 s1, s30  }
0xc8: {  	s0 =	sor.u32 s3, s0;
	s1 =	sshll.u32 s1, $0x11  }
0xc9: {  	s0 =	sor.u32 s1, s0  }
0xca: {  	s0 =	sadd.s32 $0x8F2B, s0  }
0xcb: {  	[sflag:s0] =	ssyncadd.remote.s32 $0x1  }
0xcc: {  	_ =	sfence.sel $0xFFFF  }
0xcd: {  	[dreg:$0x0] =	wrdreg $0xFFFFFFFF;
	(pc) =	sbr.abs _section_cstart, $3  }
0xce: {  	[dreg:$0x1] =	wrdreg $0xFFFFFFFF  }
0xcf: {  	_ =	task.clear_ibuf [dreg:s11], $0x2FFFF;
	_ =	strace $0x9FFFFFFF  }
0xd0: {  	(tm) =	ssettm $0x7FFFFFFF  }
0xd1: {  	_ =	shalt  }
tec
execute0_lowered:
.L_overlay_start_1:
0x0: {  	(tag) =	ssettag $0x1  }
0x1: {  	s0 =	srdreg.scid  }
0x2: {  	s2 =	sand.u32 $0x1, s0  }
0x3: {  	s23 =	stileid.u32;
	s1 =	sshll.u32 s2, $0x4  }
0x4: {  	s3 =	sor.u32 s23, s1  }
0x5: {  	s4 =	rddreg [dreg:$0x0];
	s6 =	smul.u32 $0x186A0, s3  }
0x6: {  	s7 =	rddreg [dreg:$0x1]  }
0x7: {  	s30 =	rddreg [dreg:$0x7];
	s1 =	simm.s32 $0x0;
	s6 =	sshrl.u32 s6, $0x3  }
0x8: {  	[smem:$0x7FF] =	sst s1;
	s25 =	sadd.s32 s4, s6  }
0x9: {  	s19 =	sadd.s32 s7, s6;
	[dreg:$0x9] =	wrdreg s25  }
0xa: {  	s26 =	sadd.s32 $0x4E2, s6;
	[dreg:$0x13] =	wrdreg s19  }
0xb: {  	s9 =	sadd.s32 $0x9C4, s6;
	s10 =	sadd.s32 s4, s26;
	s25 =	rddreg [dreg:$0x3]  }
0xc: {  	s12 =	sadd.s32 $0x186A, s6;
	s16 =	sadd.s32 s4, s9;
	[dreg:$0xa] =	wrdreg s10  }
0xd: {  	s15 =	sadd.s32 $0x2710, s6;
	s17 =	sadd.s32 s4, s12;
	[dreg:$0xb] =	wrdreg s16  }
0xe: {  	s18 =	sadd.s32 s4, s15;
	[dreg:$0xe] =	wrdreg s17  }
0xf: {  	s29 =	simm.s32 $0xC580;
	s20 =	sadd.s32 s7, s26;
	[dreg:$0x11] =	wrdreg s18  }
0x10: {  	s5 =	ssub.s32 $0x2, s2;
	s21 =	sadd.s32 s7, s9;
	[dreg:$0x14] =	wrdreg s20  }
0x11: {  	s10 =	sadd.s32 $0xEA6, s6;
	[dreg:$0x15] =	wrdreg s21;
	s26 =	sadd.s32 s25, s26  }
0x12: {  	s8 =	sshrl.u32 s5, $0x1;
	s11 =	sadd.s32 s4, s10;
	[dreg:$0x18] =	wrdreg s26  }
0x13: {  	s5 =	ssub.s32 s5, s8;
	s24 =	sadd.s32 s7, s10;
	[dreg:$0xc] =	wrdreg s11  }
0x14: {  	s8 =	sadd.s32 s25, s10;
	s11 =	sadd.s32 $0x1388, s6;
	[dreg:$0x16] =	wrdreg s24  }
0x15: {  	s28 =	simm.s32 $0x7680;
	[dreg:$0x1a] =	wrdreg s8;
	s13 =	sadd.s32 s4, s11  }
0x16: {  	s10 =	sadd.s32 s25, s12;
	[dreg:$0xd] =	wrdreg s13;
	s13 =	sadd.s32 $0x1D4C, s6  }
0x17: {  	s22 =	sadd.s32 $0x2BF2, s6;
	[dreg:$0x1c] =	wrdreg s10;
	s14 =	sadd.s32 s4, s13  }
0x18: {  	[dreg:$0xf] =	wrdreg s14;
	s14 =	sadd.s32 $0x222E, s6;
	s6 =	sadd.s32 s25, s6  }
0x19: {  	s17 =	sadd.s32 s7, s12;
	s16 =	sadd.s32 s4, s14;
	[dreg:$0x17] =	wrdreg s6  }
0x1a: {  	s19 =	sadd.s32 s7, s14;
	s12 =	sadd.s32 s25, s14;
	s14 =	rddreg [dreg:$0x5]  }
0x1b: {  	s20 =	sadd.s32 s7, s15;
	s4 =	sadd.s32 s4, s22;
	[dreg:$0x10] =	wrdreg s16  }
0x1c: {  	s21 =	sadd.s32 s7, s22;
	s18 =	sadd.s32 s7, s13;
	[dreg:$0x12] =	wrdreg s4  }
0x1d: {  	s16 =	sadd.s32 s7, s11;
	s7 =	sadd.s32 s25, s9;
	[dreg:$0x1e] =	wrdreg s12  }
0x1e: {  	s31 =	simm.s32 $0x1;
	s9 =	sadd.s32 s25, s11;
	[dreg:$0x19] =	wrdreg s7  }
0x1f: {  	p1 =	sne.s32 s23, $0x0;
	s11 =	sadd.s32 s25, s13;
	[dreg:$0x1b] =	wrdreg s9  }
0x20: {  	s23 =	simm.s32 $0x3;
	s13 =	sadd.s32 s25, s15;
	[dreg:$0x1d] =	wrdreg s11  }
0x21: {  	p0 =	sne.s32 s3, $0x0;
	s4 =	sadd.s32 s25, s22;
	[dreg:$0x1f] =	wrdreg s13  }
0x22: {  	s26 =	smax.u32 s5, $0x1;
	s15 =	sand.u32 $0x2, s0;
	[smem:$0x7F6] =	sst s4  }
0x23: {  	s24 =	sadd.s32 $0x800, s14;
	s6 =	sadd.s32 $0xA00, s14;
	s13 =	rddreg [dreg:$0x6]  }
0x24: {  	s0 =	sshrl.u32 s0, $0x2;
	_ =	strace $0x80000047;
	[smem:$0x7F7] =	sst s24  }
0x25: {  	s22 =	ssub.s32 s15, s2;
	s2 =	sshll.u32 s2, $0x7;
	[smem:$0x7F9] =	sst s6  }
0x26: {  	s5 =	simm.s32 $0x15C80;
	s4 =	sadd.s32 s24, s2;
	[smem:$0x7FB] =	sst s0  }
0x27: {  	s2 =	sadd.s32 s6, s2;
	s25 =	sadd.s32 $0x5, s22;
	[smem:$0x7FC] =	sst s26  }
0x28: {  	s26 =	simm.s32 $0x2780;
	s24 =	simm.s32 $0x13C00;
	[smem:$0x7F8] =	sst s4  }
0x29: {  	s22 =	simm.s32 $0x2;
	s6 =	simm.s32 $0x0;
	[smem:$0x7FA] =	sst s2  }
0x2a: {  	s0 =	sshll.u32 s25, $0xE;
	s25 =	simm.s32 $0x14000;
	s2 =	simm.s32 $0x4  }
0x2b: {  	v0 =	vimm.f32 $0.0e+00;
	v1 =	vlaneseq.u32;
	s4 =	simm.s32 $0x5;
	[smem:$0x7FD] =	sst s0;
	s0 =	simm.s32 $0x9E00  }
.LBB2_1:
0x2c: {  	s7 =	simm.s32 $0x13C20  }
0x2d: {  	[tilespmem:s7+$0xFFFFFFF0] =	vst v0  }
0x2e: {  	[tilespmem:s7+$0x0] =	vst v0  }
0x2f: {  	[tilespmem:s7+$0xFFFFFFE0] =	vst v0  }
0x30: {  	s9 =	simm.s32 $0x14020;
	[tilespmem:s7+$0x10] =	vst v0  }
0x31: {  	s3 =	smov.u32 s21;
	s21 =	smov.u32 s20;
	s20 =	smov.u32 s19;
	[tilespmem:s9+$0xFFFFFFE0] =	vst v0  }
0x32: {  	s19 =	smov.u32 s18;
	s18 =	smov.u32 s17;
	s17 =	smov.u32 s16;
	[tilespmem:s9+$0x10] =	vst v0  }
0x33: {  	s16 =	smov.u32 s13;
	s8 =	simm.s32 $0x14420;
	v2 =	vor.u32 s1, v1;
	s11 =	simm.s32 $0x20;
	[tilespmem:s9+$0x0] =	vst v0  }
0x34: {  	s10 =	simm.s32 $0x0;
	s14 =	simm.s32 $0x10;
	s15 =	simm.s32 $0x30;
	[tilespmem:s8+$0xFFFFFFE0] =	vst v2;
	v2 =	vor.u32 s11, v1  }
0x35: {  	s12 =	simm.s32 $0x14060;
	s13 =	simm.s32 $0x0;
	s11 =	simm.s32 $0x14460;
	[tilespmem:s8+$0x0] =	vst v2  }
.LBB2_2:
0x36: {  	s10 =	sadd.s32 $0x4, s10;
	[tilespmem:s9+$0xFFFFFFF0] =	vst v0;
	v2 =	vor.u32 s14, v1;
	v3 =	vor.u32 s15, v1;
	s13 =	sadd.s32 $0x40, s13;
	s7 =	sadd.s32 $0x40, s7  }
0x37: {  	s9 =	smov.u32 s12;
	p2 =	slt.u32 s10, $0x3C;
	[tilespmem:s8+$0xFFFFFFF0] =	vst v2  }
0x38: {  	[tilespmem:s8+$0x10] =	vst v3;
	s8 =	smov.u32 s11  }
0x39: {  	[tilespmem:s7+$0xFFFFFFF0] =	vst v0  }
0x3a: {  	[tilespmem:s7+$0x0] =	vst v0  }
0x3b: {  	[tilespmem:s7+$0xFFFFFFE0] =	vst v0  }
0x3c: {  	v2 =	vor.u32 s13, v1;
	[tilespmem:s12+$0xFFFFFFE0] =	vst v0  }
.Ltmp0:
0x3d: {  	[tilespmem:s11+$0xFFFFFFE0] =	vst v2;
	(pc) =	sbr.rel @p2 .LBB2_2-.Ltmp0, $4  }
0x3e: {  	[tilespmem:s7+$0x10] =	vst v0  }
0x3f: {  	s14 =	sadd.s32 $0x20, s13;
	[tilespmem:s12+$0x10] =	vst v0  }
0x40: {  	v2 =	vor.u32 s14, v1;
	s11 =	sadd.s32 $0x40, s11;
	[tilespmem:s12+$0x0] =	vst v0  }
0x41: {  	s15 =	sadd.s32 $0x30, s13;
	s14 =	sadd.s32 $0x10, s13;
	s12 =	sadd.s32 $0x40, s12;
	[tilespmem:s8+$0x0] =	vst v2  }
0x42: {  	[tilespmem:s9+$0xFFFFFFF0] =	vst v0;
	v2 =	vor.u32 s14, v1  }
0x43: {  	v3 =	vor.u32 s15, v1;
	[tilespmem:s8+$0xFFFFFFF0] =	vst v2  }
0x44: {  	s7 =	simm.s32 @!p1 $0x13C00;
	[tilespmem:s8+$0x10] =	vst v3  }
0x45: {  	[spmem:s16] =	stream.linear.scatter @!p1 [tilespmem:s7], [sflag:$0x7], $0x400, $0x38;
	[tilespmem:$0x16480] =	vst v63  }
0x46: {  	s7 =	simm.s32 @!p1 $0x7  }
0x47: {  	_ =	swait.ge @!p1 [sflag:s7], $0x400  }
0x48: {  	[sflag:s7] =	ssyncset.done @!p1 $0x0  }
0x49: {  	s8 =	simm.s32 @!p1 $0x14000;
	[sflag:s7] =	ssyncadd.s32 @!p1 $0xFFFFFC00  }
0x4a: {  	[spmem:s30] =	stream.linear.scatter @!p1 [tilespmem:s8], [sflag:$0x7], $0x400, $0x38;
	[tilespmem:$0x16480] =	vst v63  }
0x4b: {  	_ =	swait.ge @!p1 [sflag:s7], $0x400  }
0x4c: {  	[sflag:s7] =	ssyncset.done @!p1 $0x0  }
0x4d: {  	s12 =	rddreg [dreg:$0x9];
	[sflag:s7] =	ssyncadd.s32 @!p1 $0xFFFFFC00;
	s7 =	simm.s32 $0x0  }
0x4e: {  	[tilespmem:s7], [sflag:$0x1] =	stream.linear.gather [hbm4b:s12+s7], $0x2710, $0x38;
	[tilespmem:$0x16480] =	vst v63  }
0x4f: {  	s14 =	rddreg [dreg:$0x13]  }
0x50: {  	[tilespmem:s0], [sflag:$0x1] =	stream.linear.gather [hbm4b:s14+s7], $0x2710, $0x38;
	[tilespmem:$0x16480] =	vst v63  }
0x51: {  	s15 =	rddreg [dreg:$0xa]  }
0x52: {  	[tilespmem:s26], [sflag:$0x2] =	stream.linear.gather [hbm4b:s15+s7], $0x2710, $0x38;
	[tilespmem:$0x16480] =	vst v63  }
0x53: {  	s13 =	smov.u32 s16;
	s16 =	rddreg [dreg:$0x14]  }
0x54: {  	[tilespmem:s29], [sflag:$0x2] =	stream.linear.gather [hbm4b:s16+s7], $0x2710, $0x38;
	[tilespmem:$0x16480] =	vst v63  }
0x55: {  	s9 =	rddreg [dreg:$0xb];
	s15 =	simm.s32 $0x4F00  }
0x56: {  	[tilespmem:s15], [sflag:$0x3] =	stream.linear.gather [hbm4b:s9+s7], $0x2710, $0x38;
	[tilespmem:$0x16480] =	vst v63  }
0x57: {  	s10 =	rddreg [dreg:$0x15];
	s9 =	simm.s32 $0xED00  }
0x58: {  	[tilespmem:s9], [sflag:$0x3] =	stream.linear.gather [hbm4b:s10+s7], $0x2710, $0x38;
	[tilespmem:$0x16480] =	vst v63  }
0x59: {  	s11 =	rddreg [dreg:$0xc]  }
0x5a: {  	[tilespmem:s28], [sflag:$0x4] =	stream.linear.gather [hbm4b:s11+s7], $0x2710, $0x38;
	[tilespmem:$0x16480] =	vst v63  }
0x5b: {  	s12 =	rddreg [dreg:$0x16];
	s10 =	simm.s32 $0x11480  }
0x5c: {  	[tilespmem:s10], [sflag:$0x4] =	stream.linear.gather [hbm4b:s12+s7], $0x2710, $0x38;
	[tilespmem:$0x16480] =	vst v63  }
0x5d: {  	_ =	swait.ge [sflag:s31], $0x2710  }
0x5e: {  	[sflag:s31] =	ssyncset.done $0x0  }
0x5f: {  	[sflag:s31] =	ssyncadd.s32 $0xFFFFD8F0  }
0x60: {  	_ =	swait.ge [sflag:s31], $0x2710  }
0x61: {  	[sflag:s31] =	ssyncset.done $0x0  }
0x62: {  	[sflag:s31] =	ssyncadd.s32 $0xFFFFD8F0  }
0x63: {  	s14 =	simm.s32 $0x0;
	v4 =	vld [tilespmem:$0x9E00]  }
0x64: {  	v2 =	vld [tilespmem:s14+$0x0]  }
0x65: {  	v9 =	vld [tilespmem:s14+$0x9E00];
	_ =	sdelay $0x2  }
0x66: {  	s16 =	simm.s32 $0x10  }
0x67: {  	v6 =	vimm.f32 $0.0e+00;
	v10 =	vld [tilespmem:s16+$0x0]  }
0x68: {  	v8 =	vadd.f32 $1.000000000e+00, v6;
	v5 =	vld [tilespmem:s16+$0x9E00];
	v3 =	vadd.f32 v2, v6;
	vm1 =	vne.s32 v9, v4  }
0x69: {  	vm0 =	vmmov vm1  }
0x6a: {  	v8 =	vsel vm1, $0x3F800000, v8;
	v7 =	vsel vm1, v2, v3;
	vm1 =	vmmov vm1;
	_ =	sdelay $0x1  }
0x6b: {  	s8 =	simm.s32 $0x20;
	v13 =	vadd.f32 $1.000000000e+00, v8;
	v12 =	vadd.f32 v10, v7  }
0x6c: {  	v11 =	vimm.f32 $0.0e+00;
	s7 =	simm.s32 $0xC0;
	vm2 =	vne.s32 v5, v9;
	v3 =	vld [tilespmem:s8+$0x0]  }
.LBB2_4:
0x6d: {  	p2 =	sne.s32 s7, $0x9C00;
	v2 =	vld [tilespmem:s8+$0x9E00];
	v10 =	vsel vm2, v10, v12;
	v13 =	vsel vm2, $0x3F800000, v13;
	s8 =	smov.u32 s7;
	s7 =	sadd.s32 $0x40, s7  }
.Ltmp1:
0x6e: {  	[tilespmem:v4+s24+$0x0] =	vst.idx.add.f32.msk vm0, v6;
	v6 =	vmov v7;
	v7 =	vmov v10;
	vm0 =	vmmov vm2;
	(pc) =	sbr.rel @p2 .LBB2_4-.Ltmp1, $3  }
0x6f: {  	[tilespmem:v4+s25+$0x0] =	vst.idx.add.f32.msk vm1, v11;
	v4 =	vmovc v9;
	v11 =	vmov v8;
	v8 =	vmov v13;
	vm1 =	vmmov vm2;
	_ =	sdelay $0x1  }
0x70: {  	s8 =	sshra.s32 s8, $0x2;
	v13 =	vadd.f32 $1.000000000e+00, v13;
	v12 =	vadd.f32 v3, v10;
	v10 =	vmov v3  }
0x71: {  	v9 =	vmov v5;
	v3 =	vld [tilespmem:s8+$0x0];
	vm2 =	vne.s32 v2, v5;
	v5 =	vmov v2  }
0x72: {  	v2 =	vld [tilespmem:s8+$0x9E00];
	_ =	sdelay $0x4  }
0x73: {  	vm4 =	vne.s32 v2, v5;
	_ =	sdelay $0x1  }
0x74: {  	[tilespmem:v4+s24+$0x0] =	vst.idx.add.f32.msk vm0, v6  }
0x75: {  	[tilespmem:v9+s24+$0x0] =	vst.idx.add.f32.msk vm2, v7  }
0x76: {  	[tilespmem:v4+s25+$0x0] =	vst.idx.add.f32.msk vm1, v11  }
0x77: {  	[tilespmem:v9+s25+$0x0] =	vst.idx.add.f32.msk vm2, v8;
	v4 =	vsel vm2, v10, v12  }
0x78: {  	v6 =	vsel vm2, $0x3F800000, v13;
	[tilespmem:v5+s24+$0x0] =	vst.idx.add.f32.msk vm4, v4  }
0x79: {  	[tilespmem:v5+s25+$0x0] =	vst.idx.add.f32.msk vm4, v6  }
0x7a: {  	s7 =	simm.s32 $0x0;
	s12 =	rddreg [dreg:$0xd]  }
0x7b: {  	[tilespmem:s7], [sflag:$0x1] =	stream.linear.gather [hbm4b:s12+s7], $0x2710, $0x38;
	[tilespmem:$0x16480] =	vst v63  }
0x7c: {  	_ = 	snop  }
0x7d: {  	[tilespmem:s0], [sflag:$0x1] =	stream.linear.gather [hbm4b:s17+s7], $0x2710, $0x38;
	[tilespmem:$0x16480] =	vst v63  }
0x7e: {  	_ =	swait.ge [sflag:s22], $0x2710  }
0x7f: {  	[sflag:s22] =	ssyncset.done $0x0  }
0x80: {  	[sflag:s22] =	ssyncadd.s32 $0xFFFFD8F0  }
0x81: {  	_ =	swait.ge [sflag:s22], $0x2710  }
0x82: {  	[sflag:s22] =	ssyncset.done $0x0  }
0x83: {  	s14 =	simm.s32 $0x0;
	[sflag:s22] =	ssyncadd.s32 $0xFFFFD8F0  }
0x84: {  	v8 =	vld [tilespmem:s14+$0x2780]  }
0x85: {  	v9 =	vld [tilespmem:s14+$0xC580];
	_ =	sdelay $0x1  }
0x86: {  	v7 =	vadd.f32 $1.000000000e+00, v6;
	v4 =	vadd.f32 v3, v4  }
0x87: {  	s16 =	smov.u32 s17;
	s17 =	simm.s32 $0x10  }
0x88: {  	v7 =	vsel vm4, $0x3F800000, v7;
	v6 =	vsel vm4, v3, v4;
	v11 =	vld [tilespmem:s17+$0x2780]  }
0x89: {  	v4 =	vadd.f32 $1.000000000e+00, v7;
	v5 =	vld [tilespmem:s17+$0xC580];
	v3 =	vadd.f32 v8, v6;
	vm1 =	vne.s32 v9, v2  }
0x8a: {  	vm0 =	vmmov vm1  }
0x8b: {  	v10 =	vsel vm1, $0x3F800000, v4;
	v8 =	vsel vm1, v8, v3;
	vm1 =	vmmov vm1;
	_ =	sdelay $0x1  }
0x8c: {  	s8 =	simm.s32 $0x20;
	v13 =	vadd.f32 $1.000000000e+00, v10;
	v12 =	vadd.f32 v11, v8  }
0x8d: {  	vm3 =	vmmov vm2;
	vm5 =	vmmov vm4;
	s7 =	simm.s32 $0xC0;
	vm2 =	vne.s32 v5, v9;
	v4 =	vld [tilespmem:s8+$0x2780]  }
.LBB2_6:
0x8e: {  	p2 =	sne.s32 s7, $0x9C00;
	v3 =	vld [tilespmem:s8+$0xC580];
	v11 =	vsel vm2, v11, v12;
	v13 =	vsel vm2, $0x3F800000, v13;
	s8 =	smov.u32 s7;
	s7 =	sadd.s32 $0x40, s7  }
.Ltmp2:
0x8f: {  	[tilespmem:v2+s24+$0x0] =	vst.idx.add.f32.msk vm0, v6;
	v6 =	vmov v8;
	v8 =	vmov v11;
	vm0 =	vmmov vm2;
	(pc) =	sbr.rel @p2 .LBB2_6-.Ltmp2, $3  }
0x90: {  	[tilespmem:v2+s25+$0x0] =	vst.idx.add.f32.msk vm1, v7;
	v2 =	vmovc v9;
	v7 =	vmov v10;
	v10 =	vmov v13;
	vm1 =	vmmov vm2;
	_ =	sdelay $0x1  }
0x91: {  	s8 =	sshra.s32 s8, $0x2;
	v13 =	vadd.f32 $1.000000000e+00, v13;
	v12 =	vadd.f32 v4, v11;
	v11 =	vmov v4  }
0x92: {  	v9 =	vmov v5;
	v4 =	vld [tilespmem:s8+$0x2780];
	vm2 =	vne.s32 v3, v5;
	v5 =	vmov v3  }
0x93: {  	v3 =	vld [tilespmem:s8+$0xC580];
	_ =	sdelay $0x4  }
0x94: {  	vm4 =	vne.s32 v3, v5;
	_ =	sdelay $0x1  }
0x95: {  	[tilespmem:v2+s24+$0x0] =	vst.idx.add.f32.msk vm0, v6  }
0x96: {  	[tilespmem:v9+s24+$0x0] =	vst.idx.add.f32.msk vm2, v8  }
0x97: {  	[tilespmem:v2+s25+$0x0] =	vst.idx.add.f32.msk vm1, v7  }
0x98: {  	[tilespmem:v9+s25+$0x0] =	vst.idx.add.f32.msk vm2, v10;
	v2 =	vsel vm2, v11, v12  }
0x99: {  	v6 =	vsel vm2, $0x3F800000, v13;
	[tilespmem:v5+s24+$0x0] =	vst.idx.add.f32.msk vm4, v2  }
0x9a: {  	[tilespmem:v5+s25+$0x0] =	vst.idx.add.f32.msk vm4, v6  }
0x9b: {  	s7 =	simm.s32 $0x0;
	s12 =	rddreg [dreg:$0xe]  }
0x9c: {  	[tilespmem:s26], [sflag:$0x2] =	stream.linear.gather [hbm4b:s12+s7], $0x2710, $0x38;
	[tilespmem:$0x16480] =	vst v63  }
0x9d: {  	_ = 	snop  }
0x9e: {  	[tilespmem:s29], [sflag:$0x2] =	stream.linear.gather [hbm4b:s18+s7], $0x2710, $0x38;
	[tilespmem:$0x16480] =	vst v63  }
0x9f: {  	_ =	swait.ge [sflag:s23], $0x2710  }
0xa0: {  	[sflag:s23] =	ssyncset.done $0x0  }
0xa1: {  	[sflag:s23] =	ssyncadd.s32 $0xFFFFD8F0  }
0xa2: {  	_ =	swait.ge [sflag:s23], $0x2710  }
0xa3: {  	[sflag:s23] =	ssyncset.done $0x0  }
0xa4: {  	s14 =	simm.s32 $0x0;
	[sflag:s23] =	ssyncadd.s32 $0xFFFFD8F0  }
0xa5: {  	v8 =	vld [tilespmem:s14+$0x4F00]  }
0xa6: {  	v9 =	vld [tilespmem:s14+$0xED00];
	_ =	sdelay $0x1  }
0xa7: {  	v7 =	vadd.f32 $1.000000000e+00, v6;
	v2 =	vadd.f32 v4, v2  }
0xa8: {  	s17 =	smov.u32 s18;
	s18 =	simm.s32 $0x10  }
0xa9: {  	v7 =	vsel vm4, $0x3F800000, v7;
	v6 =	vsel vm4, v4, v2;
	v11 =	vld [tilespmem:s18+$0x4F00]  }
0xaa: {  	v4 =	vadd.f32 $1.000000000e+00, v7;
	v5 =	vld [tilespmem:s18+$0xED00];
	v2 =	vadd.f32 v8, v6;
	vm1 =	vne.s32 v9, v3  }
0xab: {  	vm0 =	vmmov vm1  }
0xac: {  	v10 =	vsel vm1, $0x3F800000, v4;
	v8 =	vsel vm1, v8, v2;
	vm1 =	vmmov vm1;
	_ =	sdelay $0x1  }
0xad: {  	s8 =	simm.s32 $0x20;
	v13 =	vadd.f32 $1.000000000e+00, v10;
	v12 =	vadd.f32 v11, v8  }
0xae: {  	vm3 =	vmmov vm2;
	vm5 =	vmmov vm4;
	s7 =	simm.s32 $0xC0;
	vm2 =	vne.s32 v5, v9;
	v4 =	vld [tilespmem:s8+$0x4F00]  }
.LBB2_8:
0xaf: {  	p2 =	sne.s32 s7, $0x9C00;
	v2 =	vld [tilespmem:s8+$0xED00];
	v11 =	vsel vm2, v11, v12;
	v13 =	vsel vm2, $0x3F800000, v13;
	s8 =	smov.u32 s7;
	s7 =	sadd.s32 $0x40, s7  }
.Ltmp3:
0xb0: {  	[tilespmem:v3+s24+$0x0] =	vst.idx.add.f32.msk vm0, v6;
	v6 =	vmov v8;
	v8 =	vmov v11;
	vm0 =	vmmov vm2;
	(pc) =	sbr.rel @p2 .LBB2_8-.Ltmp3, $3  }
0xb1: {  	[tilespmem:v3+s25+$0x0] =	vst.idx.add.f32.msk vm1, v7;
	v3 =	vmovc v9;
	v7 =	vmov v10;
	v10 =	vmov v13;
	vm1 =	vmmov vm2;
	_ =	sdelay $0x1  }
0xb2: {  	s8 =	sshra.s32 s8, $0x2;
	v13 =	vadd.f32 $1.000000000e+00, v13;
	v12 =	vadd.f32 v4, v11;
	v11 =	vmov v4  }
0xb3: {  	v9 =	vmov v5;
	v4 =	vld [tilespmem:s8+$0x4F00];
	vm2 =	vne.s32 v2, v5;
	v5 =	vmov v2  }
0xb4: {  	v2 =	vld [tilespmem:s8+$0xED00];
	_ =	sdelay $0x4  }
0xb5: {  	vm4 =	vne.s32 v2, v5;
	_ =	sdelay $0x1  }
0xb6: {  	[tilespmem:v3+s24+$0x0] =	vst.idx.add.f32.msk vm0, v6  }
0xb7: {  	[tilespmem:v9+s24+$0x0] =	vst.idx.add.f32.msk vm2, v8  }
0xb8: {  	[tilespmem:v3+s25+$0x0] =	vst.idx.add.f32.msk vm1, v7  }
0xb9: {  	[tilespmem:v9+s25+$0x0] =	vst.idx.add.f32.msk vm2, v10;
	v3 =	vsel vm2, v11, v12  }
0xba: {  	v6 =	vsel vm2, $0x3F800000, v13;
	[tilespmem:v5+s24+$0x0] =	vst.idx.add.f32.msk vm4, v3  }
0xbb: {  	[tilespmem:v5+s25+$0x0] =	vst.idx.add.f32.msk vm4, v6  }
0xbc: {  	s7 =	simm.s32 $0x0;
	s12 =	rddreg [dreg:$0xf]  }
0xbd: {  	[tilespmem:s15], [sflag:$0x3] =	stream.linear.gather [hbm4b:s12+s7], $0x2710, $0x38;
	[tilespmem:$0x16480] =	vst v63  }
0xbe: {  	_ = 	snop  }
0xbf: {  	[tilespmem:s9], [sflag:$0x3] =	stream.linear.gather [hbm4b:s19+s7], $0x2710, $0x38;
	[tilespmem:$0x16480] =	vst v63  }
0xc0: {  	_ =	swait.ge [sflag:s2], $0x2710  }
0xc1: {  	[sflag:s2] =	ssyncset.done $0x0  }
0xc2: {  	[sflag:s2] =	ssyncadd.s32 $0xFFFFD8F0  }
0xc3: {  	_ =	swait.ge [sflag:s2], $0x2710  }
0xc4: {  	[sflag:s2] =	ssyncset.done $0x0  }
0xc5: {  	s14 =	simm.s32 $0x0;
	[sflag:s2] =	ssyncadd.s32 $0xFFFFD8F0  }
0xc6: {  	v8 =	vld [tilespmem:s14+$0x7680]  }
0xc7: {  	v9 =	vld [tilespmem:s14+$0x11480];
	_ =	sdelay $0x1  }
0xc8: {  	v7 =	vadd.f32 $1.000000000e+00, v6;
	v3 =	vadd.f32 v4, v3  }
0xc9: {  	s18 =	smov.u32 s19;
	s19 =	simm.s32 $0x10  }
0xca: {  	v7 =	vsel vm4, $0x3F800000, v7;
	v6 =	vsel vm4, v4, v3;
	v11 =	vld [tilespmem:s19+$0x7680]  }
0xcb: {  	v4 =	vadd.f32 $1.000000000e+00, v7;
	v5 =	vld [tilespmem:s19+$0x11480];
	v3 =	vadd.f32 v8, v6;
	vm1 =	vne.s32 v9, v2  }
0xcc: {  	vm0 =	vmmov vm1  }
0xcd: {  	v10 =	vsel vm1, $0x3F800000, v4;
	v8 =	vsel vm1, v8, v3;
	vm1 =	vmmov vm1;
	_ =	sdelay $0x1  }
0xce: {  	s8 =	simm.s32 $0x20;
	v13 =	vadd.f32 $1.000000000e+00, v10;
	v12 =	vadd.f32 v11, v8  }
0xcf: {  	vm3 =	vmmov vm2;
	vm5 =	vmmov vm4;
	s7 =	simm.s32 $0xC0;
	vm2 =	vne.s32 v5, v9;
	v4 =	vld [tilespmem:s8+$0x7680]  }
.LBB2_10:
0xd0: {  	p2 =	sne.s32 s7, $0x9C00;
	v3 =	vld [tilespmem:s8+$0x11480];
	v11 =	vsel vm2, v11, v12;
	v13 =	vsel vm2, $0x3F800000, v13;
	s8 =	smov.u32 s7;
	s7 =	sadd.s32 $0x40, s7  }
.Ltmp4:
0xd1: {  	[tilespmem:v2+s24+$0x0] =	vst.idx.add.f32.msk vm0, v6;
	v6 =	vmov v8;
	v8 =	vmov v11;
	vm0 =	vmmov vm2;
	(pc) =	sbr.rel @p2 .LBB2_10-.Ltmp4, $3  }
0xd2: {  	[tilespmem:v2+s25+$0x0] =	vst.idx.add.f32.msk vm1, v7;
	v2 =	vmovc v9;
	v7 =	vmov v10;
	v10 =	vmov v13;
	vm1 =	vmmov vm2;
	_ =	sdelay $0x1  }
0xd3: {  	s8 =	sshra.s32 s8, $0x2;
	v13 =	vadd.f32 $1.000000000e+00, v13;
	v12 =	vadd.f32 v4, v11;
	v11 =	vmov v4  }
0xd4: {  	v9 =	vmov v5;
	v4 =	vld [tilespmem:s8+$0x7680];
	vm2 =	vne.s32 v3, v5;
	v5 =	vmov v3  }
0xd5: {  	v3 =	vld [tilespmem:s8+$0x11480];
	_ =	sdelay $0x4  }
0xd6: {  	vm4 =	vne.s32 v3, v5;
	_ =	sdelay $0x1  }
0xd7: {  	[tilespmem:v2+s24+$0x0] =	vst.idx.add.f32.msk vm0, v6  }
0xd8: {  	[tilespmem:v9+s24+$0x0] =	vst.idx.add.f32.msk vm2, v8  }
0xd9: {  	[tilespmem:v2+s25+$0x0] =	vst.idx.add.f32.msk vm1, v7  }
0xda: {  	[tilespmem:v9+s25+$0x0] =	vst.idx.add.f32.msk vm2, v10;
	v2 =	vsel vm2, v11, v12  }
0xdb: {  	v6 =	vsel vm2, $0x3F800000, v13;
	[tilespmem:v5+s24+$0x0] =	vst.idx.add.f32.msk vm4, v2  }
0xdc: {  	[tilespmem:v5+s25+$0x0] =	vst.idx.add.f32.msk vm4, v6  }
0xdd: {  	s7 =	simm.s32 $0x0;
	s12 =	rddreg [dreg:$0x10]  }
0xde: {  	[tilespmem:s28], [sflag:$0x4] =	stream.linear.gather [hbm4b:s12+s7], $0x2710, $0x38;
	[tilespmem:$0x16480] =	vst v63  }
0xdf: {  	_ = 	snop  }
0xe0: {  	[tilespmem:s10], [sflag:$0x4] =	stream.linear.gather [hbm4b:s20+s7], $0x2710, $0x38;
	[tilespmem:$0x16480] =	vst v63  }
0xe1: {  	_ =	swait.ge [sflag:s31], $0x2710  }
0xe2: {  	[sflag:s31] =	ssyncset.done $0x0  }
0xe3: {  	[sflag:s31] =	ssyncadd.s32 $0xFFFFD8F0  }
0xe4: {  	_ =	swait.ge [sflag:s31], $0x2710  }
0xe5: {  	[sflag:s31] =	ssyncset.done $0x0  }
0xe6: {  	s14 =	simm.s32 $0x0;
	[sflag:s31] =	ssyncadd.s32 $0xFFFFD8F0  }
0xe7: {  	v8 =	vld [tilespmem:s14+$0x0]  }
0xe8: {  	v9 =	vld [tilespmem:s14+$0x9E00];
	_ =	sdelay $0x1  }
0xe9: {  	v7 =	vadd.f32 $1.000000000e+00, v6;
	v2 =	vadd.f32 v4, v2  }
0xea: {  	s19 =	smov.u32 s20;
	s20 =	simm.s32 $0x10  }
0xeb: {  	v7 =	vsel vm4, $0x3F800000, v7;
	v6 =	vsel vm4, v4, v2;
	v11 =	vld [tilespmem:s20+$0x0]  }
0xec: {  	v4 =	vadd.f32 $1.000000000e+00, v7;
	v5 =	vld [tilespmem:s20+$0x9E00];
	v2 =	vadd.f32 v8, v6;
	vm1 =	vne.s32 v9, v3  }
0xed: {  	vm0 =	vmmov vm1  }
0xee: {  	v10 =	vsel vm1, $0x3F800000, v4;
	v8 =	vsel vm1, v8, v2;
	vm1 =	vmmov vm1;
	_ =	sdelay $0x1  }
0xef: {  	s8 =	simm.s32 $0x20;
	v13 =	vadd.f32 $1.000000000e+00, v10;
	v12 =	vadd.f32 v11, v8  }
0xf0: {  	vm3 =	vmmov vm2;
	vm5 =	vmmov vm4;
	s7 =	simm.s32 $0xC0;
	vm2 =	vne.s32 v5, v9;
	v4 =	vld [tilespmem:s8+$0x0]  }
.LBB2_12:
0xf1: {  	p2 =	sne.s32 s7, $0x9C00;
	v2 =	vld [tilespmem:s8+$0x9E00];
	v11 =	vsel vm2, v11, v12;
	v13 =	vsel vm2, $0x3F800000, v13;
	s8 =	smov.u32 s7;
	s7 =	sadd.s32 $0x40, s7  }
.Ltmp5:
0xf2: {  	[tilespmem:v3+s24+$0x0] =	vst.idx.add.f32.msk vm0, v6;
	v6 =	vmov v8;
	v8 =	vmov v11;
	vm0 =	vmmov vm2;
	(pc) =	sbr.rel @p2 .LBB2_12-.Ltmp5, $3  }
0xf3: {  	[tilespmem:v3+s25+$0x0] =	vst.idx.add.f32.msk vm1, v7;
	v3 =	vmovc v9;
	v7 =	vmov v10;
	v10 =	vmov v13;
	vm1 =	vmmov vm2;
	_ =	sdelay $0x1  }
0xf4: {  	s8 =	sshra.s32 s8, $0x2;
	v13 =	vadd.f32 $1.000000000e+00, v13;
	v12 =	vadd.f32 v4, v11;
	v11 =	vmov v4  }
0xf5: {  	v9 =	vmov v5;
	v4 =	vld [tilespmem:s8+$0x0];
	vm2 =	vne.s32 v2, v5;
	v5 =	vmov v2  }
0xf6: {  	v2 =	vld [tilespmem:s8+$0x9E00];
	_ =	sdelay $0x4  }
0xf7: {  	vm4 =	vne.s32 v2, v5;
	_ =	sdelay $0x1  }
0xf8: {  	[tilespmem:v3+s24+$0x0] =	vst.idx.add.f32.msk vm0, v6  }
0xf9: {  	[tilespmem:v9+s24+$0x0] =	vst.idx.add.f32.msk vm2, v8  }
0xfa: {  	[tilespmem:v3+s25+$0x0] =	vst.idx.add.f32.msk vm1, v7  }
0xfb: {  	[tilespmem:v9+s25+$0x0] =	vst.idx.add.f32.msk vm2, v10;
	v3 =	vsel vm2, v11, v12  }
0xfc: {  	v6 =	vsel vm2, $0x3F800000, v13;
	[tilespmem:v5+s24+$0x0] =	vst.idx.add.f32.msk vm4, v3  }
0xfd: {  	[tilespmem:v5+s25+$0x0] =	vst.idx.add.f32.msk vm4, v6  }
0xfe: {  	s7 =	simm.s32 $0x0;
	s12 =	rddreg [dreg:$0x11]  }
0xff: {  	[tilespmem:s7], [sflag:$0x1] =	stream.linear.gather [hbm4b:s12+s7], $0x2710, $0x38;
	[tilespmem:$0x16480] =	vst v63  }
0x100: {  	_ = 	snop  }
0x101: {  	[tilespmem:s0], [sflag:$0x1] =	stream.linear.gather [hbm4b:s21+s7], $0x2710, $0x38;
	[tilespmem:$0x16480] =	vst v63  }
0x102: {  	_ =	swait.ge [sflag:s22], $0x2710  }
0x103: {  	[sflag:s22] =	ssyncset.done $0x0  }
0x104: {  	[sflag:s22] =	ssyncadd.s32 $0xFFFFD8F0  }
0x105: {  	_ =	swait.ge [sflag:s22], $0x2710  }
0x106: {  	[sflag:s22] =	ssyncset.done $0x0  }
0x107: {  	s14 =	simm.s32 $0x0;
	[sflag:s22] =	ssyncadd.s32 $0xFFFFD8F0  }
0x108: {  	v8 =	vld [tilespmem:s14+$0x2780]  }
0x109: {  	v9 =	vld [tilespmem:s14+$0xC580];
	_ =	sdelay $0x1  }
0x10a: {  	v7 =	vadd.f32 $1.000000000e+00, v6;
	v3 =	vadd.f32 v4, v3  }
0x10b: {  	s20 =	smov.u32 s21;
	s21 =	simm.s32 $0x10  }
0x10c: {  	v7 =	vsel vm4, $0x3F800000, v7;
	v6 =	vsel vm4, v4, v3;
	v11 =	vld [tilespmem:s21+$0x2780]  }
0x10d: {  	v4 =	vadd.f32 $1.000000000e+00, v7;
	v5 =	vld [tilespmem:s21+$0xC580];
	v3 =	vadd.f32 v8, v6;
	vm1 =	vne.s32 v9, v2  }
0x10e: {  	vm0 =	vmmov vm1  }
0x10f: {  	v10 =	vsel vm1, $0x3F800000, v4;
	v8 =	vsel vm1, v8, v3;
	vm1 =	vmmov vm1;
	_ =	sdelay $0x1  }
0x110: {  	s8 =	simm.s32 $0x20;
	v13 =	vadd.f32 $1.000000000e+00, v10;
	v12 =	vadd.f32 v11, v8  }
0x111: {  	vm3 =	vmmov vm2;
	vm5 =	vmmov vm4;
	s7 =	simm.s32 $0xC0;
	vm2 =	vne.s32 v5, v9;
	v4 =	vld [tilespmem:s8+$0x2780]  }
.LBB2_14:
0x112: {  	p2 =	sne.s32 s7, $0x9C00;
	v3 =	vld [tilespmem:s8+$0xC580];
	v11 =	vsel vm2, v11, v12;
	v13 =	vsel vm2, $0x3F800000, v13;
	s8 =	smov.u32 s7;
	s7 =	sadd.s32 $0x40, s7  }
.Ltmp6:
0x113: {  	[tilespmem:v2+s24+$0x0] =	vst.idx.add.f32.msk vm0, v6;
	v6 =	vmov v8;
	v8 =	vmov v11;
	vm0 =	vmmov vm2;
	(pc) =	sbr.rel @p2 .LBB2_14-.Ltmp6, $3  }
0x114: {  	[tilespmem:v2+s25+$0x0] =	vst.idx.add.f32.msk vm1, v7;
	v2 =	vmovc v9;
	v7 =	vmov v10;
	v10 =	vmov v13;
	vm1 =	vmmov vm2;
	_ =	sdelay $0x1  }
0x115: {  	s8 =	sshra.s32 s8, $0x2;
	v13 =	vadd.f32 $1.000000000e+00, v13;
	v12 =	vadd.f32 v4, v11;
	v11 =	vmov v4  }
0x116: {  	v9 =	vmov v5;
	v4 =	vld [tilespmem:s8+$0x2780];
	vm2 =	vne.s32 v3, v5;
	v5 =	vmov v3  }
0x117: {  	v3 =	vld [tilespmem:s8+$0xC580];
	_ =	sdelay $0x4  }
0x118: {  	vm4 =	vne.s32 v3, v5;
	_ =	sdelay $0x1  }
0x119: {  	[tilespmem:v2+s24+$0x0] =	vst.idx.add.f32.msk vm0, v6  }
0x11a: {  	[tilespmem:v9+s24+$0x0] =	vst.idx.add.f32.msk vm2, v8  }
0x11b: {  	[tilespmem:v2+s25+$0x0] =	vst.idx.add.f32.msk vm1, v7  }
0x11c: {  	[tilespmem:v9+s25+$0x0] =	vst.idx.add.f32.msk vm2, v10;
	v2 =	vsel vm2, v11, v12  }
0x11d: {  	v6 =	vsel vm2, $0x3F800000, v13;
	[tilespmem:v5+s24+$0x0] =	vst.idx.add.f32.msk vm4, v2  }
0x11e: {  	[tilespmem:v5+s25+$0x0] =	vst.idx.add.f32.msk vm4, v6  }
0x11f: {  	s7 =	simm.s32 $0x0;
	s11 =	rddreg [dreg:$0x12]  }
0x120: {  	[tilespmem:s26], [sflag:$0x2] =	stream.linear.gather [hbm4b:s11+s7], $0x2710, $0x38;
	[tilespmem:$0x16480] =	vst v63  }
0x121: {  	_ = 	snop  }
0x122: {  	[tilespmem:s29], [sflag:$0x2] =	stream.linear.gather [hbm4b:s3+s7], $0x2710, $0x38;
	[tilespmem:$0x16480] =	vst v63  }
0x123: {  	_ =	swait.ge [sflag:s23], $0x2710  }
0x124: {  	[sflag:s23] =	ssyncset.done $0x0  }
0x125: {  	[sflag:s23] =	ssyncadd.s32 $0xFFFFD8F0  }
0x126: {  	_ =	swait.ge [sflag:s23], $0x2710  }
0x127: {  	[sflag:s23] =	ssyncset.done $0x0  }
0x128: {  	s12 =	simm.s32 $0x0;
	[sflag:s23] =	ssyncadd.s32 $0xFFFFD8F0  }
0x129: {  	v5 =	vld [tilespmem:s12+$0x4F00]  }
0x12a: {  	v9 =	vld [tilespmem:s12+$0xED00];
	_ =	sdelay $0x1  }
0x12b: {  	v7 =	vadd.f32 $1.000000000e+00, v6;
	v2 =	vadd.f32 v4, v2  }
0x12c: {  	s14 =	simm.s32 $0x10  }
0x12d: {  	v7 =	vsel vm4, $0x3F800000, v7;
	v6 =	vsel vm4, v4, v2;
	v11 =	vld [tilespmem:s14+$0x4F00]  }
0x12e: {  	v10 =	vadd.f32 $1.000000000e+00, v7;
	v4 =	vld [tilespmem:s14+$0xED00];
	v2 =	vadd.f32 v5, v6;
	vm1 =	vne.s32 v9, v3  }
0x12f: {  	vm0 =	vmmov vm1  }
0x130: {  	v10 =	vsel vm1, $0x3F800000, v10;
	v8 =	vsel vm1, v5, v2;
	vm1 =	vmmov vm1;
	_ =	sdelay $0x1  }
0x131: {  	s8 =	simm.s32 $0x20;
	v13 =	vadd.f32 $1.000000000e+00, v10;
	v12 =	vadd.f32 v11, v8  }
0x132: {  	vm3 =	vmmov vm2;
	s21 =	smov.u32 s3;
	vm5 =	vmmov vm4;
	s7 =	simm.s32 $0xC0;
	vm2 =	vne.s32 v4, v9;
	v5 =	vld [tilespmem:s8+$0x4F00]  }
.LBB2_16:
0x133: {  	p2 =	sne.s32 s7, $0x9C00;
	v2 =	vld [tilespmem:s8+$0xED00];
	v11 =	vsel vm2, v11, v12;
	v13 =	vsel vm2, $0x3F800000, v13;
	s8 =	smov.u32 s7;
	s7 =	sadd.s32 $0x40, s7  }
.Ltmp7:
0x134: {  	[tilespmem:v3+s24+$0x0] =	vst.idx.add.f32.msk vm0, v6;
	v6 =	vmov v8;
	v8 =	vmov v11;
	vm0 =	vmmov vm2;
	(pc) =	sbr.rel @p2 .LBB2_16-.Ltmp7, $3  }
0x135: {  	[tilespmem:v3+s25+$0x0] =	vst.idx.add.f32.msk vm1, v7;
	v3 =	vmovc v9;
	v7 =	vmov v10;
	v10 =	vmov v13;
	vm1 =	vmmov vm2;
	_ =	sdelay $0x1  }
0x136: {  	s8 =	sshra.s32 s8, $0x2;
	v13 =	vadd.f32 $1.000000000e+00, v13;
	v12 =	vadd.f32 v5, v11;
	v11 =	vmov v5  }
0x137: {  	v9 =	vmov v4;
	v5 =	vld [tilespmem:s8+$0x4F00];
	vm2 =	vne.s32 v2, v4;
	v4 =	vmov v2  }
0x138: {  	v2 =	vld [tilespmem:s8+$0xED00];
	_ =	sdelay $0x4  }
0x139: {  	vm4 =	vne.s32 v2, v4;
	_ =	sdelay $0x1  }
0x13a: {  	[tilespmem:v3+s24+$0x0] =	vst.idx.add.f32.msk vm0, v6  }
0x13b: {  	[tilespmem:v9+s24+$0x0] =	vst.idx.add.f32.msk vm2, v8  }
0x13c: {  	[tilespmem:v3+s25+$0x0] =	vst.idx.add.f32.msk vm1, v7  }
0x13d: {  	[tilespmem:v9+s25+$0x0] =	vst.idx.add.f32.msk vm2, v10;
	v3 =	vsel vm2, v11, v12  }
0x13e: {  	v6 =	vsel vm2, $0x3F800000, v13;
	[tilespmem:v4+s24+$0x0] =	vst.idx.add.f32.msk vm4, v3  }
0x13f: {  	[tilespmem:v4+s25+$0x0] =	vst.idx.add.f32.msk vm4, v6  }
0x140: {  	_ =	swait.ge [sflag:s2], $0x2710  }
0x141: {  	[sflag:s2] =	ssyncset.done $0x0  }
0x142: {  	[sflag:s2] =	ssyncadd.s32 $0xFFFFD8F0  }
0x143: {  	_ =	swait.ge [sflag:s2], $0x2710  }
0x144: {  	[sflag:s2] =	ssyncset.done $0x0  }
0x145: {  	s7 =	simm.s32 $0x0;
	[sflag:s2] =	ssyncadd.s32 $0xFFFFD8F0  }
0x146: {  	v8 =	vld [tilespmem:s7+$0x7680]  }
0x147: {  	v9 =	vld [tilespmem:s7+$0x11480];
	_ =	sdelay $0x1  }
0x148: {  	v7 =	vadd.f32 $1.000000000e+00, v6;
	v3 =	vadd.f32 v5, v3  }
0x149: {  	s14 =	simm.s32 $0x10  }
0x14a: {  	v7 =	vsel vm4, $0x3F800000, v7;
	v6 =	vsel vm4, v5, v3;
	v11 =	vld [tilespmem:s14+$0x7680]  }
0x14b: {  	v5 =	vadd.f32 $1.000000000e+00, v7;
	v4 =	vld [tilespmem:s14+$0x11480];
	v3 =	vadd.f32 v8, v6;
	vm1 =	vne.s32 v9, v2  }
0x14c: {  	vm0 =	vmmov vm1  }
0x14d: {  	v10 =	vsel vm1, $0x3F800000, v5;
	v8 =	vsel vm1, v8, v3;
	vm1 =	vmmov vm1;
	_ =	sdelay $0x1  }
0x14e: {  	s8 =	simm.s32 $0x20;
	v13 =	vadd.f32 $1.000000000e+00, v10;
	v12 =	vadd.f32 v11, v8  }
0x14f: {  	vm3 =	vmmov vm2;
	vm5 =	vmmov vm4;
	s7 =	simm.s32 $0xC0;
	vm2 =	vne.s32 v4, v9;
	v5 =	vld [tilespmem:s8+$0x7680]  }
.LBB2_18:
0x150: {  	p2 =	sne.s32 s7, $0x9C00;
	v3 =	vld [tilespmem:s8+$0x11480];
	v11 =	vsel vm2, v11, v12;
	v13 =	vsel vm2, $0x3F800000, v13;
	s8 =	smov.u32 s7;
	s7 =	sadd.s32 $0x40, s7  }
.Ltmp8:
0x151: {  	[tilespmem:v2+s24+$0x0] =	vst.idx.add.f32.msk vm0, v6;
	v6 =	vmov v8;
	v8 =	vmov v11;
	vm0 =	vmmov vm2;
	(pc) =	sbr.rel @p2 .LBB2_18-.Ltmp8, $3  }
0x152: {  	[tilespmem:v2+s25+$0x0] =	vst.idx.add.f32.msk vm1, v7;
	v2 =	vmovc v9;
	v7 =	vmov v10;
	v10 =	vmov v13;
	vm1 =	vmmov vm2;
	_ =	sdelay $0x1  }
0x153: {  	s8 =	sshra.s32 s8, $0x2;
	v13 =	vadd.f32 $1.000000000e+00, v13;
	v12 =	vadd.f32 v5, v11;
	v11 =	vmov v5  }
0x154: {  	v9 =	vmov v4;
	v5 =	vld [tilespmem:s8+$0x7680];
	vm2 =	vne.s32 v3, v4;
	v4 =	vmov v3  }
0x155: {  	v3 =	vld [tilespmem:s8+$0x11480];
	_ =	sdelay $0x4  }
0x156: {  	vm4 =	vne.s32 v3, v4;
	_ =	sdelay $0x1  }
0x157: {  	[tilespmem:v2+s24+$0x0] =	vst.idx.add.f32.msk vm0, v6  }
0x158: {  	[tilespmem:v9+s24+$0x0] =	vst.idx.add.f32.msk vm2, v8  }
0x159: {  	[tilespmem:v2+s25+$0x0] =	vst.idx.add.f32.msk vm1, v7  }
0x15a: {  	[tilespmem:v9+s25+$0x0] =	vst.idx.add.f32.msk vm2, v10;
	v2 =	vsel vm2, v11, v12  }
0x15b: {  	v6 =	vsel vm2, $0x3F800000, v13;
	[tilespmem:v4+s24+$0x0] =	vst.idx.add.f32.msk vm4, v2  }
0x15c: {  	[tilespmem:v4+s25+$0x0] =	vst.idx.add.f32.msk vm4, v6  }
0x15d: {  	_ =	swait.ge [sflag:s31], $0x2710  }
0x15e: {  	[sflag:s31] =	ssyncset.done $0x0  }
0x15f: {  	[sflag:s31] =	ssyncadd.s32 $0xFFFFD8F0  }
0x160: {  	_ =	swait.ge [sflag:s31], $0x2710  }
0x161: {  	[sflag:s31] =	ssyncset.done $0x0  }
0x162: {  	s7 =	simm.s32 $0x0;
	[sflag:s31] =	ssyncadd.s32 $0xFFFFD8F0  }
0x163: {  	v8 =	vld [tilespmem:s7+$0x0]  }
0x164: {  	v9 =	vld [tilespmem:s7+$0x9E00];
	_ =	sdelay $0x1  }
0x165: {  	v7 =	vadd.f32 $1.000000000e+00, v6;
	v2 =	vadd.f32 v5, v2  }
0x166: {  	s14 =	simm.s32 $0x10  }
0x167: {  	v7 =	vsel vm4, $0x3F800000, v7;
	v6 =	vsel vm4, v5, v2;
	v11 =	vld [tilespmem:s14+$0x0]  }
0x168: {  	v5 =	vadd.f32 $1.000000000e+00, v7;
	v4 =	vld [tilespmem:s14+$0x9E00];
	v2 =	vadd.f32 v8, v6;
	vm1 =	vne.s32 v9, v3  }
0x169: {  	vm0 =	vmmov vm1  }
0x16a: {  	v10 =	vsel vm1, $0x3F800000, v5;
	v8 =	vsel vm1, v8, v2;
	vm1 =	vmmov vm1;
	_ =	sdelay $0x1  }
0x16b: {  	s8 =	simm.s32 $0x20;
	v13 =	vadd.f32 $1.000000000e+00, v10;
	v12 =	vadd.f32 v11, v8  }
0x16c: {  	vm3 =	vmmov vm2;
	vm5 =	vmmov vm4;
	s7 =	simm.s32 $0xC0;
	vm2 =	vne.s32 v4, v9;
	v5 =	vld [tilespmem:s8+$0x0]  }
.LBB2_20:
0x16d: {  	p2 =	sne.s32 s7, $0x9C00;
	v2 =	vld [tilespmem:s8+$0x9E00];
	v11 =	vsel vm2, v11, v12;
	v13 =	vsel vm2, $0x3F800000, v13;
	s8 =	smov.u32 s7;
	s7 =	sadd.s32 $0x40, s7  }
.Ltmp9:
0x16e: {  	[tilespmem:v3+s24+$0x0] =	vst.idx.add.f32.msk vm0, v6;
	v6 =	vmov v8;
	v8 =	vmov v11;
	vm0 =	vmmov vm2;
	(pc) =	sbr.rel @p2 .LBB2_20-.Ltmp9, $3  }
0x16f: {  	[tilespmem:v3+s25+$0x0] =	vst.idx.add.f32.msk vm1, v7;
	v3 =	vmovc v9;
	v7 =	vmov v10;
	v10 =	vmov v13;
	vm1 =	vmmov vm2;
	_ =	sdelay $0x1  }
0x170: {  	s8 =	sshra.s32 s8, $0x2;
	v13 =	vadd.f32 $1.000000000e+00, v13;
	v12 =	vadd.f32 v5, v11;
	v11 =	vmov v5  }
0x171: {  	v9 =	vmov v4;
	v5 =	vld [tilespmem:s8+$0x0];
	vm2 =	vne.s32 v2, v4;
	v4 =	vmov v2  }
0x172: {  	v2 =	vld [tilespmem:s8+$0x9E00];
	_ =	sdelay $0x4  }
0x173: {  	vm4 =	vne.s32 v2, v4;
	_ =	sdelay $0x1  }
0x174: {  	[tilespmem:v3+s24+$0x0] =	vst.idx.add.f32.msk vm0, v6  }
0x175: {  	[tilespmem:v9+s24+$0x0] =	vst.idx.add.f32.msk vm2, v8  }
0x176: {  	[tilespmem:v3+s25+$0x0] =	vst.idx.add.f32.msk vm1, v7  }
0x177: {  	[tilespmem:v9+s25+$0x0] =	vst.idx.add.f32.msk vm2, v10;
	v3 =	vsel vm2, v11, v12  }
0x178: {  	v7 =	vsel vm2, $0x3F800000, v13;
	[tilespmem:v4+s24+$0x0] =	vst.idx.add.f32.msk vm4, v3  }
0x179: {  	[tilespmem:v4+s25+$0x0] =	vst.idx.add.f32.msk vm4, v7  }
0x17a: {  	_ =	swait.ge [sflag:s22], $0x2710  }
0x17b: {  	[sflag:s22] =	ssyncset.done $0x0  }
0x17c: {  	[sflag:s22] =	ssyncadd.s32 $0xFFFFD8F0  }
0x17d: {  	_ =	swait.ge [sflag:s22], $0x2710  }
0x17e: {  	[sflag:s22] =	ssyncset.done $0x0  }
0x17f: {  	s7 =	simm.s32 $0x0;
	[sflag:s22] =	ssyncadd.s32 $0xFFFFD8F0  }
0x180: {  	v8 =	vld [tilespmem:s7+$0x2780]  }
0x181: {  	v6 =	vld [tilespmem:s7+$0xC580];
	_ =	sdelay $0x1  }
0x182: {  	v3 =	vadd.f32 v5, v3;
	v7 =	vadd.f32 $1.000000000e+00, v7  }
0x183: {  	s14 =	simm.s32 $0x10  }
0x184: {  	v4 =	vsel vm4, v5, v3;
	v7 =	vsel vm4, $0x3F800000, v7;
	v10 =	vld [tilespmem:s14+$0x2780]  }
0x185: {  	v9 =	vadd.f32 $1.000000000e+00, v7;
	v3 =	vld [tilespmem:s14+$0xC580];
	v5 =	vadd.f32 v8, v4;
	vm1 =	vne.s32 v6, v2  }
0x186: {  	vm0 =	vmmov vm1  }
0x187: {  	v8 =	vsel vm1, v8, v5;
	v5 =	vsel vm1, $0x3F800000, v9;
	vm1 =	vmmov vm1;
	_ =	sdelay $0x1  }
0x188: {  	s8 =	simm.s32 $0x20;
	v12 =	vadd.f32 v10, v8;
	v11 =	vadd.f32 $1.000000000e+00, v5  }
0x189: {  	vm3 =	vmmov vm2;
	vm5 =	vmmov vm4;
	s7 =	simm.s32 $0xC0;
	vm2 =	vne.s32 v3, v6;
	v9 =	vld [tilespmem:s8+$0x2780]  }
.LBB2_22:
0x18a: {  	p2 =	sne.s32 s7, $0x9C00;
	v13 =	vld [tilespmem:s8+$0xC580];
	v10 =	vsel vm2, v10, v12;
	v11 =	vsel vm2, $0x3F800000, v11;
	s8 =	smov.u32 s7;
	s7 =	sadd.s32 $0x40, s7  }
.Ltmp10:
0x18b: {  	[tilespmem:v2+s24+$0x0] =	vst.idx.add.f32.msk vm0, v4;
	v4 =	vmov v8;
	v8 =	vmov v10;
	vm0 =	vmmov vm2;
	(pc) =	sbr.rel @p2 .LBB2_22-.Ltmp10, $3  }
0x18c: {  	[tilespmem:v2+s25+$0x0] =	vst.idx.add.f32.msk vm1, v7;
	v2 =	vmovc v6;
	v7 =	vmov v5;
	v5 =	vmov v11;
	vm1 =	vmmov vm2;
	_ =	sdelay $0x1  }
0x18d: {  	s8 =	sshra.s32 s8, $0x2;
	v11 =	vadd.f32 $1.000000000e+00, v11;
	v12 =	vadd.f32 v9, v10;
	v10 =	vmov v9  }
0x18e: {  	v6 =	vmov v3;
	v9 =	vld [tilespmem:s8+$0x2780];
	vm2 =	vne.s32 v13, v3;
	v3 =	vmov v13  }
0x18f: {  	v13 =	vld [tilespmem:s8+$0xC580];
	_ =	sdelay $0x4  }
0x190: {  	vm4 =	vne.s32 v13, v3;
	_ =	sdelay $0x1  }
0x191: {  	[tilespmem:v2+s24+$0x0] =	vst.idx.add.f32.msk vm0, v4  }
0x192: {  	[tilespmem:v6+s24+$0x0] =	vst.idx.add.f32.msk vm2, v8  }
0x193: {  	[tilespmem:v2+s25+$0x0] =	vst.idx.add.f32.msk vm1, v7;
	v2 =	vsel vm2, v10, v12  }
0x194: {  	v4 =	vsel vm2, $0x3F800000, v11;
	[tilespmem:v6+s25+$0x0] =	vst.idx.add.f32.msk vm2, v5;
	v7 =	vadd.f32 v9, v2  }
0x195: {  	v5 =	vadd.f32 $1.000000000e+00, v4;
	[tilespmem:v3+s24+$0x0] =	vst.idx.add.f32.msk vm4, v2  }
0x196: {  	v2 =	vsel vm4, v9, v7;
	[tilespmem:v3+s25+$0x0] =	vst.idx.add.f32.msk vm4, v4  }
0x197: {  	v3 =	vsel vm4, $0x3F800000, v5;
	[tilespmem:v13+s24+$0x0] =	vst.idx.add.f32.msk $0xffff, v2  }
0x198: {  	s7 =	rddreg [dreg:$0x9];
	[tilespmem:v13+s25+$0x0] =	vst.idx.add.f32.msk $0xffff, v3  }
0x199: {  	[tilespmem:s1], [sflag:$0x1] =	stream.linear.gather [hbm4b:s7+s1], $0x2710, $0x38;
	[tilespmem:$0x16480] =	vst v63  }
0x19a: {  	s14 =	rddreg [dreg:$0x13]  }
0x19b: {  	[tilespmem:s0], [sflag:$0x1] =	stream.linear.gather [hbm4b:s14+s1], $0x2710, $0x38;
	[tilespmem:$0x16480] =	vst v63  }
0x19c: {  	s3 =	rddreg [dreg:$0xa]  }
0x19d: {  	[tilespmem:s26], [sflag:$0x2] =	stream.linear.gather [hbm4b:s3+s1], $0x2710, $0x38;
	[tilespmem:$0x16480] =	vst v63  }
0x19e: {  	s8 =	rddreg [dreg:$0x14]  }
0x19f: {  	[tilespmem:s29], [sflag:$0x2] =	stream.linear.gather [hbm4b:s8+s1], $0x2710, $0x38;
	[tilespmem:$0x16480] =	vst v63  }
0x1a0: {  	s9 =	rddreg [dreg:$0x2];
	s10 =	simm.s32 $0x400;
	s3 =	simm.s32 $0x15880  }
0x1a1: {  	[tilespmem:s3], [sflag:$0x5] =	stream.linear.gather [hbm4b:s9+s1], $0x400, $0x38;
	[tilespmem:$0x16480] =	vst v63  }
0x1a2: {  	s11 =	simm.s32 $0x14400;
	s12 =	simm.s32 $0x7;
	[bflag:$0x0] =	sbarrier.arrive $0xFFFF  }
0x1a3: {  	[spmem:s13] =	stream.indirect.scatter.add.f32 [tilespmem:s24], [sflag:$0x7], $0x1, s11, s10, $0xb8;
	[tilespmem:$0x16480] =	vst v63  }
0x1a4: {  	_ =	swait.ge [sflag:s12], $0x400  }
0x1a5: {  	[sflag:s12] =	ssyncset.done $0x0  }
0x1a6: {  	[sflag:s12] =	ssyncadd.s32 $0xFFFFFC00  }
0x1a7: {  	[spmem:s30] =	stream.indirect.scatter.add.f32 [tilespmem:s25], [sflag:$0x7], $0x1, s11, s10, $0xb8;
	[tilespmem:$0x16480] =	vst v63  }
0x1a8: {  	_ =	swait.ge [sflag:s12], $0x400  }
0x1a9: {  	[sflag:s12] =	ssyncset.done $0x0  }
0x1aa: {  	[sflag:s12] =	ssyncadd.s32 $0xFFFFFC00  }
0x1ab: {  	[bflag:$0x0] =	sbarrier.arrive $0xFFFF  }
0x1ac: {  	s3 =	sld [smem:$0x7F8];
	_ =	sdelay $0x1  }
0x1ad: {  	s7 =	sshrl.u32 @!p1 s13, $0x3;
	s8 =	simm.s32 @!p1 $0x1C07  }
0x1ae: {  	[hbm:s3], [sflag:s8] =	dma.local @!p1 [spmem:s7], $0x80  }
0x1af: {  	s7 =	simm.s32 @!p1 $0x7  }
0x1b0: {  	_ =	swait.ge @!p1 [sflag:s7], $0x80  }
0x1b1: {  	s3 =	sld [smem:$0x7FA]  }
0x1b2: {  	[sflag:s7] =	ssyncset.done @!p1 $0x0  }
0x1b3: {  	s9 =	sshrl.u32 @!p1 s30, $0x3;
	[sflag:s7] =	ssyncadd.s32 @!p1 $0xFFFFFF80  }
0x1b4: {  	[hbm:s3], [sflag:s8] =	dma.local @!p1 [spmem:s9], $0x80  }
0x1b5: {  	_ =	swait.ge @!p1 [sflag:s7], $0x80  }
0x1b6: {  	[sflag:s7] =	ssyncset.done @!p1 $0x0  }
0x1b7: {  	[sflag:s7] =	ssyncadd.s32 @!p1 $0xFFFFFF80  }
0x1b8: {  	s14 =	simm.s32 $0x100000;
	[bflag:$0x0] =	sbarrier.arrive $0xFFFF  }
0x1b9: {  	[smem:s14], [sflag:$0x0] =	smem.add.s32 $0x0  }
0x1ba: {  	_ =	swait.done [sflag:s1]  }
0x1bb: {  	s3 =	ssyncread [sflag:$0x0]  }
0x1bc: {  	s8 =	sld [smem:$0x7FB]  }
0x1bd: {  	s10 =	sld [smem:$0x7FD]  }
0x1be: {  	s9 =	stileid.u32  }
0x1bf: {  	s7 =	sadd.s32 s8, s3;
	s8 =	sshll.u32 s9, $0x6  }
0x1c0: {  	s8 =	sor.u32 s10, s8;
	s7 =	sshll.u32 s7, $0x11  }
0x1c1: {  	[sflag:s1] =	ssyncset.s32 $0x0;
	s7 =	sor.u32 s7, s8  }
0x1c2: {  	[sflag:s1] =	ssyncset.done $0x0;
	s7 =	sor.u32 $0x1C06, s7  }
0x1c3: {  	s11 =	simm.s32 $0x6;
	[sflag:s7] =	ssyncadd.remote.s32 $0x1  }
0x1c4: {  	_ =	swait.ge [sflag:s11], $0x1  }
0x1c5: {  	s12 =	sld [smem:$0x7F7]  }
0x1c6: {  	[sflag:s11] =	ssyncset.done $0x0  }
0x1c7: {  	s14 =	simm.s32 $0x14880;
	s8 =	sld [smem:$0x7F9];
	[sflag:s11] =	ssyncadd.s32 $0xFFFFFFFF  }
0x1c8: {  	[tilespmem:s14], [sflag:$0x5] =	stream.linear.gather [hbm4b:s12+s1], $0x800, $0x38;
	[tilespmem:$0x16480] =	vst v63  }
0x1c9: {  	s9 =	simm.s32 $0x15080  }
0x1ca: {  	[tilespmem:s9], [sflag:$0x5] =	stream.linear.gather [hbm4b:s8+s1], $0x800, $0x38;
	[tilespmem:$0x16480] =	vst v63  }
0x1cb: {  	_ =	swait.ge [sflag:s4], $0x800  }
0x1cc: {  	[sflag:s4] =	ssyncset.done $0x0  }
0x1cd: {  	[sflag:s4] =	ssyncadd.s32 $0xFFFFF800  }
0x1ce: {  	_ =	swait.ge [sflag:s4], $0x800  }
0x1cf: {  	[sflag:s4] =	ssyncset.done $0x0  }
0x1d0: {  	[sflag:s4] =	ssyncadd.s32 $0xFFFFF800  }
0x1d1: {  	_ =	swait.ge [sflag:s4], $0x400  }
0x1d2: {  	[sflag:s4] =	ssyncset.done $0x0  }
0x1d3: {  	s10 =	simm.s32 $0x15480;
	[sflag:s4] =	ssyncadd.s32 $0xFFFFFC00  }
0x1d4: {  	v2 =	vld [tilespmem:s10+$0xFFFFFC30]  }
0x1d5: {  	v3 =	vld [tilespmem:s10+$0xFFFFFC00]  }
0x1d6: {  	v4 =	vld [tilespmem:s10+$0x30]  }
0x1d7: {  	v5 =	vld [tilespmem:s10+$0xFFFFFC10]  }
0x1d8: {  	v6 =	vld [tilespmem:s10+$0xFFFFFC20]  }
0x1d9: {  	v7 =	vld [tilespmem:s10+$0x0]  }
0x1da: {  	v8 =	vld [tilespmem:s10+$0x10]  }
0x1db: {  	s11 =	simm.s32 $0x14C80;
	v9 =	vld [tilespmem:s10+$0x20]  }
0x1dc: {  	v10 =	vld [tilespmem:s11+$0xFFFFFC30]  }
0x1dd: {  	v11 =	vld [tilespmem:s11+$0xFFFFFC10]  }
0x1de: {  	v12 =	vld [tilespmem:s11+$0x30]  }
0x1df: {  	s12 =	simm.s32 $0x158A0;
	v13 =	vld [tilespmem:s11+$0xFFFFFC20]  }
0x1e0: {  	v14 =	vld [tilespmem:s12+$0x10];
	v2 =	vadd.f32 $0.0e+00, v2  }
0x1e1: {  	v15 =	vld [tilespmem:s11+$0xFFFFFC00]  }
0x1e2: {  	v16 =	vld [tilespmem:s11+$0x0];
	v3 =	vadd.f32 $0.0e+00, v3;
	v2 =	vadd.f32 v4, v2  }
0x1e3: {  	v17 =	vld [tilespmem:s11+$0x10]  }
0x1e4: {  	s14 =	simm.s32 $0x154C0;
	v18 =	vld [tilespmem:s11+$0x20];
	v5 =	vadd.f32 $0.0e+00, v5;
	(erf) = vrcp.f32 v2;
	v2 =	vadd.f32 v7, v3  }
0x1e5: {  	v6 =	vadd.f32 $0.0e+00, v6;
	v3 =	vld [tilespmem:s14+$0xFFFFFC30]  }
0x1e6: {  	v19 =	vld [tilespmem:s12+$0xFFFFFFE0];
	v5 =	vadd.f32 v8, v5;
	(erf) = vrcp.f32 v2  }
0x1e7: {  	v6 =	vadd.f32 v9, v6;
	v9 =	vadd.f32 $0.0e+00, v10;
	v2 =	vld [tilespmem:s14+$0x30]  }
0x1e8: {  	v20 =	vld [tilespmem:s12+$0x0];
	(erf) = vrcp.f32 v5  }
0x1e9: {  	v4 =	vld [tilespmem:s12+$0xFFFFFFF0];
	(erf) = vrcp.f32 v6;
	v6 =	vadd.f32 v12, v9;
	v9 =	vadd.f32 $0.0e+00, v15  }
0x1ea: {  	v8 =	vld [tilespmem:s14+$0xFFFFFC10];
	v3 =	vadd.f32 $0.0e+00, v3  }
0x1eb: {  	v10 =	vadd.f32 $0.0e+00, v11;
	v7 =	vld [tilespmem:s14+$0xFFFFFC00];
	v9 =	vadd.f32 v16, v9  }
0x1ec: {  	v11 =	vld [tilespmem:s14+$0x0];
	v2 =	vadd.f32 v2, v3;
	v3 =	vsub.f32 v14, v6  }
0x1ed: {  	v10 =	vadd.f32 v17, v10;
	v5 =	vld [tilespmem:s14+$0xFFFFFC20];
	v57 =	vpop (erf)  }
0x1ee: {  	v12 =	vld [tilespmem:s14+$0x10];
	(erf) = vrcp.f32 v2;
	v2 =	vmul.f32 v57, v3;
	v3 =	vsub.f32 v19, v9  }
0x1ef: {  	s7 =	simm.s32 $0x14CC0;
	s8 =	simm.s32 $0x15CA0;
	v15 =	vld [tilespmem:s14+$0x20];
	v60 =	vpop (erf)  }
0x1f0: {  	s9 =	simm.s32 $0x160A0;
	v4 =	vsub.f32 v4, v10;
	v14 =	vld [tilespmem:s7+$0xFFFFFC30];
	[tilespmem:s8+$0x10] =	vst v2;
	v2 =	vmul.f32 v60, v3;
	v3 =	vadd.f32 $0.0e+00, v7  }
0x1f1: {  	v58 =	vld [tilespmem:s7+$0xFFFFFC10];
	v13 =	vadd.f32 $0.0e+00, v13;
	v7 =	vadd.f32 $0.0e+00, v8;
	[tilespmem:s9+$0x10] =	vst v6;
	v6 =	vpop (erf)  }
0x1f2: {  	v59 =	vld [tilespmem:s7+$0x30];
	v5 =	vadd.f32 $0.0e+00, v5;
	v4 =	vmul.f32 v6, v4;
	[tilespmem:s8+$0xFFFFFFE0] =	vst v2;
	v11 =	vadd.f32 v11, v3  }
0x1f3: {  	v61 =	vld [tilespmem:s7+$0xFFFFFC20];
	s10 =	simm.s32 $0x158E0;
	[tilespmem:s9+$0xFFFFFFE0] =	vst v9;
	v9 =	vadd.f32 v12, v7  }
0x1f4: {  	v63 =	vld [tilespmem:s10+$0x10];
	v13 =	vadd.f32 v18, v13;
	[tilespmem:s8+$0xFFFFFFF0] =	vst v4;
	v4 =	vadd.f32 v15, v5;
	(erf) = vrcp.f32 v11  }
0x1f5: {  	v21 =	vld [tilespmem:s7+$0xFFFFFC00];
	v8 =	vadd.f32 $0.0e+00, v14;
	(erf) = vrcp.f32 v9  }
0x1f6: {  	v62 =	vsub.f32 v20, v13;
	v3 =	vld [tilespmem:s7+$0x0];
	(erf) = vrcp.f32 v4  }
0x1f7: {  	v2 =	vadd.f32 v59, v8;
	v6 =	vld [tilespmem:s7+$0x10];
	v7 =	vpop (erf)  }
0x1f8: {  	v12 =	vmul.f32 v7, v62;
	v7 =	vld [tilespmem:s7+$0x20]  }
0x1f9: {  	v8 =	vld [tilespmem:s10+$0xFFFFFFE0];
	v11 =	vsub.f32 v63, v2;
	[tilespmem:s9+$0xFFFFFFF0] =	vst v10  }
0x1fa: {  	vm3 =	vmmov vm2;
	v9 =	vadd.f32 $0.0e+00, v58;
	v4 =	vld [tilespmem:s10+$0xFFFFFFF0];
	v14 =	vpop (erf);
	[tilespmem:s8+$0x0] =	vst v12;
	v12 =	vadd.f32 $0.0e+00, v21  }
0x1fb: {  	vm5 =	vmmov vm4;
	s11 =	simm.s32 $0x4;
	s12 =	simm.s32 $0x15500;
	v5 =	vld [tilespmem:s10+$0x0];
	v10 =	vadd.f32 $0.0e+00, v61;
	v11 =	vmul.f32 v14, v11;
	[tilespmem:s9+$0x0] =	vst v13  }
.LBB2_24:
0x1fc: {  	v13 =	vld [tilespmem:s12+$0xFFFFFC30];
	v3 =	vadd.f32 v3, v12;
	v6 =	vadd.f32 v6, v9;
	s8 =	sadd.s32 $0x40, s8  }
0x1fd: {  	s11 =	sadd.s32 $0x4, s11;
	s9 =	sadd.s32 $0x40, s9;
	v9 =	vld [tilespmem:s12+$0xFFFFFC00];
	v7 =	vadd.f32 v7, v10;
	[tilespmem:s8+$0x10] =	vst v11;
	v10 =	vpop (erf)  }
0x1fe: {  	p2 =	slt.u32 s11, $0x3C;
	v11 =	vld [tilespmem:s12+$0x30];
	v8 =	vsub.f32 v8, v3;
	[tilespmem:s9+$0x10] =	vst v2;
	v2 =	vpop (erf)  }
0x1ff: {  	v12 =	vld [tilespmem:s12+$0xFFFFFC10];
	v4 =	vsub.f32 v4, v6;
	v14 =	vpop (erf)  }
0x200: {  	v15 =	vld [tilespmem:s12+$0xFFFFFC20];
	v8 =	vmul.f32 v10, v8;
	v5 =	vsub.f32 v5, v7  }
0x201: {  	v10 =	vld [tilespmem:s12+$0x0];
	v13 =	vadd.f32 $0.0e+00, v13;
	v2 =	vmul.f32 v2, v4  }
0x202: {  	v4 =	vadd.f32 $0.0e+00, v9;
	v9 =	vld [tilespmem:s12+$0x10];
	[tilespmem:s8+$0xFFFFFFE0] =	vst v8;
	v5 =	vmul.f32 v14, v5  }
0x203: {  	s7 =	sadd.s32 $0x40, s7;
	v8 =	vld [tilespmem:s12+$0x20];
	v11 =	vadd.f32 v11, v13;
	[tilespmem:s9+$0xFFFFFFE0] =	vst v3  }
0x204: {  	v3 =	vadd.f32 $0.0e+00, v12;
	v12 =	vld [tilespmem:s7+$0xFFFFFC30];
	[tilespmem:s8+$0xFFFFFFF0] =	vst v2  }
0x205: {  	v2 =	vld [tilespmem:s7+$0xFFFFFC10];
	v13 =	vadd.f32 $0.0e+00, v15;
	(erf) = vrcp.f32 v11;
	[tilespmem:s9+$0xFFFFFFF0] =	vst v6  }
0x206: {  	v4 =	vadd.f32 v10, v4;
	v10 =	vld [tilespmem:s7+$0x30];
	[tilespmem:s8+$0x0] =	vst v5  }
0x207: {  	s10 =	sadd.s32 $0x40, s10;
	v3 =	vadd.f32 v9, v3;
	v5 =	vld [tilespmem:s7+$0xFFFFFC20];
	[tilespmem:s9+$0x0] =	vst v7  }
0x208: {  	v6 =	vadd.f32 v8, v13;
	v11 =	vld [tilespmem:s10+$0x10];
	(erf) = vrcp.f32 v4  }
0x209: {  	v4 =	vld [tilespmem:s7+$0xFFFFFC00];
	v7 =	vadd.f32 $0.0e+00, v12;
	(erf) = vrcp.f32 v3  }
0x20a: {  	v3 =	vld [tilespmem:s7+$0x0];
	v9 =	vadd.f32 $0.0e+00, v2;
	(erf) = vrcp.f32 v6  }
.Ltmp11:
0x20b: {  	v6 =	vld [tilespmem:s7+$0x10];
	v2 =	vadd.f32 v10, v7;
	(pc) =	sbr.rel @p2 .LBB2_24-.Ltmp11, $4  }
0x20c: {  	v10 =	vadd.f32 $0.0e+00, v5;
	v7 =	vld [tilespmem:s7+$0x20]  }
0x20d: {  	v8 =	vld [tilespmem:s10+$0xFFFFFFE0];
	v11 =	vsub.f32 v11, v2  }
0x20e: {  	v12 =	vadd.f32 $0.0e+00, v4;
	v4 =	vld [tilespmem:s10+$0xFFFFFFF0];
	v13 =	vpop (erf)  }
0x20f: {  	s12 =	sadd.s32 $0x40, s12;
	v5 =	vld [tilespmem:s10+$0x0];
	v11 =	vmul.f32 v13, v11  }
0x210: {  	v3 =	vadd.f32 v3, v12  }
0x211: {  	v6 =	vadd.f32 v6, v9  }
0x212: {  	v8 =	vsub.f32 v8, v3  }
0x213: {  	s7 =	sadd.s32 $0x40, s8;
	v9 =	vpop (erf);
	v4 =	vsub.f32 v4, v6  }
0x214: {  	s10 =	sadd.s32 $0x40, s9;
	v7 =	vadd.f32 v7, v10;
	[tilespmem:s7+$0x10] =	vst v11;
	v8 =	vmul.f32 v9, v8  }
0x215: {  	[tilespmem:s10+$0x10] =	vst v2;
	v2 =	vpop (erf)  }
0x216: {  	v5 =	vsub.f32 v5, v7;
	v2 =	vmul.f32 v2, v4;
	[tilespmem:s7+$0xFFFFFFE0] =	vst v8  }
0x217: {  	v4 =	vpop (erf);
	[tilespmem:s10+$0xFFFFFFE0] =	vst v3  }
0x218: {  	[tilespmem:s7+$0xFFFFFFF0] =	vst v2;
	v3 =	vmul.f32 v4, v5  }
0x219: {  	[tilespmem:s10+$0xFFFFFFF0] =	vst v6  }
0x21a: {  	[tilespmem:s7+$0x0] =	vst v3  }
0x21b: {  	[tilespmem:s10+$0x0] =	vst v7  }
0x21c: {  	_ =	swait.ge [sflag:s31], $0x2710  }
0x21d: {  	[sflag:s31] =	ssyncset.done $0x0  }
0x21e: {  	[sflag:s31] =	ssyncadd.s32 $0xFFFFD8F0  }
0x21f: {  	_ =	swait.ge [sflag:s31], $0x2710  }
0x220: {  	[sflag:s31] =	ssyncset.done $0x0  }
0x221: {  	s11 =	simm.s32 $0x9E20;
	[sflag:s31] =	ssyncadd.s32 $0xFFFFD8F0  }
0x222: {  	v2 =	vld [tilespmem:s11+$0x10]  }
0x223: {  	v3 =	vld [tilespmem:s11+$0xFFFFFFF0]  }
0x224: {  	v4 =	vld [tilespmem:s11+$0xFFFFFFE0]  }
0x225: {  	s12 =	simm.s32 $0x20;
	v5 =	vld [tilespmem:s11+$0x0]  }
0x226: {  	s14 =	simm.s32 $0x9E60;
	v8 =	vld [tilespmem:s12+$0x10]  }
0x227: {  	v6 =	vld [tilespmem:s14+$0x10]  }
0x228: {  	v11 =	vld [tilespmem:s14+$0xFFFFFFF0]  }
0x229: {  	v63 =	vld [tilespmem:s14+$0xFFFFFFE0]  }
0x22a: {  	v13 =	vld [tilespmem:s12+$0xFFFFFFE0]  }
0x22b: {  	v14 =	vld [tilespmem:s12+$0xFFFFFFF0]  }
0x22c: {  	v7 =	vld [tilespmem:s12+$0x0]  }
0x22d: {  	v2 =	vld.idx.msk [tilespmem:v2+s5+$0x0], $0xffff  }
0x22e: {  	v10 =	vld.idx.msk [tilespmem:v3+s5+$0x0], $0xffff  }
0x22f: {  	v9 =	vld.idx.msk [tilespmem:v4+s5+$0x0], $0xffff  }
0x230: {  	v3 =	vld [tilespmem:s14+$0x0]  }
0x231: {  	v4 =	vld.idx.msk [tilespmem:v5+s5+$0x0], $0xffff  }
0x232: {  	s8 =	simm.s32 $0x60;
	v6 =	vld.idx.msk [tilespmem:v6+s5+$0x0], $0xffff  }
0x233: {  	v2 =	vadd.f32 v2, v8;
	v8 =	vld [tilespmem:s8+$0x10]  }
0x234: {  	s7 =	simm.s32 $0x4F20;
	v5 =	vld.idx.msk [tilespmem:v11+s5+$0x0], $0xffff;
	v9 =	vadd.f32 v9, v13  }
0x235: {  	s9 =	simm.s32 $0x4;
	s10 =	simm.s32 $0x9EA0;
	v10 =	vadd.f32 v10, v14;
	[tilespmem:s7+$0x10] =	vst v2;
	v2 =	vld.idx.msk [tilespmem:v63+s5+$0x0], $0xffff  }
.LBB2_26:
0x236: {  	v11 =	vld [tilespmem:s10+$0x10];
	s9 =	sadd.s32 $0x4, s9;
	[tilespmem:s7+$0xFFFFFFE0] =	vst v9;
	v4 =	vadd.f32 v4, v7  }
0x237: {  	v9 =	vld [tilespmem:s10+$0xFFFFFFF0];
	p2 =	slt.u32 s9, $0x26C;
	[tilespmem:s7+$0xFFFFFFF0] =	vst v10  }
0x238: {  	v10 =	vld [tilespmem:s10+$0x0];
	v6 =	vadd.f32 v6, v8;
	[tilespmem:s7+$0x0] =	vst v4  }
0x239: {  	s7 =	sadd.s32 $0x40, s7;
	v12 =	vld [tilespmem:s10+$0xFFFFFFE0]  }
0x23a: {  	v13 =	vmov v5;
	v4 =	vld.idx.msk [tilespmem:v3+s5+$0x0], $0xffff;
	[tilespmem:s7+$0x10] =	vst v6  }
0x23b: {  	v14 =	vld [tilespmem:s8+$0xFFFFFFE0]  }
0x23c: {  	v15 =	vld [tilespmem:s8+$0xFFFFFFF0]  }
.Ltmp12:
0x23d: {  	v7 =	vld [tilespmem:s8+$0x0];
	v3 =	vmov v10;
	(pc) =	sbr.rel @p2 .LBB2_26-.Ltmp12, $4  }
0x23e: {  	s8 =	sadd.s32 $0x40, s8;
	v6 =	vld.idx.msk [tilespmem:v11+s5+$0x0], $0xffff  }
0x23f: {  	v8 =	vld [tilespmem:s8+$0x10]  }
0x240: {  	v5 =	vld.idx.msk [tilespmem:v9+s5+$0x0], $0xffff;
	v9 =	vadd.f32 v2, v14  }
0x241: {  	s10 =	sadd.s32 $0x40, s10;
	v2 =	vld.idx.msk [tilespmem:v12+s5+$0x0], $0xffff;
	v10 =	vadd.f32 v13, v15  }
0x242: {  	_ =	sdelay $0x3  }
0x243: {  	v3 =	vld.idx.msk [tilespmem:v3+s5+$0x0], $0xffff  }
0x244: {  	v11 =	vld [tilespmem:s8+$0xFFFFFFE0]  }
0x245: {  	v12 =	vld [tilespmem:s8+$0xFFFFFFF0]  }
0x246: {  	v13 =	vld [tilespmem:s8+$0x0]  }
0x247: {  	[tilespmem:s7+$0xFFFFFFE0] =	vst v9;
	v4 =	vadd.f32 v4, v7  }
0x248: {  	[tilespmem:s7+$0xFFFFFFF0] =	vst v10;
	v6 =	vadd.f32 v6, v8  }
0x249: {  	s8 =	sadd.s32 $0x40, s7;
	[tilespmem:s7+$0x0] =	vst v4;
	v2 =	vadd.f32 v2, v11  }
0x24a: {  	[tilespmem:s8+$0x10] =	vst v6;
	v4 =	vadd.f32 v5, v12  }
0x24b: {  	[tilespmem:s8+$0xFFFFFFE0] =	vst v2;
	v2 =	vadd.f32 v3, v13  }
0x24c: {  	[tilespmem:s8+$0xFFFFFFF0] =	vst v4  }
0x24d: {  	[tilespmem:s8+$0x0] =	vst v2  }
0x24e: {  	v2 =	vld [tilespmem:$0xC500];
	_ =	sdelay $0x6  }
0x24f: {  	v3 =	vld [tilespmem:$0x2700]  }
0x250: {  	v2 =	vld.idx.msk [tilespmem:v2+s5+$0x0], $0xffff;
	_ =	sdelay $0x4  }
0x251: {  	v2 =	vadd.f32 v2, v3;
	_ =	sdelay $0x1  }
0x252: {  	s7 =	rddreg [dreg:$0x17];
	[tilespmem:$0x7600] =	vst v2  }
0x253: {  	[hbm4b:s7+s1] =	stream.linear.scatter [tilespmem:s15], [sflag:$0x3], $0x2710, $0x38;
	[tilespmem:$0x16480] =	vst v63  }
0x254: {  	s9 =	rddreg [dreg:$0xb]  }
0x255: {  	[tilespmem:s1], [sflag:$0x1] =	stream.linear.gather [hbm4b:s9+s1], $0x2710, $0x38;
	[tilespmem:$0x16480] =	vst v63  }
0x256: {  	s10 =	rddreg [dreg:$0x15]  }
0x257: {  	[tilespmem:s0], [sflag:$0x1] =	stream.linear.gather [hbm4b:s10+s1], $0x2710, $0x38;
	[tilespmem:$0x16480] =	vst v63  }
0x258: {  	_ =	swait.ge [sflag:s22], $0x2710  }
0x259: {  	[sflag:s22] =	ssyncset.done $0x0  }
0x25a: {  	[sflag:s22] =	ssyncadd.s32 $0xFFFFD8F0  }
0x25b: {  	_ =	swait.ge [sflag:s22], $0x2710  }
0x25c: {  	[sflag:s22] =	ssyncset.done $0x0  }
0x25d: {  	s11 =	simm.s32 $0xC5A0;
	[sflag:s22] =	ssyncadd.s32 $0xFFFFD8F0  }
0x25e: {  	v2 =	vld [tilespmem:s11+$0x10]  }
0x25f: {  	v3 =	vld [tilespmem:s11+$0xFFFFFFF0]  }
0x260: {  	v4 =	vld [tilespmem:s11+$0xFFFFFFE0]  }
0x261: {  	s12 =	simm.s32 $0x27A0;
	v5 =	vld [tilespmem:s11+$0x0]  }
0x262: {  	s14 =	simm.s32 $0xC5E0;
	v8 =	vld [tilespmem:s12+$0x10]  }
0x263: {  	v6 =	vld [tilespmem:s14+$0x10]  }
0x264: {  	v11 =	vld [tilespmem:s14+$0xFFFFFFF0]  }
0x265: {  	v62 =	vld [tilespmem:s14+$0xFFFFFFE0]  }
0x266: {  	v63 =	vld [tilespmem:s12+$0xFFFFFFE0]  }
0x267: {  	v14 =	vld [tilespmem:s12+$0xFFFFFFF0]  }
0x268: {  	v7 =	vld [tilespmem:s12+$0x0]  }
0x269: {  	v2 =	vld.idx.msk [tilespmem:v2+s5+$0x0], $0xffff  }
0x26a: {  	v10 =	vld.idx.msk [tilespmem:v3+s5+$0x0], $0xffff  }
0x26b: {  	v9 =	vld.idx.msk [tilespmem:v4+s5+$0x0], $0xffff  }
0x26c: {  	v3 =	vld [tilespmem:s14+$0x0]  }
0x26d: {  	v4 =	vld.idx.msk [tilespmem:v5+s5+$0x0], $0xffff  }
0x26e: {  	s8 =	simm.s32 $0x27E0;
	v6 =	vld.idx.msk [tilespmem:v6+s5+$0x0], $0xffff  }
0x26f: {  	v2 =	vadd.f32 v2, v8;
	v8 =	vld [tilespmem:s8+$0x10]  }
0x270: {  	s7 =	simm.s32 $0x76A0;
	v5 =	vld.idx.msk [tilespmem:v11+s5+$0x0], $0xffff;
	v9 =	vadd.f32 v9, v63  }
0x271: {  	s9 =	simm.s32 $0x4;
	s10 =	simm.s32 $0xC620;
	v10 =	vadd.f32 v10, v14;
	[tilespmem:s7+$0x10] =	vst v2;
	v2 =	vld.idx.msk [tilespmem:v62+s5+$0x0], $0xffff  }
.LBB2_28:
0x272: {  	v11 =	vld [tilespmem:s10+$0x10];
	s9 =	sadd.s32 $0x4, s9;
	[tilespmem:s7+$0xFFFFFFE0] =	vst v9;
	v4 =	vadd.f32 v4, v7  }
0x273: {  	v9 =	vld [tilespmem:s10+$0xFFFFFFF0];
	p2 =	slt.u32 s9, $0x26C;
	[tilespmem:s7+$0xFFFFFFF0] =	vst v10  }
0x274: {  	v10 =	vld [tilespmem:s10+$0x0];
	v6 =	vadd.f32 v6, v8;
	[tilespmem:s7+$0x0] =	vst v4  }
0x275: {  	s7 =	sadd.s32 $0x40, s7;
	v12 =	vld [tilespmem:s10+$0xFFFFFFE0]  }
0x276: {  	v13 =	vmov v5;
	v4 =	vld.idx.msk [tilespmem:v3+s5+$0x0], $0xffff;
	[tilespmem:s7+$0x10] =	vst v6  }
0x277: {  	v14 =	vld [tilespmem:s8+$0xFFFFFFE0]  }
0x278: {  	v15 =	vld [tilespmem:s8+$0xFFFFFFF0]  }
.Ltmp13:
0x279: {  	v7 =	vld [tilespmem:s8+$0x0];
	v3 =	vmov v10;
	(pc) =	sbr.rel @p2 .LBB2_28-.Ltmp13, $4  }
0x27a: {  	s8 =	sadd.s32 $0x40, s8;
	v6 =	vld.idx.msk [tilespmem:v11+s5+$0x0], $0xffff  }
0x27b: {  	v8 =	vld [tilespmem:s8+$0x10]  }
0x27c: {  	v5 =	vld.idx.msk [tilespmem:v9+s5+$0x0], $0xffff;
	v9 =	vadd.f32 v2, v14  }
0x27d: {  	s10 =	sadd.s32 $0x40, s10;
	v2 =	vld.idx.msk [tilespmem:v12+s5+$0x0], $0xffff;
	v10 =	vadd.f32 v13, v15  }
0x27e: {  	_ =	sdelay $0x3  }
0x27f: {  	v3 =	vld.idx.msk [tilespmem:v3+s5+$0x0], $0xffff  }
0x280: {  	v11 =	vld [tilespmem:s8+$0xFFFFFFE0]  }
0x281: {  	v12 =	vld [tilespmem:s8+$0xFFFFFFF0]  }
0x282: {  	v13 =	vld [tilespmem:s8+$0x0]  }
0x283: {  	[tilespmem:s7+$0xFFFFFFE0] =	vst v9;
	v4 =	vadd.f32 v4, v7  }
0x284: {  	[tilespmem:s7+$0xFFFFFFF0] =	vst v10;
	v6 =	vadd.f32 v6, v8  }
0x285: {  	s8 =	sadd.s32 $0x40, s7;
	[tilespmem:s7+$0x0] =	vst v4;
	v2 =	vadd.f32 v2, v11  }
0x286: {  	[tilespmem:s8+$0x10] =	vst v6;
	v4 =	vadd.f32 v5, v12  }
0x287: {  	[tilespmem:s8+$0xFFFFFFE0] =	vst v2;
	v2 =	vadd.f32 v3, v13  }
0x288: {  	[tilespmem:s8+$0xFFFFFFF0] =	vst v4  }
0x289: {  	[tilespmem:s8+$0x0] =	vst v2  }
0x28a: {  	v2 =	vld [tilespmem:$0xEC80];
	_ =	sdelay $0x6  }
0x28b: {  	v3 =	vld [tilespmem:$0x4E80]  }
0x28c: {  	v2 =	vld.idx.msk [tilespmem:v2+s5+$0x0], $0xffff;
	_ =	sdelay $0x4  }
0x28d: {  	v2 =	vadd.f32 v2, v3;
	_ =	sdelay $0x1  }
0x28e: {  	s7 =	rddreg [dreg:$0x18];
	[tilespmem:$0x9D80] =	vst v2  }
0x28f: {  	[hbm4b:s7+s1] =	stream.linear.scatter [tilespmem:s28], [sflag:$0x4], $0x2710, $0x38;
	[tilespmem:$0x16480] =	vst v63  }
0x290: {  	s9 =	rddreg [dreg:$0xc]  }
0x291: {  	[tilespmem:s26], [sflag:$0x2] =	stream.linear.gather [hbm4b:s9+s1], $0x2710, $0x38;
	[tilespmem:$0x16480] =	vst v63  }
0x292: {  	s10 =	rddreg [dreg:$0x16]  }
0x293: {  	[tilespmem:s29], [sflag:$0x2] =	stream.linear.gather [hbm4b:s10+s1], $0x2710, $0x38;
	[tilespmem:$0x16480] =	vst v63  }
0x294: {  	_ =	swait.ge [sflag:s31], $0x2710  }
0x295: {  	[sflag:s31] =	ssyncset.done $0x0  }
0x296: {  	[sflag:s31] =	ssyncadd.s32 $0xFFFFD8F0  }
0x297: {  	_ =	swait.ge [sflag:s31], $0x2710  }
0x298: {  	[sflag:s31] =	ssyncset.done $0x0  }
0x299: {  	[sflag:s31] =	ssyncadd.s32 $0xFFFFD8F0  }
0x29a: {  	_ =	swait.ge [sflag:s23], $0x2710  }
0x29b: {  	[sflag:s23] =	ssyncset.done $0x0  }
0x29c: {  	s11 =	simm.s32 $0x9E20;
	[sflag:s23] =	ssyncadd.s32 $0xFFFFD8F0  }
0x29d: {  	v2 =	vld [tilespmem:s11+$0x10]  }
0x29e: {  	v3 =	vld [tilespmem:s11+$0xFFFFFFF0]  }
0x29f: {  	v4 =	vld [tilespmem:s11+$0xFFFFFFE0]  }
0x2a0: {  	s12 =	simm.s32 $0x20;
	v5 =	vld [tilespmem:s11+$0x0]  }
0x2a1: {  	s14 =	simm.s32 $0x9E60;
	v8 =	vld [tilespmem:s12+$0x10]  }
0x2a2: {  	v6 =	vld [tilespmem:s14+$0x10]  }
0x2a3: {  	v11 =	vld [tilespmem:s14+$0xFFFFFFF0]  }
0x2a4: {  	v62 =	vld [tilespmem:s14+$0xFFFFFFE0]  }
0x2a5: {  	v63 =	vld [tilespmem:s12+$0xFFFFFFE0]  }
0x2a6: {  	v14 =	vld [tilespmem:s12+$0xFFFFFFF0]  }
0x2a7: {  	v7 =	vld [tilespmem:s12+$0x0]  }
0x2a8: {  	v2 =	vld.idx.msk [tilespmem:v2+s5+$0x0], $0xffff  }
0x2a9: {  	v10 =	vld.idx.msk [tilespmem:v3+s5+$0x0], $0xffff  }
0x2aa: {  	v9 =	vld.idx.msk [tilespmem:v4+s5+$0x0], $0xffff  }
0x2ab: {  	v3 =	vld [tilespmem:s14+$0x0]  }
0x2ac: {  	v4 =	vld.idx.msk [tilespmem:v5+s5+$0x0], $0xffff  }
0x2ad: {  	s8 =	simm.s32 $0x60;
	v6 =	vld.idx.msk [tilespmem:v6+s5+$0x0], $0xffff  }
0x2ae: {  	v2 =	vadd.f32 v2, v8;
	v8 =	vld [tilespmem:s8+$0x10]  }
0x2af: {  	s7 =	simm.s32 $0x4F20;
	v5 =	vld.idx.msk [tilespmem:v11+s5+$0x0], $0xffff;
	v9 =	vadd.f32 v9, v63  }
0x2b0: {  	s9 =	simm.s32 $0x4;
	s10 =	simm.s32 $0x9EA0;
	v10 =	vadd.f32 v10, v14;
	[tilespmem:s7+$0x10] =	vst v2;
	v2 =	vld.idx.msk [tilespmem:v62+s5+$0x0], $0xffff  }
.LBB2_30:
0x2b1: {  	v11 =	vld [tilespmem:s10+$0x10];
	s9 =	sadd.s32 $0x4, s9;
	[tilespmem:s7+$0xFFFFFFE0] =	vst v9;
	v4 =	vadd.f32 v4, v7  }
0x2b2: {  	v9 =	vld [tilespmem:s10+$0xFFFFFFF0];
	p2 =	slt.u32 s9, $0x26C;
	[tilespmem:s7+$0xFFFFFFF0] =	vst v10  }
0x2b3: {  	v10 =	vld [tilespmem:s10+$0x0];
	v6 =	vadd.f32 v6, v8;
	[tilespmem:s7+$0x0] =	vst v4  }
0x2b4: {  	s7 =	sadd.s32 $0x40, s7;
	v12 =	vld [tilespmem:s10+$0xFFFFFFE0]  }
0x2b5: {  	v13 =	vmov v5;
	v4 =	vld.idx.msk [tilespmem:v3+s5+$0x0], $0xffff;
	[tilespmem:s7+$0x10] =	vst v6  }
0x2b6: {  	v14 =	vld [tilespmem:s8+$0xFFFFFFE0]  }
0x2b7: {  	v15 =	vld [tilespmem:s8+$0xFFFFFFF0]  }
.Ltmp14:
0x2b8: {  	v7 =	vld [tilespmem:s8+$0x0];
	v3 =	vmov v10;
	(pc) =	sbr.rel @p2 .LBB2_30-.Ltmp14, $4  }
0x2b9: {  	s8 =	sadd.s32 $0x40, s8;
	v6 =	vld.idx.msk [tilespmem:v11+s5+$0x0], $0xffff  }
0x2ba: {  	v8 =	vld [tilespmem:s8+$0x10]  }
0x2bb: {  	v5 =	vld.idx.msk [tilespmem:v9+s5+$0x0], $0xffff;
	v9 =	vadd.f32 v2, v14  }
0x2bc: {  	s10 =	sadd.s32 $0x40, s10;
	v2 =	vld.idx.msk [tilespmem:v12+s5+$0x0], $0xffff;
	v10 =	vadd.f32 v13, v15  }
0x2bd: {  	_ =	sdelay $0x3  }
0x2be: {  	v3 =	vld.idx.msk [tilespmem:v3+s5+$0x0], $0xffff  }
0x2bf: {  	v11 =	vld [tilespmem:s8+$0xFFFFFFE0]  }
0x2c0: {  	v12 =	vld [tilespmem:s8+$0xFFFFFFF0]  }
0x2c1: {  	v13 =	vld [tilespmem:s8+$0x0]  }
0x2c2: {  	[tilespmem:s7+$0xFFFFFFE0] =	vst v9;
	v4 =	vadd.f32 v4, v7  }
0x2c3: {  	[tilespmem:s7+$0xFFFFFFF0] =	vst v10;
	v6 =	vadd.f32 v6, v8  }
0x2c4: {  	s9 =	sadd.s32 $0x40, s7;
	[tilespmem:s7+$0x0] =	vst v4;
	v2 =	vadd.f32 v2, v11  }
0x2c5: {  	[tilespmem:s9+$0x10] =	vst v6;
	v4 =	vadd.f32 v5, v12  }
0x2c6: {  	[tilespmem:s9+$0xFFFFFFE0] =	vst v2;
	v2 =	vadd.f32 v3, v13  }
0x2c7: {  	[tilespmem:s9+$0xFFFFFFF0] =	vst v4  }
0x2c8: {  	[tilespmem:s9+$0x0] =	vst v2  }
0x2c9: {  	v2 =	vld [tilespmem:$0xC500];
	_ =	sdelay $0x6  }
0x2ca: {  	v3 =	vld [tilespmem:$0x2700]  }
0x2cb: {  	v2 =	vld.idx.msk [tilespmem:v2+s5+$0x0], $0xffff;
	_ =	sdelay $0x4  }
0x2cc: {  	v2 =	vadd.f32 v2, v3;
	_ =	sdelay $0x1  }
0x2cd: {  	s7 =	rddreg [dreg:$0x19];
	[tilespmem:$0x7600] =	vst v2  }
0x2ce: {  	[hbm4b:s7+s1] =	stream.linear.scatter [tilespmem:s15], [sflag:$0x3], $0x2710, $0x38;
	[tilespmem:$0x16480] =	vst v63  }
0x2cf: {  	s10 =	rddreg [dreg:$0xd]  }
0x2d0: {  	[tilespmem:s1], [sflag:$0x1] =	stream.linear.gather [hbm4b:s10+s1], $0x2710, $0x38;
	[tilespmem:$0x16480] =	vst v63  }
0x2d1: {  	_ = 	snop  }
0x2d2: {  	[tilespmem:s0], [sflag:$0x1] =	stream.linear.gather [hbm4b:s16+s1], $0x2710, $0x38;
	[tilespmem:$0x16480] =	vst v63  }
0x2d3: {  	_ =	swait.ge [sflag:s22], $0x2710  }
0x2d4: {  	[sflag:s22] =	ssyncset.done $0x0  }
0x2d5: {  	[sflag:s22] =	ssyncadd.s32 $0xFFFFD8F0  }
0x2d6: {  	_ =	swait.ge [sflag:s22], $0x2710  }
0x2d7: {  	[sflag:s22] =	ssyncset.done $0x0  }
0x2d8: {  	[sflag:s22] =	ssyncadd.s32 $0xFFFFD8F0  }
0x2d9: {  	_ =	swait.ge [sflag:s2], $0x2710  }
0x2da: {  	[sflag:s2] =	ssyncset.done $0x0  }
0x2db: {  	s11 =	simm.s32 $0xC5A0;
	[sflag:s2] =	ssyncadd.s32 $0xFFFFD8F0  }
0x2dc: {  	v2 =	vld [tilespmem:s11+$0x10]  }
0x2dd: {  	v3 =	vld [tilespmem:s11+$0xFFFFFFF0]  }
0x2de: {  	v4 =	vld [tilespmem:s11+$0xFFFFFFE0]  }
0x2df: {  	s12 =	simm.s32 $0x27A0;
	v5 =	vld [tilespmem:s11+$0x0]  }
0x2e0: {  	s14 =	simm.s32 $0xC5E0;
	v8 =	vld [tilespmem:s12+$0x10]  }
0x2e1: {  	v6 =	vld [tilespmem:s14+$0x10]  }
0x2e2: {  	v11 =	vld [tilespmem:s14+$0xFFFFFFF0]  }
0x2e3: {  	v62 =	vld [tilespmem:s14+$0xFFFFFFE0]  }
0x2e4: {  	v63 =	vld [tilespmem:s12+$0xFFFFFFE0]  }
0x2e5: {  	v14 =	vld [tilespmem:s12+$0xFFFFFFF0]  }
0x2e6: {  	v7 =	vld [tilespmem:s12+$0x0]  }
0x2e7: {  	v2 =	vld.idx.msk [tilespmem:v2+s5+$0x0], $0xffff  }
0x2e8: {  	v10 =	vld.idx.msk [tilespmem:v3+s5+$0x0], $0xffff  }
0x2e9: {  	v9 =	vld.idx.msk [tilespmem:v4+s5+$0x0], $0xffff  }
0x2ea: {  	v3 =	vld [tilespmem:s14+$0x0]  }
0x2eb: {  	v4 =	vld.idx.msk [tilespmem:v5+s5+$0x0], $0xffff  }
0x2ec: {  	s8 =	simm.s32 $0x27E0;
	v6 =	vld.idx.msk [tilespmem:v6+s5+$0x0], $0xffff  }
0x2ed: {  	v2 =	vadd.f32 v2, v8;
	v8 =	vld [tilespmem:s8+$0x10]  }
0x2ee: {  	s7 =	simm.s32 $0x76A0;
	v5 =	vld.idx.msk [tilespmem:v11+s5+$0x0], $0xffff;
	v9 =	vadd.f32 v9, v63  }
0x2ef: {  	s9 =	simm.s32 $0x4;
	s10 =	simm.s32 $0xC620;
	v10 =	vadd.f32 v10, v14;
	[tilespmem:s7+$0x10] =	vst v2;
	v2 =	vld.idx.msk [tilespmem:v62+s5+$0x0], $0xffff  }
.LBB2_32:
0x2f0: {  	v11 =	vld [tilespmem:s10+$0x10];
	s9 =	sadd.s32 $0x4, s9;
	[tilespmem:s7+$0xFFFFFFE0] =	vst v9;
	v4 =	vadd.f32 v4, v7  }
0x2f1: {  	v9 =	vld [tilespmem:s10+$0xFFFFFFF0];
	p2 =	slt.u32 s9, $0x26C;
	[tilespmem:s7+$0xFFFFFFF0] =	vst v10  }
0x2f2: {  	v10 =	vld [tilespmem:s10+$0x0];
	v6 =	vadd.f32 v6, v8;
	[tilespmem:s7+$0x0] =	vst v4  }
0x2f3: {  	s7 =	sadd.s32 $0x40, s7;
	v12 =	vld [tilespmem:s10+$0xFFFFFFE0]  }
0x2f4: {  	v13 =	vmov v5;
	v4 =	vld.idx.msk [tilespmem:v3+s5+$0x0], $0xffff;
	[tilespmem:s7+$0x10] =	vst v6  }
0x2f5: {  	v14 =	vld [tilespmem:s8+$0xFFFFFFE0]  }
0x2f6: {  	v15 =	vld [tilespmem:s8+$0xFFFFFFF0]  }
.Ltmp15:
0x2f7: {  	v7 =	vld [tilespmem:s8+$0x0];
	v3 =	vmov v10;
	(pc) =	sbr.rel @p2 .LBB2_32-.Ltmp15, $4  }
0x2f8: {  	s8 =	sadd.s32 $0x40, s8;
	v6 =	vld.idx.msk [tilespmem:v11+s5+$0x0], $0xffff  }
0x2f9: {  	v8 =	vld [tilespmem:s8+$0x10]  }
0x2fa: {  	v5 =	vld.idx.msk [tilespmem:v9+s5+$0x0], $0xffff;
	v9 =	vadd.f32 v2, v14  }
0x2fb: {  	s10 =	sadd.s32 $0x40, s10;
	v2 =	vld.idx.msk [tilespmem:v12+s5+$0x0], $0xffff;
	v10 =	vadd.f32 v13, v15  }
0x2fc: {  	_ =	sdelay $0x3  }
0x2fd: {  	v3 =	vld.idx.msk [tilespmem:v3+s5+$0x0], $0xffff  }
0x2fe: {  	v11 =	vld [tilespmem:s8+$0xFFFFFFE0]  }
0x2ff: {  	v12 =	vld [tilespmem:s8+$0xFFFFFFF0]  }
0x300: {  	v13 =	vld [tilespmem:s8+$0x0]  }
0x301: {  	[tilespmem:s7+$0xFFFFFFE0] =	vst v9;
	v4 =	vadd.f32 v4, v7  }
0x302: {  	[tilespmem:s7+$0xFFFFFFF0] =	vst v10;
	v6 =	vadd.f32 v6, v8  }
0x303: {  	s9 =	sadd.s32 $0x40, s7;
	[tilespmem:s7+$0x0] =	vst v4;
	v2 =	vadd.f32 v2, v11  }
0x304: {  	[tilespmem:s9+$0x10] =	vst v6;
	v4 =	vadd.f32 v5, v12  }
0x305: {  	[tilespmem:s9+$0xFFFFFFE0] =	vst v2;
	v2 =	vadd.f32 v3, v13  }
0x306: {  	[tilespmem:s9+$0xFFFFFFF0] =	vst v4  }
0x307: {  	[tilespmem:s9+$0x0] =	vst v2  }
0x308: {  	v2 =	vld [tilespmem:$0xEC80];
	_ =	sdelay $0x6  }
0x309: {  	v3 =	vld [tilespmem:$0x4E80]  }
0x30a: {  	v2 =	vld.idx.msk [tilespmem:v2+s5+$0x0], $0xffff;
	_ =	sdelay $0x4  }
0x30b: {  	v2 =	vadd.f32 v2, v3;
	_ =	sdelay $0x1  }
0x30c: {  	s7 =	rddreg [dreg:$0x1a];
	[tilespmem:$0x9D80] =	vst v2  }
0x30d: {  	[hbm4b:s7+s1] =	stream.linear.scatter [tilespmem:s28], [sflag:$0x4], $0x2710, $0x38;
	[tilespmem:$0x16480] =	vst v63  }
0x30e: {  	s10 =	rddreg [dreg:$0xe]  }
0x30f: {  	[tilespmem:s26], [sflag:$0x2] =	stream.linear.gather [hbm4b:s10+s1], $0x2710, $0x38;
	[tilespmem:$0x16480] =	vst v63  }
0x310: {  	_ = 	snop  }
0x311: {  	[tilespmem:s29], [sflag:$0x2] =	stream.linear.gather [hbm4b:s17+s1], $0x2710, $0x38;
	[tilespmem:$0x16480] =	vst v63  }
0x312: {  	_ =	swait.ge [sflag:s31], $0x2710  }
0x313: {  	[sflag:s31] =	ssyncset.done $0x0  }
0x314: {  	[sflag:s31] =	ssyncadd.s32 $0xFFFFD8F0  }
0x315: {  	_ =	swait.ge [sflag:s31], $0x2710  }
0x316: {  	[sflag:s31] =	ssyncset.done $0x0  }
0x317: {  	[sflag:s31] =	ssyncadd.s32 $0xFFFFD8F0  }
0x318: {  	_ =	swait.ge [sflag:s23], $0x2710  }
0x319: {  	[sflag:s23] =	ssyncset.done $0x0  }
0x31a: {  	s11 =	simm.s32 $0x9E20;
	[sflag:s23] =	ssyncadd.s32 $0xFFFFD8F0  }
0x31b: {  	v2 =	vld [tilespmem:s11+$0x10]  }
0x31c: {  	v3 =	vld [tilespmem:s11+$0xFFFFFFF0]  }
0x31d: {  	v4 =	vld [tilespmem:s11+$0xFFFFFFE0]  }
0x31e: {  	s12 =	simm.s32 $0x20;
	v5 =	vld [tilespmem:s11+$0x0]  }
0x31f: {  	s14 =	simm.s32 $0x9E60;
	v8 =	vld [tilespmem:s12+$0x10]  }
0x320: {  	v6 =	vld [tilespmem:s14+$0x10]  }
0x321: {  	v11 =	vld [tilespmem:s14+$0xFFFFFFF0]  }
0x322: {  	v62 =	vld [tilespmem:s14+$0xFFFFFFE0]  }
0x323: {  	v63 =	vld [tilespmem:s12+$0xFFFFFFE0]  }
0x324: {  	v14 =	vld [tilespmem:s12+$0xFFFFFFF0]  }
0x325: {  	v7 =	vld [tilespmem:s12+$0x0]  }
0x326: {  	v2 =	vld.idx.msk [tilespmem:v2+s5+$0x0], $0xffff  }
0x327: {  	v10 =	vld.idx.msk [tilespmem:v3+s5+$0x0], $0xffff  }
0x328: {  	v9 =	vld.idx.msk [tilespmem:v4+s5+$0x0], $0xffff  }
0x329: {  	v3 =	vld [tilespmem:s14+$0x0]  }
0x32a: {  	v4 =	vld.idx.msk [tilespmem:v5+s5+$0x0], $0xffff  }
0x32b: {  	s8 =	simm.s32 $0x60;
	v6 =	vld.idx.msk [tilespmem:v6+s5+$0x0], $0xffff  }
0x32c: {  	v2 =	vadd.f32 v2, v8;
	v8 =	vld [tilespmem:s8+$0x10]  }
0x32d: {  	s7 =	simm.s32 $0x4F20;
	v5 =	vld.idx.msk [tilespmem:v11+s5+$0x0], $0xffff;
	v9 =	vadd.f32 v9, v63  }
0x32e: {  	s9 =	simm.s32 $0x4;
	s10 =	simm.s32 $0x9EA0;
	v10 =	vadd.f32 v10, v14;
	[tilespmem:s7+$0x10] =	vst v2;
	v2 =	vld.idx.msk [tilespmem:v62+s5+$0x0], $0xffff  }
.LBB2_34:
0x32f: {  	v11 =	vld [tilespmem:s10+$0x10];
	s9 =	sadd.s32 $0x4, s9;
	[tilespmem:s7+$0xFFFFFFE0] =	vst v9;
	v4 =	vadd.f32 v4, v7  }
0x330: {  	v9 =	vld [tilespmem:s10+$0xFFFFFFF0];
	p2 =	slt.u32 s9, $0x26C;
	[tilespmem:s7+$0xFFFFFFF0] =	vst v10  }
0x331: {  	v10 =	vld [tilespmem:s10+$0x0];
	v6 =	vadd.f32 v6, v8;
	[tilespmem:s7+$0x0] =	vst v4  }
0x332: {  	s7 =	sadd.s32 $0x40, s7;
	v12 =	vld [tilespmem:s10+$0xFFFFFFE0]  }
0x333: {  	v13 =	vmov v5;
	v4 =	vld.idx.msk [tilespmem:v3+s5+$0x0], $0xffff;
	[tilespmem:s7+$0x10] =	vst v6  }
0x334: {  	v14 =	vld [tilespmem:s8+$0xFFFFFFE0]  }
0x335: {  	v15 =	vld [tilespmem:s8+$0xFFFFFFF0]  }
.Ltmp16:
0x336: {  	v7 =	vld [tilespmem:s8+$0x0];
	v3 =	vmov v10;
	(pc) =	sbr.rel @p2 .LBB2_34-.Ltmp16, $4  }
0x337: {  	s8 =	sadd.s32 $0x40, s8;
	v6 =	vld.idx.msk [tilespmem:v11+s5+$0x0], $0xffff  }
0x338: {  	v8 =	vld [tilespmem:s8+$0x10]  }
0x339: {  	v5 =	vld.idx.msk [tilespmem:v9+s5+$0x0], $0xffff;
	v9 =	vadd.f32 v2, v14  }
0x33a: {  	s10 =	sadd.s32 $0x40, s10;
	v2 =	vld.idx.msk [tilespmem:v12+s5+$0x0], $0xffff;
	v10 =	vadd.f32 v13, v15  }
0x33b: {  	_ =	sdelay $0x3  }
0x33c: {  	v3 =	vld.idx.msk [tilespmem:v3+s5+$0x0], $0xffff  }
0x33d: {  	v11 =	vld [tilespmem:s8+$0xFFFFFFE0]  }
0x33e: {  	v12 =	vld [tilespmem:s8+$0xFFFFFFF0]  }
0x33f: {  	v13 =	vld [tilespmem:s8+$0x0]  }
0x340: {  	[tilespmem:s7+$0xFFFFFFE0] =	vst v9;
	v4 =	vadd.f32 v4, v7  }
0x341: {  	[tilespmem:s7+$0xFFFFFFF0] =	vst v10;
	v6 =	vadd.f32 v6, v8  }
0x342: {  	s9 =	sadd.s32 $0x40, s7;
	[tilespmem:s7+$0x0] =	vst v4;
	v2 =	vadd.f32 v2, v11  }
0x343: {  	[tilespmem:s9+$0x10] =	vst v6;
	v4 =	vadd.f32 v5, v12  }
0x344: {  	[tilespmem:s9+$0xFFFFFFE0] =	vst v2;
	v2 =	vadd.f32 v3, v13  }
0x345: {  	[tilespmem:s9+$0xFFFFFFF0] =	vst v4  }
0x346: {  	[tilespmem:s9+$0x0] =	vst v2  }
0x347: {  	v2 =	vld [tilespmem:$0xC500];
	_ =	sdelay $0x6  }
0x348: {  	v3 =	vld [tilespmem:$0x2700]  }
0x349: {  	v2 =	vld.idx.msk [tilespmem:v2+s5+$0x0], $0xffff;
	_ =	sdelay $0x4  }
0x34a: {  	v2 =	vadd.f32 v2, v3;
	_ =	sdelay $0x1  }
0x34b: {  	s7 =	rddreg [dreg:$0x1b];
	[tilespmem:$0x7600] =	vst v2  }
0x34c: {  	[hbm4b:s7+s1] =	stream.linear.scatter [tilespmem:s15], [sflag:$0x3], $0x2710, $0x38;
	[tilespmem:$0x16480] =	vst v63  }
0x34d: {  	s10 =	rddreg [dreg:$0xf]  }
0x34e: {  	[tilespmem:s1], [sflag:$0x1] =	stream.linear.gather [hbm4b:s10+s1], $0x2710, $0x38;
	[tilespmem:$0x16480] =	vst v63  }
0x34f: {  	_ = 	snop  }
0x350: {  	[tilespmem:s0], [sflag:$0x1] =	stream.linear.gather [hbm4b:s18+s1], $0x2710, $0x38;
	[tilespmem:$0x16480] =	vst v63  }
0x351: {  	_ =	swait.ge [sflag:s22], $0x2710  }
0x352: {  	[sflag:s22] =	ssyncset.done $0x0  }
0x353: {  	[sflag:s22] =	ssyncadd.s32 $0xFFFFD8F0  }
0x354: {  	_ =	swait.ge [sflag:s22], $0x2710  }
0x355: {  	[sflag:s22] =	ssyncset.done $0x0  }
0x356: {  	[sflag:s22] =	ssyncadd.s32 $0xFFFFD8F0  }
0x357: {  	_ =	swait.ge [sflag:s2], $0x2710  }
0x358: {  	[sflag:s2] =	ssyncset.done $0x0  }
0x359: {  	s11 =	simm.s32 $0xC5A0;
	[sflag:s2] =	ssyncadd.s32 $0xFFFFD8F0  }
0x35a: {  	v2 =	vld [tilespmem:s11+$0x10]  }
0x35b: {  	v3 =	vld [tilespmem:s11+$0xFFFFFFF0]  }
0x35c: {  	v4 =	vld [tilespmem:s11+$0xFFFFFFE0]  }
0x35d: {  	s12 =	simm.s32 $0x27A0;
	v5 =	vld [tilespmem:s11+$0x0]  }
0x35e: {  	s14 =	simm.s32 $0xC5E0;
	v8 =	vld [tilespmem:s12+$0x10]  }
0x35f: {  	v6 =	vld [tilespmem:s14+$0x10]  }
0x360: {  	v11 =	vld [tilespmem:s14+$0xFFFFFFF0]  }
0x361: {  	v62 =	vld [tilespmem:s14+$0xFFFFFFE0]  }
0x362: {  	v63 =	vld [tilespmem:s12+$0xFFFFFFE0]  }
0x363: {  	v14 =	vld [tilespmem:s12+$0xFFFFFFF0]  }
0x364: {  	v7 =	vld [tilespmem:s12+$0x0]  }
0x365: {  	v2 =	vld.idx.msk [tilespmem:v2+s5+$0x0], $0xffff  }
0x366: {  	v10 =	vld.idx.msk [tilespmem:v3+s5+$0x0], $0xffff  }
0x367: {  	v9 =	vld.idx.msk [tilespmem:v4+s5+$0x0], $0xffff  }
0x368: {  	v3 =	vld [tilespmem:s14+$0x0]  }
0x369: {  	v4 =	vld.idx.msk [tilespmem:v5+s5+$0x0], $0xffff  }
0x36a: {  	s8 =	simm.s32 $0x27E0;
	v6 =	vld.idx.msk [tilespmem:v6+s5+$0x0], $0xffff  }
0x36b: {  	v2 =	vadd.f32 v2, v8;
	v8 =	vld [tilespmem:s8+$0x10]  }
0x36c: {  	s7 =	simm.s32 $0x76A0;
	v5 =	vld.idx.msk [tilespmem:v11+s5+$0x0], $0xffff;
	v9 =	vadd.f32 v9, v63  }
0x36d: {  	s9 =	simm.s32 $0x4;
	s10 =	simm.s32 $0xC620;
	v10 =	vadd.f32 v10, v14;
	[tilespmem:s7+$0x10] =	vst v2;
	v2 =	vld.idx.msk [tilespmem:v62+s5+$0x0], $0xffff  }
.LBB2_36:
0x36e: {  	v11 =	vld [tilespmem:s10+$0x10];
	s9 =	sadd.s32 $0x4, s9;
	[tilespmem:s7+$0xFFFFFFE0] =	vst v9;
	v4 =	vadd.f32 v4, v7  }
0x36f: {  	v9 =	vld [tilespmem:s10+$0xFFFFFFF0];
	p2 =	slt.u32 s9, $0x26C;
	[tilespmem:s7+$0xFFFFFFF0] =	vst v10  }
0x370: {  	v10 =	vld [tilespmem:s10+$0x0];
	v6 =	vadd.f32 v6, v8;
	[tilespmem:s7+$0x0] =	vst v4  }
0x371: {  	s7 =	sadd.s32 $0x40, s7;
	v12 =	vld [tilespmem:s10+$0xFFFFFFE0]  }
0x372: {  	v13 =	vmov v5;
	v4 =	vld.idx.msk [tilespmem:v3+s5+$0x0], $0xffff;
	[tilespmem:s7+$0x10] =	vst v6  }
0x373: {  	v14 =	vld [tilespmem:s8+$0xFFFFFFE0]  }
0x374: {  	v15 =	vld [tilespmem:s8+$0xFFFFFFF0]  }
.Ltmp17:
0x375: {  	v7 =	vld [tilespmem:s8+$0x0];
	v3 =	vmov v10;
	(pc) =	sbr.rel @p2 .LBB2_36-.Ltmp17, $4  }
0x376: {  	s8 =	sadd.s32 $0x40, s8;
	v6 =	vld.idx.msk [tilespmem:v11+s5+$0x0], $0xffff  }
0x377: {  	v8 =	vld [tilespmem:s8+$0x10]  }
0x378: {  	v5 =	vld.idx.msk [tilespmem:v9+s5+$0x0], $0xffff;
	v9 =	vadd.f32 v2, v14  }
0x379: {  	s10 =	sadd.s32 $0x40, s10;
	v2 =	vld.idx.msk [tilespmem:v12+s5+$0x0], $0xffff;
	v10 =	vadd.f32 v13, v15  }
0x37a: {  	_ =	sdelay $0x3  }
0x37b: {  	v3 =	vld.idx.msk [tilespmem:v3+s5+$0x0], $0xffff  }
0x37c: {  	v11 =	vld [tilespmem:s8+$0xFFFFFFE0]  }
0x37d: {  	v12 =	vld [tilespmem:s8+$0xFFFFFFF0]  }
0x37e: {  	v13 =	vld [tilespmem:s8+$0x0]  }
0x37f: {  	[tilespmem:s7+$0xFFFFFFE0] =	vst v9;
	v4 =	vadd.f32 v4, v7  }
0x380: {  	[tilespmem:s7+$0xFFFFFFF0] =	vst v10;
	v6 =	vadd.f32 v6, v8  }
0x381: {  	s9 =	sadd.s32 $0x40, s7;
	[tilespmem:s7+$0x0] =	vst v4;
	v2 =	vadd.f32 v2, v11  }
0x382: {  	[tilespmem:s9+$0x10] =	vst v6;
	v4 =	vadd.f32 v5, v12  }
0x383: {  	[tilespmem:s9+$0xFFFFFFE0] =	vst v2;
	v2 =	vadd.f32 v3, v13  }
0x384: {  	[tilespmem:s9+$0xFFFFFFF0] =	vst v4  }
0x385: {  	[tilespmem:s9+$0x0] =	vst v2  }
0x386: {  	v2 =	vld [tilespmem:$0xEC80];
	_ =	sdelay $0x6  }
0x387: {  	v3 =	vld [tilespmem:$0x4E80]  }
0x388: {  	v2 =	vld.idx.msk [tilespmem:v2+s5+$0x0], $0xffff;
	_ =	sdelay $0x4  }
0x389: {  	v2 =	vadd.f32 v2, v3;
	_ =	sdelay $0x1  }
0x38a: {  	s7 =	rddreg [dreg:$0x1c];
	[tilespmem:$0x9D80] =	vst v2  }
0x38b: {  	[hbm4b:s7+s1] =	stream.linear.scatter [tilespmem:s28], [sflag:$0x4], $0x2710, $0x38;
	[tilespmem:$0x16480] =	vst v63  }
0x38c: {  	s10 =	rddreg [dreg:$0x10]  }
0x38d: {  	[tilespmem:s26], [sflag:$0x2] =	stream.linear.gather [hbm4b:s10+s1], $0x2710, $0x38;
	[tilespmem:$0x16480] =	vst v63  }
0x38e: {  	_ = 	snop  }
0x38f: {  	[tilespmem:s29], [sflag:$0x2] =	stream.linear.gather [hbm4b:s19+s1], $0x2710, $0x38;
	[tilespmem:$0x16480] =	vst v63  }
0x390: {  	_ =	swait.ge [sflag:s31], $0x2710  }
0x391: {  	[sflag:s31] =	ssyncset.done $0x0  }
0x392: {  	[sflag:s31] =	ssyncadd.s32 $0xFFFFD8F0  }
0x393: {  	_ =	swait.ge [sflag:s31], $0x2710  }
0x394: {  	[sflag:s31] =	ssyncset.done $0x0  }
0x395: {  	[sflag:s31] =	ssyncadd.s32 $0xFFFFD8F0  }
0x396: {  	_ =	swait.ge [sflag:s23], $0x2710  }
0x397: {  	[sflag:s23] =	ssyncset.done $0x0  }
0x398: {  	s11 =	simm.s32 $0x9E20;
	[sflag:s23] =	ssyncadd.s32 $0xFFFFD8F0  }
0x399: {  	v2 =	vld [tilespmem:s11+$0x10]  }
0x39a: {  	v3 =	vld [tilespmem:s11+$0xFFFFFFF0]  }
0x39b: {  	v4 =	vld [tilespmem:s11+$0xFFFFFFE0]  }
0x39c: {  	s12 =	simm.s32 $0x20;
	v5 =	vld [tilespmem:s11+$0x0]  }
0x39d: {  	s14 =	simm.s32 $0x9E60;
	v8 =	vld [tilespmem:s12+$0x10]  }
0x39e: {  	v6 =	vld [tilespmem:s14+$0x10]  }
0x39f: {  	v11 =	vld [tilespmem:s14+$0xFFFFFFF0]  }
0x3a0: {  	v62 =	vld [tilespmem:s14+$0xFFFFFFE0]  }
0x3a1: {  	v63 =	vld [tilespmem:s12+$0xFFFFFFE0]  }
0x3a2: {  	v14 =	vld [tilespmem:s12+$0xFFFFFFF0]  }
0x3a3: {  	v7 =	vld [tilespmem:s12+$0x0]  }
0x3a4: {  	v2 =	vld.idx.msk [tilespmem:v2+s5+$0x0], $0xffff  }
0x3a5: {  	v10 =	vld.idx.msk [tilespmem:v3+s5+$0x0], $0xffff  }
0x3a6: {  	v9 =	vld.idx.msk [tilespmem:v4+s5+$0x0], $0xffff  }
0x3a7: {  	v3 =	vld [tilespmem:s14+$0x0]  }
0x3a8: {  	v4 =	vld.idx.msk [tilespmem:v5+s5+$0x0], $0xffff  }
0x3a9: {  	s8 =	simm.s32 $0x60;
	v6 =	vld.idx.msk [tilespmem:v6+s5+$0x0], $0xffff  }
0x3aa: {  	v2 =	vadd.f32 v2, v8;
	v8 =	vld [tilespmem:s8+$0x10]  }
0x3ab: {  	s7 =	simm.s32 $0x4F20;
	v5 =	vld.idx.msk [tilespmem:v11+s5+$0x0], $0xffff;
	v9 =	vadd.f32 v9, v63  }
0x3ac: {  	s9 =	simm.s32 $0x4;
	s10 =	simm.s32 $0x9EA0;
	v10 =	vadd.f32 v10, v14;
	[tilespmem:s7+$0x10] =	vst v2;
	v2 =	vld.idx.msk [tilespmem:v62+s5+$0x0], $0xffff  }
.LBB2_38:
0x3ad: {  	v11 =	vld [tilespmem:s10+$0x10];
	s9 =	sadd.s32 $0x4, s9;
	[tilespmem:s7+$0xFFFFFFE0] =	vst v9;
	v4 =	vadd.f32 v4, v7  }
0x3ae: {  	v9 =	vld [tilespmem:s10+$0xFFFFFFF0];
	p2 =	slt.u32 s9, $0x26C;
	[tilespmem:s7+$0xFFFFFFF0] =	vst v10  }
0x3af: {  	v10 =	vld [tilespmem:s10+$0x0];
	v6 =	vadd.f32 v6, v8;
	[tilespmem:s7+$0x0] =	vst v4  }
0x3b0: {  	s7 =	sadd.s32 $0x40, s7;
	v12 =	vld [tilespmem:s10+$0xFFFFFFE0]  }
0x3b1: {  	v13 =	vmov v5;
	v4 =	vld.idx.msk [tilespmem:v3+s5+$0x0], $0xffff;
	[tilespmem:s7+$0x10] =	vst v6  }
0x3b2: {  	v14 =	vld [tilespmem:s8+$0xFFFFFFE0]  }
0x3b3: {  	v15 =	vld [tilespmem:s8+$0xFFFFFFF0]  }
.Ltmp18:
0x3b4: {  	v7 =	vld [tilespmem:s8+$0x0];
	v3 =	vmov v10;
	(pc) =	sbr.rel @p2 .LBB2_38-.Ltmp18, $4  }
0x3b5: {  	s8 =	sadd.s32 $0x40, s8;
	v6 =	vld.idx.msk [tilespmem:v11+s5+$0x0], $0xffff  }
0x3b6: {  	v8 =	vld [tilespmem:s8+$0x10]  }
0x3b7: {  	v5 =	vld.idx.msk [tilespmem:v9+s5+$0x0], $0xffff;
	v9 =	vadd.f32 v2, v14  }
0x3b8: {  	s10 =	sadd.s32 $0x40, s10;
	v2 =	vld.idx.msk [tilespmem:v12+s5+$0x0], $0xffff;
	v10 =	vadd.f32 v13, v15  }
0x3b9: {  	_ =	sdelay $0x3  }
0x3ba: {  	v3 =	vld.idx.msk [tilespmem:v3+s5+$0x0], $0xffff  }
0x3bb: {  	v11 =	vld [tilespmem:s8+$0xFFFFFFE0]  }
0x3bc: {  	v12 =	vld [tilespmem:s8+$0xFFFFFFF0]  }
0x3bd: {  	v13 =	vld [tilespmem:s8+$0x0]  }
0x3be: {  	[tilespmem:s7+$0xFFFFFFE0] =	vst v9;
	v4 =	vadd.f32 v4, v7  }
0x3bf: {  	[tilespmem:s7+$0xFFFFFFF0] =	vst v10;
	v6 =	vadd.f32 v6, v8  }
0x3c0: {  	s9 =	sadd.s32 $0x40, s7;
	[tilespmem:s7+$0x0] =	vst v4;
	v2 =	vadd.f32 v2, v11  }
0x3c1: {  	[tilespmem:s9+$0x10] =	vst v6;
	v4 =	vadd.f32 v5, v12  }
0x3c2: {  	[tilespmem:s9+$0xFFFFFFE0] =	vst v2;
	v2 =	vadd.f32 v3, v13  }
0x3c3: {  	[tilespmem:s9+$0xFFFFFFF0] =	vst v4  }
0x3c4: {  	[tilespmem:s9+$0x0] =	vst v2  }
0x3c5: {  	v2 =	vld [tilespmem:$0xC500];
	_ =	sdelay $0x6  }
0x3c6: {  	v3 =	vld [tilespmem:$0x2700]  }
0x3c7: {  	v2 =	vld.idx.msk [tilespmem:v2+s5+$0x0], $0xffff;
	_ =	sdelay $0x4  }
0x3c8: {  	v2 =	vadd.f32 v2, v3;
	_ =	sdelay $0x1  }
0x3c9: {  	s7 =	rddreg [dreg:$0x1d];
	[tilespmem:$0x7600] =	vst v2  }
0x3ca: {  	[hbm4b:s7+s1] =	stream.linear.scatter [tilespmem:s15], [sflag:$0x3], $0x2710, $0x38;
	[tilespmem:$0x16480] =	vst v63  }
0x3cb: {  	s10 =	rddreg [dreg:$0x11]  }
0x3cc: {  	[tilespmem:s1], [sflag:$0x1] =	stream.linear.gather [hbm4b:s10+s1], $0x2710, $0x38;
	[tilespmem:$0x16480] =	vst v63  }
0x3cd: {  	_ = 	snop  }
0x3ce: {  	[tilespmem:s0], [sflag:$0x1] =	stream.linear.gather [hbm4b:s20+s1], $0x2710, $0x38;
	[tilespmem:$0x16480] =	vst v63  }
0x3cf: {  	_ =	swait.ge [sflag:s22], $0x2710  }
0x3d0: {  	[sflag:s22] =	ssyncset.done $0x0  }
0x3d1: {  	[sflag:s22] =	ssyncadd.s32 $0xFFFFD8F0  }
0x3d2: {  	_ =	swait.ge [sflag:s22], $0x2710  }
0x3d3: {  	[sflag:s22] =	ssyncset.done $0x0  }
0x3d4: {  	[sflag:s22] =	ssyncadd.s32 $0xFFFFD8F0  }
0x3d5: {  	_ =	swait.ge [sflag:s2], $0x2710  }
0x3d6: {  	[sflag:s2] =	ssyncset.done $0x0  }
0x3d7: {  	s11 =	simm.s32 $0xC5A0;
	[sflag:s2] =	ssyncadd.s32 $0xFFFFD8F0  }
0x3d8: {  	v2 =	vld [tilespmem:s11+$0x10]  }
0x3d9: {  	v3 =	vld [tilespmem:s11+$0xFFFFFFF0]  }
0x3da: {  	v4 =	vld [tilespmem:s11+$0xFFFFFFE0]  }
0x3db: {  	s12 =	simm.s32 $0x27A0;
	v5 =	vld [tilespmem:s11+$0x0]  }
0x3dc: {  	s14 =	simm.s32 $0xC5E0;
	v8 =	vld [tilespmem:s12+$0x10]  }
0x3dd: {  	v6 =	vld [tilespmem:s14+$0x10]  }
0x3de: {  	v11 =	vld [tilespmem:s14+$0xFFFFFFF0]  }
0x3df: {  	v62 =	vld [tilespmem:s14+$0xFFFFFFE0]  }
0x3e0: {  	v63 =	vld [tilespmem:s12+$0xFFFFFFE0]  }
0x3e1: {  	v14 =	vld [tilespmem:s12+$0xFFFFFFF0]  }
0x3e2: {  	v7 =	vld [tilespmem:s12+$0x0]  }
0x3e3: {  	v2 =	vld.idx.msk [tilespmem:v2+s5+$0x0], $0xffff  }
0x3e4: {  	v10 =	vld.idx.msk [tilespmem:v3+s5+$0x0], $0xffff  }
0x3e5: {  	v9 =	vld.idx.msk [tilespmem:v4+s5+$0x0], $0xffff  }
0x3e6: {  	v3 =	vld [tilespmem:s14+$0x0]  }
0x3e7: {  	v4 =	vld.idx.msk [tilespmem:v5+s5+$0x0], $0xffff  }
0x3e8: {  	s8 =	simm.s32 $0x27E0;
	v6 =	vld.idx.msk [tilespmem:v6+s5+$0x0], $0xffff  }
0x3e9: {  	v2 =	vadd.f32 v2, v8;
	v8 =	vld [tilespmem:s8+$0x10]  }
0x3ea: {  	s7 =	simm.s32 $0x76A0;
	v5 =	vld.idx.msk [tilespmem:v11+s5+$0x0], $0xffff;
	v9 =	vadd.f32 v9, v63  }
0x3eb: {  	s9 =	simm.s32 $0x4;
	s10 =	simm.s32 $0xC620;
	v10 =	vadd.f32 v10, v14;
	[tilespmem:s7+$0x10] =	vst v2;
	v2 =	vld.idx.msk [tilespmem:v62+s5+$0x0], $0xffff  }
.LBB2_40:
0x3ec: {  	v11 =	vld [tilespmem:s10+$0x10];
	s9 =	sadd.s32 $0x4, s9;
	[tilespmem:s7+$0xFFFFFFE0] =	vst v9;
	v4 =	vadd.f32 v4, v7  }
0x3ed: {  	v9 =	vld [tilespmem:s10+$0xFFFFFFF0];
	p2 =	slt.u32 s9, $0x26C;
	[tilespmem:s7+$0xFFFFFFF0] =	vst v10  }
0x3ee: {  	v10 =	vld [tilespmem:s10+$0x0];
	v6 =	vadd.f32 v6, v8;
	[tilespmem:s7+$0x0] =	vst v4  }
0x3ef: {  	s7 =	sadd.s32 $0x40, s7;
	v12 =	vld [tilespmem:s10+$0xFFFFFFE0]  }
0x3f0: {  	v13 =	vmov v5;
	v4 =	vld.idx.msk [tilespmem:v3+s5+$0x0], $0xffff;
	[tilespmem:s7+$0x10] =	vst v6  }
0x3f1: {  	v14 =	vld [tilespmem:s8+$0xFFFFFFE0]  }
0x3f2: {  	v15 =	vld [tilespmem:s8+$0xFFFFFFF0]  }
.Ltmp19:
0x3f3: {  	v7 =	vld [tilespmem:s8+$0x0];
	v3 =	vmov v10;
	(pc) =	sbr.rel @p2 .LBB2_40-.Ltmp19, $4  }
0x3f4: {  	s8 =	sadd.s32 $0x40, s8;
	v6 =	vld.idx.msk [tilespmem:v11+s5+$0x0], $0xffff  }
0x3f5: {  	v8 =	vld [tilespmem:s8+$0x10]  }
0x3f6: {  	v5 =	vld.idx.msk [tilespmem:v9+s5+$0x0], $0xffff;
	v9 =	vadd.f32 v2, v14  }
0x3f7: {  	s10 =	sadd.s32 $0x40, s10;
	v2 =	vld.idx.msk [tilespmem:v12+s5+$0x0], $0xffff;
	v10 =	vadd.f32 v13, v15  }
0x3f8: {  	_ =	sdelay $0x3  }
0x3f9: {  	v3 =	vld.idx.msk [tilespmem:v3+s5+$0x0], $0xffff  }
0x3fa: {  	v11 =	vld [tilespmem:s8+$0xFFFFFFE0]  }
0x3fb: {  	v12 =	vld [tilespmem:s8+$0xFFFFFFF0]  }
0x3fc: {  	v13 =	vld [tilespmem:s8+$0x0]  }
0x3fd: {  	[tilespmem:s7+$0xFFFFFFE0] =	vst v9;
	v4 =	vadd.f32 v4, v7  }
0x3fe: {  	[tilespmem:s7+$0xFFFFFFF0] =	vst v10;
	v6 =	vadd.f32 v6, v8  }
0x3ff: {  	s9 =	sadd.s32 $0x40, s7;
	[tilespmem:s7+$0x0] =	vst v4;
	v2 =	vadd.f32 v2, v11  }
0x400: {  	[tilespmem:s9+$0x10] =	vst v6;
	v4 =	vadd.f32 v5, v12  }
0x401: {  	[tilespmem:s9+$0xFFFFFFE0] =	vst v2;
	v2 =	vadd.f32 v3, v13  }
0x402: {  	[tilespmem:s9+$0xFFFFFFF0] =	vst v4  }
0x403: {  	[tilespmem:s9+$0x0] =	vst v2  }
0x404: {  	v2 =	vld [tilespmem:$0xEC80];
	_ =	sdelay $0x6  }
0x405: {  	v3 =	vld [tilespmem:$0x4E80]  }
0x406: {  	v2 =	vld.idx.msk [tilespmem:v2+s5+$0x0], $0xffff;
	_ =	sdelay $0x4  }
0x407: {  	v2 =	vadd.f32 v2, v3;
	_ =	sdelay $0x1  }
0x408: {  	s7 =	rddreg [dreg:$0x1e];
	[tilespmem:$0x9D80] =	vst v2  }
0x409: {  	[hbm4b:s7+s1] =	stream.linear.scatter [tilespmem:s28], [sflag:$0x4], $0x2710, $0x38;
	[tilespmem:$0x16480] =	vst v63  }
0x40a: {  	s10 =	rddreg [dreg:$0x12]  }
0x40b: {  	[tilespmem:s26], [sflag:$0x2] =	stream.linear.gather [hbm4b:s10+s1], $0x2710, $0x38;
	[tilespmem:$0x16480] =	vst v63  }
0x40c: {  	_ = 	snop  }
0x40d: {  	[tilespmem:s29], [sflag:$0x2] =	stream.linear.gather [hbm4b:s21+s1], $0x2710, $0x38;
	[tilespmem:$0x16480] =	vst v63  }
0x40e: {  	_ =	swait.ge [sflag:s31], $0x2710  }
0x40f: {  	[sflag:s31] =	ssyncset.done $0x0  }
0x410: {  	[sflag:s31] =	ssyncadd.s32 $0xFFFFD8F0  }
0x411: {  	_ =	swait.ge [sflag:s31], $0x2710  }
0x412: {  	[sflag:s31] =	ssyncset.done $0x0  }
0x413: {  	[sflag:s31] =	ssyncadd.s32 $0xFFFFD8F0  }
0x414: {  	_ =	swait.ge [sflag:s23], $0x2710  }
0x415: {  	[sflag:s23] =	ssyncset.done $0x0  }
0x416: {  	s11 =	simm.s32 $0x9E20;
	[sflag:s23] =	ssyncadd.s32 $0xFFFFD8F0  }
0x417: {  	v2 =	vld [tilespmem:s11+$0x10]  }
0x418: {  	v3 =	vld [tilespmem:s11+$0xFFFFFFF0]  }
0x419: {  	v4 =	vld [tilespmem:s11+$0xFFFFFFE0]  }
0x41a: {  	s12 =	simm.s32 $0x20;
	v5 =	vld [tilespmem:s11+$0x0]  }
0x41b: {  	s14 =	simm.s32 $0x9E60;
	v8 =	vld [tilespmem:s12+$0x10]  }
0x41c: {  	v6 =	vld [tilespmem:s14+$0x10]  }
0x41d: {  	v11 =	vld [tilespmem:s14+$0xFFFFFFF0]  }
0x41e: {  	v62 =	vld [tilespmem:s14+$0xFFFFFFE0]  }
0x41f: {  	v63 =	vld [tilespmem:s12+$0xFFFFFFE0]  }
0x420: {  	v14 =	vld [tilespmem:s12+$0xFFFFFFF0]  }
0x421: {  	v7 =	vld [tilespmem:s12+$0x0]  }
0x422: {  	v2 =	vld.idx.msk [tilespmem:v2+s5+$0x0], $0xffff  }
0x423: {  	v10 =	vld.idx.msk [tilespmem:v3+s5+$0x0], $0xffff  }
0x424: {  	v9 =	vld.idx.msk [tilespmem:v4+s5+$0x0], $0xffff  }
0x425: {  	v3 =	vld [tilespmem:s14+$0x0]  }
0x426: {  	v4 =	vld.idx.msk [tilespmem:v5+s5+$0x0], $0xffff  }
0x427: {  	s8 =	simm.s32 $0x60;
	v6 =	vld.idx.msk [tilespmem:v6+s5+$0x0], $0xffff  }
0x428: {  	v2 =	vadd.f32 v2, v8;
	v8 =	vld [tilespmem:s8+$0x10]  }
0x429: {  	s7 =	simm.s32 $0x4F20;
	v5 =	vld.idx.msk [tilespmem:v11+s5+$0x0], $0xffff;
	v9 =	vadd.f32 v9, v63  }
0x42a: {  	s9 =	simm.s32 $0x4;
	s10 =	simm.s32 $0x9EA0;
	v10 =	vadd.f32 v10, v14;
	[tilespmem:s7+$0x10] =	vst v2;
	v2 =	vld.idx.msk [tilespmem:v62+s5+$0x0], $0xffff  }
.LBB2_42:
0x42b: {  	v11 =	vld [tilespmem:s10+$0x10];
	s9 =	sadd.s32 $0x4, s9;
	[tilespmem:s7+$0xFFFFFFE0] =	vst v9;
	v4 =	vadd.f32 v4, v7  }
0x42c: {  	v9 =	vld [tilespmem:s10+$0xFFFFFFF0];
	p2 =	slt.u32 s9, $0x26C;
	[tilespmem:s7+$0xFFFFFFF0] =	vst v10  }
0x42d: {  	v10 =	vld [tilespmem:s10+$0x0];
	v6 =	vadd.f32 v6, v8;
	[tilespmem:s7+$0x0] =	vst v4  }
0x42e: {  	s7 =	sadd.s32 $0x40, s7;
	v12 =	vld [tilespmem:s10+$0xFFFFFFE0]  }
0x42f: {  	v13 =	vmov v5;
	v4 =	vld.idx.msk [tilespmem:v3+s5+$0x0], $0xffff;
	[tilespmem:s7+$0x10] =	vst v6  }
0x430: {  	v14 =	vld [tilespmem:s8+$0xFFFFFFE0]  }
0x431: {  	v15 =	vld [tilespmem:s8+$0xFFFFFFF0]  }
.Ltmp20:
0x432: {  	v7 =	vld [tilespmem:s8+$0x0];
	v3 =	vmov v10;
	(pc) =	sbr.rel @p2 .LBB2_42-.Ltmp20, $4  }
0x433: {  	s8 =	sadd.s32 $0x40, s8;
	v6 =	vld.idx.msk [tilespmem:v11+s5+$0x0], $0xffff  }
0x434: {  	v8 =	vld [tilespmem:s8+$0x10]  }
0x435: {  	v5 =	vld.idx.msk [tilespmem:v9+s5+$0x0], $0xffff;
	v9 =	vadd.f32 v2, v14  }
0x436: {  	s10 =	sadd.s32 $0x40, s10;
	v2 =	vld.idx.msk [tilespmem:v12+s5+$0x0], $0xffff;
	v10 =	vadd.f32 v13, v15  }
0x437: {  	_ =	sdelay $0x3  }
0x438: {  	v3 =	vld.idx.msk [tilespmem:v3+s5+$0x0], $0xffff  }
0x439: {  	v11 =	vld [tilespmem:s8+$0xFFFFFFE0]  }
0x43a: {  	v12 =	vld [tilespmem:s8+$0xFFFFFFF0]  }
0x43b: {  	v13 =	vld [tilespmem:s8+$0x0]  }
0x43c: {  	[tilespmem:s7+$0xFFFFFFE0] =	vst v9;
	v4 =	vadd.f32 v4, v7  }
0x43d: {  	[tilespmem:s7+$0xFFFFFFF0] =	vst v10;
	v6 =	vadd.f32 v6, v8  }
0x43e: {  	s11 =	sadd.s32 $0x40, s7;
	[tilespmem:s7+$0x0] =	vst v4;
	v2 =	vadd.f32 v2, v11  }
0x43f: {  	[tilespmem:s11+$0x10] =	vst v6;
	v4 =	vadd.f32 v5, v12  }
0x440: {  	[tilespmem:s11+$0xFFFFFFE0] =	vst v2;
	v2 =	vadd.f32 v3, v13  }
0x441: {  	[tilespmem:s11+$0xFFFFFFF0] =	vst v4  }
0x442: {  	[tilespmem:s11+$0x0] =	vst v2  }
0x443: {  	v2 =	vld [tilespmem:$0xC500];
	_ =	sdelay $0x6  }
0x444: {  	v3 =	vld [tilespmem:$0x2700]  }
0x445: {  	v2 =	vld.idx.msk [tilespmem:v2+s5+$0x0], $0xffff;
	_ =	sdelay $0x4  }
0x446: {  	v2 =	vadd.f32 v2, v3;
	_ =	sdelay $0x1  }
0x447: {  	s7 =	rddreg [dreg:$0x1f];
	[tilespmem:$0x7600] =	vst v2  }
0x448: {  	[hbm4b:s7+s1] =	stream.linear.scatter [tilespmem:s15], [sflag:$0x3], $0x2710, $0x38;
	[tilespmem:$0x16480] =	vst v63  }
0x449: {  	_ =	swait.ge [sflag:s22], $0x2710  }
0x44a: {  	[sflag:s22] =	ssyncset.done $0x0  }
0x44b: {  	[sflag:s22] =	ssyncadd.s32 $0xFFFFD8F0  }
0x44c: {  	_ =	swait.ge [sflag:s22], $0x2710  }
0x44d: {  	[sflag:s22] =	ssyncset.done $0x0  }
0x44e: {  	[sflag:s22] =	ssyncadd.s32 $0xFFFFD8F0  }
0x44f: {  	_ =	swait.ge [sflag:s2], $0x2710  }
0x450: {  	[sflag:s2] =	ssyncset.done $0x0  }
0x451: {  	s12 =	simm.s32 $0xC5A0;
	[sflag:s2] =	ssyncadd.s32 $0xFFFFD8F0  }
0x452: {  	v2 =	vld [tilespmem:s12+$0x10]  }
0x453: {  	v3 =	vld [tilespmem:s12+$0xFFFFFFF0]  }
0x454: {  	v4 =	vld [tilespmem:s12+$0xFFFFFFE0]  }
0x455: {  	s14 =	simm.s32 $0x27A0;
	v5 =	vld [tilespmem:s12+$0x0]  }
0x456: {  	s15 =	simm.s32 $0xC5E0;
	v8 =	vld [tilespmem:s14+$0x10]  }
0x457: {  	v6 =	vld [tilespmem:s15+$0x10]  }
0x458: {  	v11 =	vld [tilespmem:s15+$0xFFFFFFF0]  }
0x459: {  	v62 =	vld [tilespmem:s15+$0xFFFFFFE0]  }
0x45a: {  	v63 =	vld [tilespmem:s14+$0xFFFFFFE0]  }
0x45b: {  	v14 =	vld [tilespmem:s14+$0xFFFFFFF0]  }
0x45c: {  	v7 =	vld [tilespmem:s14+$0x0]  }
0x45d: {  	v2 =	vld.idx.msk [tilespmem:v2+s5+$0x0], $0xffff  }
0x45e: {  	v10 =	vld.idx.msk [tilespmem:v3+s5+$0x0], $0xffff  }
0x45f: {  	v9 =	vld.idx.msk [tilespmem:v4+s5+$0x0], $0xffff  }
0x460: {  	v3 =	vld [tilespmem:s15+$0x0]  }
0x461: {  	v4 =	vld.idx.msk [tilespmem:v5+s5+$0x0], $0xffff  }
0x462: {  	s8 =	simm.s32 $0x27E0;
	v6 =	vld.idx.msk [tilespmem:v6+s5+$0x0], $0xffff  }
0x463: {  	v2 =	vadd.f32 v2, v8;
	v8 =	vld [tilespmem:s8+$0x10]  }
0x464: {  	s7 =	simm.s32 $0x76A0;
	v5 =	vld.idx.msk [tilespmem:v11+s5+$0x0], $0xffff;
	v9 =	vadd.f32 v9, v63  }
0x465: {  	s9 =	simm.s32 $0x4;
	s10 =	simm.s32 $0xC620;
	v10 =	vadd.f32 v10, v14;
	[tilespmem:s7+$0x10] =	vst v2;
	v2 =	vld.idx.msk [tilespmem:v62+s5+$0x0], $0xffff  }
.LBB2_44:
0x466: {  	v11 =	vld [tilespmem:s10+$0x10];
	s9 =	sadd.s32 $0x4, s9;
	[tilespmem:s7+$0xFFFFFFE0] =	vst v9;
	v4 =	vadd.f32 v4, v7  }
0x467: {  	v9 =	vld [tilespmem:s10+$0xFFFFFFF0];
	p2 =	slt.u32 s9, $0x26C;
	[tilespmem:s7+$0xFFFFFFF0] =	vst v10  }
0x468: {  	v10 =	vld [tilespmem:s10+$0x0];
	v6 =	vadd.f32 v6, v8;
	[tilespmem:s7+$0x0] =	vst v4  }
0x469: {  	s7 =	sadd.s32 $0x40, s7;
	v12 =	vld [tilespmem:s10+$0xFFFFFFE0]  }
0x46a: {  	v13 =	vmov v5;
	v4 =	vld.idx.msk [tilespmem:v3+s5+$0x0], $0xffff;
	[tilespmem:s7+$0x10] =	vst v6  }
0x46b: {  	v14 =	vld [tilespmem:s8+$0xFFFFFFE0]  }
0x46c: {  	v15 =	vld [tilespmem:s8+$0xFFFFFFF0]  }
.Ltmp21:
0x46d: {  	v7 =	vld [tilespmem:s8+$0x0];
	v3 =	vmov v10;
	(pc) =	sbr.rel @p2 .LBB2_44-.Ltmp21, $4  }
0x46e: {  	s8 =	sadd.s32 $0x40, s8;
	v6 =	vld.idx.msk [tilespmem:v11+s5+$0x0], $0xffff  }
0x46f: {  	v8 =	vld [tilespmem:s8+$0x10]  }
0x470: {  	v5 =	vld.idx.msk [tilespmem:v9+s5+$0x0], $0xffff;
	v9 =	vadd.f32 v2, v14  }
0x471: {  	s10 =	sadd.s32 $0x40, s10;
	v2 =	vld.idx.msk [tilespmem:v12+s5+$0x0], $0xffff;
	v10 =	vadd.f32 v13, v15  }
0x472: {  	_ =	sdelay $0x3  }
0x473: {  	v3 =	vld.idx.msk [tilespmem:v3+s5+$0x0], $0xffff  }
0x474: {  	v11 =	vld [tilespmem:s8+$0xFFFFFFE0]  }
0x475: {  	v12 =	vld [tilespmem:s8+$0xFFFFFFF0]  }
0x476: {  	v13 =	vld [tilespmem:s8+$0x0]  }
0x477: {  	[tilespmem:s7+$0xFFFFFFE0] =	vst v9;
	v4 =	vadd.f32 v4, v7  }
0x478: {  	[tilespmem:s7+$0xFFFFFFF0] =	vst v10;
	v6 =	vadd.f32 v6, v8  }
0x479: {  	s15 =	sadd.s32 $0x40, s7;
	[tilespmem:s7+$0x0] =	vst v4;
	v2 =	vadd.f32 v2, v11  }
0x47a: {  	[tilespmem:s15+$0x10] =	vst v6;
	v63 =	vadd.f32 v5, v12  }
0x47b: {  	[tilespmem:s15+$0xFFFFFFE0] =	vst v2;
	v2 =	vadd.f32 v3, v13  }
0x47c: {  	[tilespmem:s15+$0xFFFFFFF0] =	vst v63  }
0x47d: {  	[tilespmem:s15+$0x0] =	vst v2  }
0x47e: {  	v2 =	vld [tilespmem:$0xEC80];
	_ =	sdelay $0x6  }
0x47f: {  	v3 =	vld [tilespmem:$0x4E80]  }
0x480: {  	v2 =	vld.idx.msk [tilespmem:v2+s5+$0x0], $0xffff;
	_ =	sdelay $0x4  }
0x481: {  	s7 =	sld [smem:$0x7F6];
	v2 =	vadd.f32 v2, v3;
	_ =	sdelay $0x1  }
0x482: {  	[tilespmem:$0x9D80] =	vst v2  }
0x483: {  	[hbm4b:s7+s1] =	stream.linear.scatter [tilespmem:s28], [sflag:$0x4], $0x2710, $0x38;
	[tilespmem:$0x16480] =	vst v63  }
0x484: {  	_ =	swait.ge [sflag:s23], $0x2710  }
0x485: {  	[sflag:s23] =	ssyncset.done $0x0  }
0x486: {  	[sflag:s23] =	ssyncadd.s32 $0xFFFFD8F0  }
0x487: {  	_ =	swait.ge [sflag:s2], $0x2710  }
0x488: {  	[sflag:s2] =	ssyncset.done $0x0  }
0x489: {  	[sflag:s2] =	ssyncadd.s32 $0xFFFFD8F0  }
0x48a: {  	s8 =	simm.s32 @!p0 $0x16080;
	s7 =	simm.s32 @!p0 $0x0;
	s9 =	rddreg [dreg:$0x4]  }
0x48b: {  	[hbm4b:s9+s7] =	stream.linear.scatter @!p0 [tilespmem:s8], [sflag:$0x7], $0x400, $0x38;
	[tilespmem:$0x16480] =	vst v63  }
0x48c: {  	s7 =	simm.s32 @!p0 $0x7  }
0x48d: {  	_ =	swait.ge @!p0 [sflag:s7], $0x400  }
0x48e: {  	s3 =	sld [smem:$0x7FC];
	_ =	sdelay $0x1  }
0x48f: {  	s6 =	sadd.s32 $0x1, s6  }
0x490: {  	p2 =	sne.s32 s6, s3  }
.Ltmp22:
0x491: {  	_ = 	snop;
	(pc) =	sbr.rel @p2 .LBB2_1-.Ltmp22, $3  }
0x492: {  	_ =	sdelay $0x1  }
0x493: {  	[sflag:s7] =	ssyncset.done @!p0 $0x0  }
0x494: {  	[sflag:s7] =	ssyncadd.s32 @!p0 $0xFFFFFC00  }
0x495: {  	_ =	sfence.sel $0x180000  }
0x496: {  	[bflag:$0x0] =	sbarrier.arrive $0xFFFF  }
0x497: {  	_ =	strace $0x90000047  }
0x498: {  	[bflag:$0x2] =	sbarrier.arrive $0xFFFF  }
0x499: {  	s0 =	rddreg [dreg:$0x8]  }
0x49a: {  	s0 =	sadd.s32 @!p1 $0x100000, s0  }
0x49b: {  	[sflag:s0] =	ssyncadd.tile.s32 @!p1 $0x1;
	_ =	shalt  }
.Lfunc_end2:
_tile_overlayer_lowered:
.L_overlay_start_2:
0x49c: {  	(tag) =	ssettag $0x2  }
0x49d: {  	s0 =	rddreg [dreg:$0x0];
	s2 =	stileid.u32  }
0x49e: {  	s1 =	rddreg [dreg:$0x1];
	p0 =	sne.s32 s2, $0x0  }
0x49f: {  	s3 =	rddreg [dreg:$0x2];
	[bflag:$0x3] =	sbarrier.arrive $0xFFFF;
	s2 =	simm.s32 @!p0 $0x1C07  }
0x4a0: {  	[timem:s3], [sflag:s2] =	dma.local @!p0 [hbm:s0], s1  }
0x4a1: {  	s0 =	simm.s32 @!p0 $0x7  }
0x4a2: {  	_ =	swait.ge @!p0 [sflag:s0], s1  }
0x4a3: {  	s1 =	ssub.s32 @!p0 $0x0, s1;
	[sflag:s0] =	ssyncset.done @!p0 $0x0  }
0x4a4: {  	[sflag:s0] =	ssyncadd.s32 @!p0 s1  }
0x4a5: {  	[bflag:$0x3] =	sbarrier.arrive $0xFFFF  }
0x4a6: {  	_ =	shalt  }

</sc_bundles>
